<compile_context>
chip_gen: v7x
topology: tpu7x:2x2x1
jax: 0.10.2.dev20260603
libtpu: 0.0.44.dev20260713+nightly
codegen_flags: <defaults>
</compile_context>

<pallas_src>
import functools

import jax
import jax.numpy as jnp
from jax import lax
from jax.experimental import pallas as pl
from jax.experimental.pallas import tpu as pltpu
from jax.experimental.pallas import tpu_sc as plsc

N = 10000
D_IN = 128
D_HID = 32
D_OUT = 4
E = 320000

NSUB = 16
NCORE = 2
NWORK = NSUB * NCORE
ROWS_PER_TILE = 626
NPAD = NSUB * ROWS_PER_TILE
CHUNK = 128
CHUNKS_PER_TILE = 80
EDGES_PER_TILE = CHUNK * CHUNKS_PER_TILE
EPAD = NWORK * EDGES_PER_TILE

_mesh = plsc.VectorSubcoreMesh(core_axis_name="c", subcore_axis_name="s")



@functools.partial(
    pl.kernel,
    out_type=jax.ShapeDtypeStruct((NWORK, NPAD), jnp.float32),
    mesh=_mesh,
    scratch_types=[
        pltpu.VMEM((EDGES_PER_TILE,), jnp.int32),
        pltpu.VMEM((NPAD,), jnp.float32),
    ],
    compiler_params=pltpu.CompilerParams(
        needs_layout_passes=False, use_tc_tiling_on_sc=False),
)
def _sc_degree(dst_hbm, deg_hbm, dst_v, hist_v):
    g = lax.axis_index("c") * NSUB + lax.axis_index("s")
    pltpu.sync_copy(dst_hbm.at[pl.ds(g * EDGES_PER_TILE, EDGES_PER_TILE)], dst_v)

    zeros16 = jnp.zeros((16,), jnp.float32)

    def zero_body(i, carry):
        hist_v[pl.ds(i * 16, 16)] = zeros16
        return carry

    lax.fori_loop(0, NPAD // 16, zero_body, 0)

    ones16 = jnp.ones((16,), jnp.float32)

    def acc_body(i, carry):
        idx = dst_v[pl.ds(i * 16, 16)]
        plsc.addupdate_scatter(hist_v, [idx], ones16)
        return carry

    lax.fori_loop(0, EDGES_PER_TILE // 16, acc_body, 0)
    pltpu.sync_copy(hist_v, deg_hbm.at[g])


NBUF = 8


def _make_sc_agg(feat):
    @functools.partial(
        pl.kernel,
        out_type=jax.ShapeDtypeStruct((NCORE * NPAD, feat), jnp.float32),
        mesh=_mesh,
        scratch_types=[
            pltpu.VMEM((CHUNKS_PER_TILE, CHUNK), jnp.int32),
            pltpu.VMEM((CHUNKS_PER_TILE, CHUNK), jnp.int32),
            pltpu.VMEM((NBUF, CHUNK, feat), jnp.float32),
            pltpu.VMEM_SHARED((NPAD, feat), jnp.float32),
            pltpu.SemaphoreType.DMA((NBUF,)),
            pltpu.SemaphoreType.DMA((NBUF,)),
        ],
        compiler_params=pltpu.CompilerParams(
            needs_layout_passes=False, use_tc_tiling_on_sc=False),
    )
    def _agg(vals_hbm, src_hbm, dst_hbm, zeros_hbm, out_hbm,
             src_v, dst_v, rows_v, acc_sh, gsem, ssem):
        cid = lax.axis_index("c")
        sid = lax.axis_index("s")
        g = cid * NSUB + sid

        pltpu.sync_copy(
            zeros_hbm.at[pl.ds(sid * ROWS_PER_TILE, ROWS_PER_TILE)],
            acc_sh.at[pl.ds(sid * ROWS_PER_TILE, ROWS_PER_TILE)])
        pltpu.sync_copy(src_hbm.at[pl.ds(g * CHUNKS_PER_TILE, CHUNKS_PER_TILE)], src_v)
        pltpu.sync_copy(dst_hbm.at[pl.ds(g * CHUNKS_PER_TILE, CHUNKS_PER_TILE)], dst_v)
        plsc.subcore_barrier()

        for b in range(NBUF):
            pltpu.async_copy(vals_hbm.at[src_v.at[b]], rows_v.at[b],
                             gsem.at[b])

        def body(jj, carry):
            for b in range(NBUF):
                j = jj * NBUF + b
                pltpu.make_async_copy(vals_hbm.at[src_v.at[j]], rows_v.at[b],
                                      gsem.at[b]).wait()
                sc = pltpu.async_copy(rows_v.at[b], acc_sh.at[dst_v.at[j]],
                                      ssem.at[b], add=True)

                @pl.when(j + NBUF < CHUNKS_PER_TILE)
                def _():
                    sc.wait()
                    pltpu.async_copy(vals_hbm.at[src_v.at[j + NBUF]],
                                     rows_v.at[b], gsem.at[b])

                @pl.when(j + NBUF >= CHUNKS_PER_TILE)
                def _():
                    sc.wait()
            return carry

        lax.fori_loop(0, CHUNKS_PER_TILE // NBUF, body, 0)
        plsc.subcore_barrier()
        pltpu.sync_copy(
            acc_sh.at[pl.ds(sid * ROWS_PER_TILE, ROWS_PER_TILE)],
            out_hbm.at[pl.ds(cid * NPAD + sid * ROWS_PER_TILE, ROWS_PER_TILE)])

    return _agg


_sc_agg_hid = _make_sc_agg(D_HID)
_sc_agg_out = _make_sc_agg(2 * D_OUT)



def _tc_dinv_body(parts_ref, dinv_ref):
    deg = jnp.sum(parts_ref[...], axis=0, keepdims=True) + 1.0
    dinv_ref[...] = lax.rsqrt(deg)


_tc_dinv = pl.pallas_call(
    _tc_dinv_body,
    out_shape=jax.ShapeDtypeStruct((1, NPAD), jnp.float32))


def _tc_hs_body(x_ref, w_ref, dinv_ref, hs_ref):
    h = jnp.dot(x_ref[...], w_ref[...], preferred_element_type=jnp.float32)
    hs_ref[...] = h * dinv_ref[...]


_tc_hs = pl.pallas_call(
    _tc_hs_body,
    out_shape=jax.ShapeDtypeStruct((NPAD, D_HID), jnp.float32))


def _tc_layer2_body(acc_ref, hs_ref, dinv_ref, b1_ref, wcat_ref, zs_ref):
    agg = acc_ref[0:NPAD, :] + acc_ref[NPAD:2 * NPAD, :] + hs_ref[...]
    h = jnp.maximum(agg * dinv_ref[...] + b1_ref[...], 0.0)
    z = jnp.dot(h, wcat_ref[...], preferred_element_type=jnp.float32)
    zs_ref[...] = z * dinv_ref[...]


_tc_layer2 = pl.pallas_call(
    _tc_layer2_body,
    out_shape=jax.ShapeDtypeStruct((NPAD, 2 * D_OUT), jnp.float32))


def _tc_out_body(acc_ref, zs_ref, dinv_ref, bcat_ref, out_ref):
    agg = acc_ref[0:NPAD, :] + acc_ref[NPAD:2 * NPAD, :] + zs_ref[...]
    out_ref[...] = agg * dinv_ref[...] + bcat_ref[...]


_tc_out = pl.pallas_call(
    _tc_out_body,
    out_shape=jax.ShapeDtypeStruct((NPAD, 2 * D_OUT), jnp.float32))



def kernel(x, edge_index, W1, b1, Wmu, bmu, Wls, bls):
    src = edge_index[0]
    dst = edge_index[1]
    pad_idx = jnp.full((EPAD - E,), N, dtype=jnp.int32)
    src_p = jnp.concatenate([src, pad_idx])
    dst_p = jnp.concatenate([dst, pad_idx])
    src2d = src_p.reshape(EPAD // CHUNK, CHUNK)
    dst2d = dst_p.reshape(EPAD // CHUNK, CHUNK)
    x_p = jnp.pad(x, ((0, NPAD - N), (0, 0)))

    deg_parts = _sc_degree(dst_p)
    dinv = _tc_dinv(deg_parts).reshape(NPAD, 1)
    hs = _tc_hs(x_p, W1, dinv)

    z32 = jnp.zeros((NPAD, D_HID), jnp.float32)
    acc1 = _sc_agg_hid(hs, src2d, dst2d, z32)

    wcat = jnp.concatenate([Wmu, Wls], axis=1)
    b1r = b1.reshape(1, D_HID)
    zs = _tc_layer2(acc1, hs, dinv, b1r, wcat)

    z8 = jnp.zeros((NPAD, 2 * D_OUT), jnp.float32)
    acc2 = _sc_agg_out(zs, src2d, dst2d, z8)

    bcat = jnp.concatenate([bmu, bls]).reshape(1, 2 * D_OUT)
    out2 = _tc_out(acc2, zs, dinv, bcat)

    return (out2[:N, :D_OUT], out2[:N, D_OUT:])

# --- scband reference (transcript-rebuilt; emitter-appended) ---
"""Pipeline reference for scband-encoder-3212635538160 (READ-ONLY COPY).

The authoritative reference and input builder live on the scoring server;
editing this copy changes nothing except your own understanding.
"""

import jax, jax.numpy as jnp
import numpy as np

N = 10000
E = 320000
D_IN = 128
D_HID = 32
D_OUT = 4


def setup_inputs(seed: int = 0) -> dict:
    key = jax.random.key(seed)
    ks = jax.random.split(key, 8)
    x = jax.random.normal(ks[0], (N, D_IN), dtype=jnp.float32)
    edge_index = jax.random.randint(ks[1], (2, E), 0, N, dtype=jnp.int32)
    # GCNConv weights (glorot-ish scaling) and biases
    W1 = jax.random.normal(ks[2], (D_IN, D_HID), dtype=jnp.float32) * np.sqrt(2.0 / (D_IN + D_HID))
    b1 = jnp.zeros((D_HID,), dtype=jnp.float32)
    Wmu = jax.random.normal(ks[3], (D_HID, D_OUT), dtype=jnp.float32) * np.sqrt(2.0 / (D_HID + D_OUT))
    bmu = jnp.zeros((D_OUT,), dtype=jnp.float32)
    Wls = jax.random.normal(ks[4], (D_HID, D_OUT), dtype=jnp.float32) * np.sqrt(2.0 / (D_HID + D_OUT))
    bls = jnp.zeros((D_OUT,), dtype=jnp.float32)
    return {"x": x, "edge_index": edge_index, "W1": W1, "b1": b1,
            "Wmu": Wmu, "bmu": bmu, "Wls": Wls, "bls": bls}


def _gcn_conv(x, src, dst, W, b):
    # PyG GCNConv: linear transform, add self-loops, symmetric normalization,
    # scatter-add aggregation, bias.
    h = x @ W
    loop = jnp.arange(N, dtype=src.dtype)
    s = jnp.concatenate([src, loop])
    d = jnp.concatenate([dst, loop])
    deg = jnp.zeros((N,), dtype=jnp.float32).at[d].add(1.0)
    dinv = jnp.where(deg > 0, deg ** -0.5, 0.0)
    norm = dinv[s] * dinv[d]
    msgs = h[s] * norm[:, None]
    out = jnp.zeros((N, W.shape[1]), dtype=jnp.float32).at[d].add(msgs)
    return out + b


def reference(x, edge_index, W1, b1, Wmu, bmu, Wls, bls):
    src, dst = edge_index[0], edge_index[1]
    # dropout is identity in eval mode (training=False)
    h = jax.nn.relu(_gcn_conv(x, src, dst, W1, b1))
    mu = _gcn_conv(h, src, dst, Wmu, bmu)
    logstd = _gcn_conv(h, src, dst, Wls, bls)
    return (mu, logstd)

if __name__ == "__main__":
    import jax
    _d = setup_inputs()
    print(jax.jit(kernel)(*tuple(_d.values())))

</pallas_src>

<mosaic_0001>
#map = affine_map<(d0, d1) -> (0, 0)>
module attributes {stable_mosaic.version = 14 : i64} {
  func.func @_agg(%arg0: i32, %arg1: i32, %arg2: memref<10016x8xf32, #tpu.memory_space<hbm>>, %arg3: memref<2560x128xi32, #tpu.memory_space<hbm>>, %arg4: memref<2560x128xi32, #tpu.memory_space<hbm>>, %arg5: memref<10016x8xf32, #tpu.memory_space<hbm>>, %arg6: memref<20032x8xf32, #tpu.memory_space<hbm>>, %arg7: memref<80x128xi32, #tpu.memory_space<vmem>>, %arg8: memref<80x128xi32, #tpu.memory_space<vmem>>, %arg9: memref<8x128x8xf32, #tpu.memory_space<vmem>>, %arg10: memref<10016x8xf32, #tpu.memory_space<vmem_shared>>, %arg11: memref<8x!tpu.dma_semaphore, #tpu.memory_space<semaphore_mem>>, %arg12: memref<8x!tpu.dma_semaphore, #tpu.memory_space<semaphore_mem>>) attributes {dimension_semantics = [#tpu.dimension_semantics<core_parallel>, #tpu.dimension_semantics<subcore_parallel>], iteration_bounds = array<i64: 2, 16>, scalar_prefetch = 0 : i64, scratch_operands = 6 : i64, tpu.core_type = #tpu.core_type<sc_vector_subcore>, window_params = [{transform_indices = #map}, {transform_indices = #map}, {transform_indices = #map}, {transform_indices = #map}, {transform_indices = #map}]} {
    %mul3A = arith.constant 16 : i32
    %mul3A_0 = arith.muli %arg0, %mul3A : i32
    %add3A = arith.addi %mul3A_0, %arg1 : i32
    %mul3A_1 = arith.constant 626 : i32
    %mul3A_2 = arith.muli %arg1, %mul3A_1 : i32
    %mul3A_3 = arith.constant 626 : i32
    %mul3A_4 = arith.muli %arg1, %mul3A_3 : i32
    "tpu.region"() ({
      %run_scoped3A = tpu.sem_alloc : memref<!tpu.dma_semaphore, #tpu.memory_space<semaphore_mem>>
      %dma_start3A_141 = arith.constant 0 : i32
      %dma_start3A_142 = tpu.memref_slice %arg10[%mul3A_4, %dma_start3A_141] : memref<10016x8xf32, #tpu.memory_space<vmem_shared>> -> memref<626x8xf32, #tpu.memory_space<vmem_shared>>
      %dma_start3A_143 = arith.constant 0 : i32
      %dma_start3A_144 = tpu.memref_slice %arg5[%mul3A_2, %dma_start3A_143] : memref<10016x8xf32, #tpu.memory_space<hbm>> -> memref<626x8xf32, #tpu.memory_space<hbm>>
      tpu.enqueue_dma source(%dma_start3A_144 : memref<626x8xf32, #tpu.memory_space<hbm>>) target(%dma_start3A_142 : memref<626x8xf32, #tpu.memory_space<vmem_shared>>) target_semaphore(%run_scoped3A : memref<!tpu.dma_semaphore, #tpu.memory_space<semaphore_mem>>)
      %dma_wait3A = arith.constant 0 : i32
      %dma_wait3A_145 = tpu.memref_slice %arg10[%mul3A_4, %dma_wait3A] : memref<10016x8xf32, #tpu.memory_space<vmem_shared>> -> memref<626x8xf32, #tpu.memory_space<vmem_shared>>
      %dma_wait3A_146 = arith.constant 0 : i32
      %dma_wait3A_147 = tpu.memref_slice %arg5[%mul3A_2, %dma_wait3A_146] : memref<10016x8xf32, #tpu.memory_space<hbm>> -> memref<626x8xf32, #tpu.memory_space<hbm>>
      tpu.wait_dma2 semaphore(%run_scoped3A : memref<!tpu.dma_semaphore, #tpu.memory_space<semaphore_mem>>) src(%dma_wait3A_147 : memref<626x8xf32, #tpu.memory_space<hbm>>) dst(%dma_wait3A_145 : memref<626x8xf32, #tpu.memory_space<vmem_shared>>)
      tpu.yield
    }) : () -> ()
    %mul3A_5 = arith.constant 80 : i32
    %mul3A_6 = arith.muli %add3A, %mul3A_5 : i32
    "tpu.region"() ({
      %run_scoped3A = tpu.sem_alloc : memref<!tpu.dma_semaphore, #tpu.memory_space<semaphore_mem>>
      %dma_start3A_141 = arith.constant 0 : i32
      %dma_start3A_142 = tpu.memref_slice %arg3[%mul3A_6, %dma_start3A_141] : memref<2560x128xi32, #tpu.memory_space<hbm>> -> memref<80x128xi32, #tpu.memory_space<hbm>>
      %dma_start3A_143 = arith.constant 0 : i32
      %dma_start3A_144 = tpu.memref_slice %arg3[%mul3A_6, %dma_start3A_143] : memref<2560x128xi32, #tpu.memory_space<hbm>> -> memref<80x128xi32, #tpu.memory_space<hbm>>
      tpu.enqueue_dma source(%dma_start3A_144 : memref<80x128xi32, #tpu.memory_space<hbm>>) target(%arg7 : memref<80x128xi32, #tpu.memory_space<vmem>>) target_semaphore(%run_scoped3A : memref<!tpu.dma_semaphore, #tpu.memory_space<semaphore_mem>>)
      %dma_wait3A = arith.constant 0 : i32
      %dma_wait3A_145 = tpu.memref_slice %arg3[%mul3A_6, %dma_wait3A] : memref<2560x128xi32, #tpu.memory_space<hbm>> -> memref<80x128xi32, #tpu.memory_space<hbm>>
      %dma_wait3A_146 = arith.constant 0 : i32
      %dma_wait3A_147 = tpu.memref_slice %arg3[%mul3A_6, %dma_wait3A_146] : memref<2560x128xi32, #tpu.memory_space<hbm>> -> memref<80x128xi32, #tpu.memory_space<hbm>>
      tpu.wait_dma2 semaphore(%run_scoped3A : memref<!tpu.dma_semaphore, #tpu.memory_space<semaphore_mem>>) src(%dma_wait3A_147 : memref<80x128xi32, #tpu.memory_space<hbm>>) dst(%arg7 : memref<80x128xi32, #tpu.memory_space<vmem>>)
      tpu.yield
    }) : () -> ()
    %mul3A_7 = arith.constant 80 : i32
    %mul3A_8 = arith.muli %add3A, %mul3A_7 : i32
    "tpu.region"() ({
      %run_scoped3A = tpu.sem_alloc : memref<!tpu.dma_semaphore, #tpu.memory_space<semaphore_mem>>
      %dma_start3A_141 = arith.constant 0 : i32
      %dma_start3A_142 = tpu.memref_slice %arg4[%mul3A_8, %dma_start3A_141] : memref<2560x128xi32, #tpu.memory_space<hbm>> -> memref<80x128xi32, #tpu.memory_space<hbm>>
      %dma_start3A_143 = arith.constant 0 : i32
      %dma_start3A_144 = tpu.memref_slice %arg4[%mul3A_8, %dma_start3A_143] : memref<2560x128xi32, #tpu.memory_space<hbm>> -> memref<80x128xi32, #tpu.memory_space<hbm>>
      tpu.enqueue_dma source(%dma_start3A_144 : memref<80x128xi32, #tpu.memory_space<hbm>>) target(%arg8 : memref<80x128xi32, #tpu.memory_space<vmem>>) target_semaphore(%run_scoped3A : memref<!tpu.dma_semaphore, #tpu.memory_space<semaphore_mem>>)
      %dma_wait3A = arith.constant 0 : i32
      %dma_wait3A_145 = tpu.memref_slice %arg4[%mul3A_8, %dma_wait3A] : memref<2560x128xi32, #tpu.memory_space<hbm>> -> memref<80x128xi32, #tpu.memory_space<hbm>>
      %dma_wait3A_146 = arith.constant 0 : i32
      %dma_wait3A_147 = tpu.memref_slice %arg4[%mul3A_8, %dma_wait3A_146] : memref<2560x128xi32, #tpu.memory_space<hbm>> -> memref<80x128xi32, #tpu.memory_space<hbm>>
      tpu.wait_dma2 semaphore(%run_scoped3A : memref<!tpu.dma_semaphore, #tpu.memory_space<semaphore_mem>>) src(%dma_wait3A_147 : memref<80x128xi32, #tpu.memory_space<hbm>>) dst(%arg8 : memref<80x128xi32, #tpu.memory_space<vmem>>)
      tpu.yield
    }) : () -> ()
    %barrier3A = arith.constant 0 : index
    tpu.barrier barrier_id(%barrier3A)
    %dma_start3A = arith.constant 0 : i32
    %dma_start3A_9 = arith.constant 0 : i32
    %dma_start3A_10 = arith.constant 0 : i32
    %dma_start3A_11 = arith.constant 0 : i32
    %dma_start3A_12 = arith.constant 0 : i32
    %dma_start3A_13 = tpu.memref_slice %arg9[%dma_start3A_9, %dma_start3A_11, %dma_start3A_12] : memref<8x128x8xf32, #tpu.memory_space<vmem>> -> memref<1x128x8xf32, #tpu.memory_space<vmem>>
    %dma_start3A_14 = tpu.memref_squeeze %dma_start3A_13 : memref<1x128x8xf32, #tpu.memory_space<vmem>> -> memref<128x8xf32, #tpu.memory_space<vmem>>
    %dma_start3A_15 = arith.constant 0 : i32
    %dma_start3A_16 = tpu.memref_slice %arg7[%dma_start3A, %dma_start3A_15] : memref<80x128xi32, #tpu.memory_space<vmem>> -> memref<1x128xi32, #tpu.memory_space<vmem>>
    %dma_start3A_17 = tpu.memref_squeeze %dma_start3A_16 : memref<1x128xi32, #tpu.memory_space<vmem>> -> memref<128xi32, #tpu.memory_space<vmem>>
    %dma_start3A_18 = arith.constant 0 : i32
    %dma_start3A_19 = arith.constant 0 : i32
    %dma_start3A_20 = tpu.memref_slice %arg2[%dma_start3A_18, %dma_start3A_19] : memref<10016x8xf32, #tpu.memory_space<hbm>> -> memref<10016x8xf32, #tpu.memory_space<hbm>>
    %dma_start3A_21 = tpu.memref_slice %arg11[%dma_start3A_10] : memref<8x!tpu.dma_semaphore, #tpu.memory_space<semaphore_mem>> -> memref<1x!tpu.dma_semaphore, #tpu.memory_space<semaphore_mem>>
    %dma_start3A_22 = tpu.memref_squeeze %dma_start3A_21 : memref<1x!tpu.dma_semaphore, #tpu.memory_space<semaphore_mem>> -> memref<!tpu.dma_semaphore, #tpu.memory_space<semaphore_mem>>
    tpu.enqueue_indirect_dma source(%dma_start3A_20 : memref<10016x8xf32, #tpu.memory_space<hbm>>) target(%dma_start3A_14 : memref<128x8xf32, #tpu.memory_space<vmem>>) offsets(%dma_start3A_17 : memref<128xi32, #tpu.memory_space<vmem>>) semaphore(%dma_start3A_22 : memref<!tpu.dma_semaphore, #tpu.memory_space<semaphore_mem>>)
    %dma_start3A_23 = arith.constant 1 : i32
    %dma_start3A_24 = arith.constant 1 : i32
    %dma_start3A_25 = arith.constant 1 : i32
    %dma_start3A_26 = arith.constant 0 : i32
    %dma_start3A_27 = arith.constant 0 : i32
    %dma_start3A_28 = tpu.memref_slice %arg9[%dma_start3A_24, %dma_start3A_26, %dma_start3A_27] : memref<8x128x8xf32, #tpu.memory_space<vmem>> -> memref<1x128x8xf32, #tpu.memory_space<vmem>>
    %dma_start3A_29 = tpu.memref_squeeze %dma_start3A_28 : memref<1x128x8xf32, #tpu.memory_space<vmem>> -> memref<128x8xf32, #tpu.memory_space<vmem>>
    %dma_start3A_30 = arith.constant 0 : i32
    %dma_start3A_31 = tpu.memref_slice %arg7[%dma_start3A_23, %dma_start3A_30] : memref<80x128xi32, #tpu.memory_space<vmem>> -> memref<1x128xi32, #tpu.memory_space<vmem>>
    %dma_start3A_32 = tpu.memref_squeeze %dma_start3A_31 : memref<1x128xi32, #tpu.memory_space<vmem>> -> memref<128xi32, #tpu.memory_space<vmem>>
    %dma_start3A_33 = arith.constant 0 : i32
    %dma_start3A_34 = arith.constant 0 : i32
    %dma_start3A_35 = tpu.memref_slice %arg2[%dma_start3A_33, %dma_start3A_34] : memref<10016x8xf32, #tpu.memory_space<hbm>> -> memref<10016x8xf32, #tpu.memory_space<hbm>>
    %dma_start3A_36 = tpu.memref_slice %arg11[%dma_start3A_25] : memref<8x!tpu.dma_semaphore, #tpu.memory_space<semaphore_mem>> -> memref<1x!tpu.dma_semaphore, #tpu.memory_space<semaphore_mem>>
    %dma_start3A_37 = tpu.memref_squeeze %dma_start3A_36 : memref<1x!tpu.dma_semaphore, #tpu.memory_space<semaphore_mem>> -> memref<!tpu.dma_semaphore, #tpu.memory_space<semaphore_mem>>
    tpu.enqueue_indirect_dma source(%dma_start3A_35 : memref<10016x8xf32, #tpu.memory_space<hbm>>) target(%dma_start3A_29 : memref<128x8xf32, #tpu.memory_space<vmem>>) offsets(%dma_start3A_32 : memref<128xi32, #tpu.memory_space<vmem>>) semaphore(%dma_start3A_37 : memref<!tpu.dma_semaphore, #tpu.memory_space<semaphore_mem>>)
    %dma_start3A_38 = arith.constant 2 : i32
    %dma_start3A_39 = arith.constant 2 : i32
    %dma_start3A_40 = arith.constant 2 : i32
    %dma_start3A_41 = arith.constant 0 : i32
    %dma_start3A_42 = arith.constant 0 : i32
    %dma_start3A_43 = tpu.memref_slice %arg9[%dma_start3A_39, %dma_start3A_41, %dma_start3A_42] : memref<8x128x8xf32, #tpu.memory_space<vmem>> -> memref<1x128x8xf32, #tpu.memory_space<vmem>>
    %dma_start3A_44 = tpu.memref_squeeze %dma_start3A_43 : memref<1x128x8xf32, #tpu.memory_space<vmem>> -> memref<128x8xf32, #tpu.memory_space<vmem>>
    %dma_start3A_45 = arith.constant 0 : i32
    %dma_start3A_46 = tpu.memref_slice %arg7[%dma_start3A_38, %dma_start3A_45] : memref<80x128xi32, #tpu.memory_space<vmem>> -> memref<1x128xi32, #tpu.memory_space<vmem>>
    %dma_start3A_47 = tpu.memref_squeeze %dma_start3A_46 : memref<1x128xi32, #tpu.memory_space<vmem>> -> memref<128xi32, #tpu.memory_space<vmem>>
    %dma_start3A_48 = arith.constant 0 : i32
    %dma_start3A_49 = arith.constant 0 : i32
    %dma_start3A_50 = tpu.memref_slice %arg2[%dma_start3A_48, %dma_start3A_49] : memref<10016x8xf32, #tpu.memory_space<hbm>> -> memref<10016x8xf32, #tpu.memory_space<hbm>>
    %dma_start3A_51 = tpu.memref_slice %arg11[%dma_start3A_40] : memref<8x!tpu.dma_semaphore, #tpu.memory_space<semaphore_mem>> -> memref<1x!tpu.dma_semaphore, #tpu.memory_space<semaphore_mem>>
    %dma_start3A_52 = tpu.memref_squeeze %dma_start3A_51 : memref<1x!tpu.dma_semaphore, #tpu.memory_space<semaphore_mem>> -> memref<!tpu.dma_semaphore, #tpu.memory_space<semaphore_mem>>
    tpu.enqueue_indirect_dma source(%dma_start3A_50 : memref<10016x8xf32, #tpu.memory_space<hbm>>) target(%dma_start3A_44 : memref<128x8xf32, #tpu.memory_space<vmem>>) offsets(%dma_start3A_47 : memref<128xi32, #tpu.memory_space<vmem>>) semaphore(%dma_start3A_52 : memref<!tpu.dma_semaphore, #tpu.memory_space<semaphore_mem>>)
    %dma_start3A_53 = arith.constant 3 : i32
    %dma_start3A_54 = arith.constant 3 : i32
    %dma_start3A_55 = arith.constant 3 : i32
    %dma_start3A_56 = arith.constant 0 : i32
    %dma_start3A_57 = arith.constant 0 : i32
    %dma_start3A_58 = tpu.memref_slice %arg9[%dma_start3A_54, %dma_start3A_56, %dma_start3A_57] : memref<8x128x8xf32, #tpu.memory_space<vmem>> -> memref<1x128x8xf32, #tpu.memory_space<vmem>>
    %dma_start3A_59 = tpu.memref_squeeze %dma_start3A_58 : memref<1x128x8xf32, #tpu.memory_space<vmem>> -> memref<128x8xf32, #tpu.memory_space<vmem>>
    %dma_start3A_60 = arith.constant 0 : i32
    %dma_start3A_61 = tpu.memref_slice %arg7[%dma_start3A_53, %dma_start3A_60] : memref<80x128xi32, #tpu.memory_space<vmem>> -> memref<1x128xi32, #tpu.memory_space<vmem>>
    %dma_start3A_62 = tpu.memref_squeeze %dma_start3A_61 : memref<1x128xi32, #tpu.memory_space<vmem>> -> memref<128xi32, #tpu.memory_space<vmem>>
    %dma_start3A_63 = arith.constant 0 : i32
    %dma_start3A_64 = arith.constant 0 : i32
    %dma_start3A_65 = tpu.memref_slice %arg2[%dma_start3A_63, %dma_start3A_64] : memref<10016x8xf32, #tpu.memory_space<hbm>> -> memref<10016x8xf32, #tpu.memory_space<hbm>>
    %dma_start3A_66 = tpu.memref_slice %arg11[%dma_start3A_55] : memref<8x!tpu.dma_semaphore, #tpu.memory_space<semaphore_mem>> -> memref<1x!tpu.dma_semaphore, #tpu.memory_space<semaphore_mem>>
    %dma_start3A_67 = tpu.memref_squeeze %dma_start3A_66 : memref<1x!tpu.dma_semaphore, #tpu.memory_space<semaphore_mem>> -> memref<!tpu.dma_semaphore, #tpu.memory_space<semaphore_mem>>
    tpu.enqueue_indirect_dma source(%dma_start3A_65 : memref<10016x8xf32, #tpu.memory_space<hbm>>) target(%dma_start3A_59 : memref<128x8xf32, #tpu.memory_space<vmem>>) offsets(%dma_start3A_62 : memref<128xi32, #tpu.memory_space<vmem>>) semaphore(%dma_start3A_67 : memref<!tpu.dma_semaphore, #tpu.memory_space<semaphore_mem>>)
    %dma_start3A_68 = arith.constant 4 : i32
    %dma_start3A_69 = arith.constant 4 : i32
    %dma_start3A_70 = arith.constant 4 : i32
    %dma_start3A_71 = arith.constant 0 : i32
    %dma_start3A_72 = arith.constant 0 : i32
    %dma_start3A_73 = tpu.memref_slice %arg9[%dma_start3A_69, %dma_start3A_71, %dma_start3A_72] : memref<8x128x8xf32, #tpu.memory_space<vmem>> -> memref<1x128x8xf32, #tpu.memory_space<vmem>>
    %dma_start3A_74 = tpu.memref_squeeze %dma_start3A_73 : memref<1x128x8xf32, #tpu.memory_space<vmem>> -> memref<128x8xf32, #tpu.memory_space<vmem>>
    %dma_start3A_75 = arith.constant 0 : i32
    %dma_start3A_76 = tpu.memref_slice %arg7[%dma_start3A_68, %dma_start3A_75] : memref<80x128xi32, #tpu.memory_space<vmem>> -> memref<1x128xi32, #tpu.memory_space<vmem>>
    %dma_start3A_77 = tpu.memref_squeeze %dma_start3A_76 : memref<1x128xi32, #tpu.memory_space<vmem>> -> memref<128xi32, #tpu.memory_space<vmem>>
    %dma_start3A_78 = arith.constant 0 : i32
    %dma_start3A_79 = arith.constant 0 : i32
    %dma_start3A_80 = tpu.memref_slice %arg2[%dma_start3A_78, %dma_start3A_79] : memref<10016x8xf32, #tpu.memory_space<hbm>> -> memref<10016x8xf32, #tpu.memory_space<hbm>>
    %dma_start3A_81 = tpu.memref_slice %arg11[%dma_start3A_70] : memref<8x!tpu.dma_semaphore, #tpu.memory_space<semaphore_mem>> -> memref<1x!tpu.dma_semaphore, #tpu.memory_space<semaphore_mem>>
    %dma_start3A_82 = tpu.memref_squeeze %dma_start3A_81 : memref<1x!tpu.dma_semaphore, #tpu.memory_space<semaphore_mem>> -> memref<!tpu.dma_semaphore, #tpu.memory_space<semaphore_mem>>
    tpu.enqueue_indirect_dma source(%dma_start3A_80 : memref<10016x8xf32, #tpu.memory_space<hbm>>) target(%dma_start3A_74 : memref<128x8xf32, #tpu.memory_space<vmem>>) offsets(%dma_start3A_77 : memref<128xi32, #tpu.memory_space<vmem>>) semaphore(%dma_start3A_82 : memref<!tpu.dma_semaphore, #tpu.memory_space<semaphore_mem>>)
    %dma_start3A_83 = arith.constant 5 : i32
    %dma_start3A_84 = arith.constant 5 : i32
    %dma_start3A_85 = arith.constant 5 : i32
    %dma_start3A_86 = arith.constant 0 : i32
    %dma_start3A_87 = arith.constant 0 : i32
    %dma_start3A_88 = tpu.memref_slice %arg9[%dma_start3A_84, %dma_start3A_86, %dma_start3A_87] : memref<8x128x8xf32, #tpu.memory_space<vmem>> -> memref<1x128x8xf32, #tpu.memory_space<vmem>>
    %dma_start3A_89 = tpu.memref_squeeze %dma_start3A_88 : memref<1x128x8xf32, #tpu.memory_space<vmem>> -> memref<128x8xf32, #tpu.memory_space<vmem>>
    %dma_start3A_90 = arith.constant 0 : i32
    %dma_start3A_91 = tpu.memref_slice %arg7[%dma_start3A_83, %dma_start3A_90] : memref<80x128xi32, #tpu.memory_space<vmem>> -> memref<1x128xi32, #tpu.memory_space<vmem>>
    %dma_start3A_92 = tpu.memref_squeeze %dma_start3A_91 : memref<1x128xi32, #tpu.memory_space<vmem>> -> memref<128xi32, #tpu.memory_space<vmem>>
    %dma_start3A_93 = arith.constant 0 : i32
    %dma_start3A_94 = arith.constant 0 : i32
    %dma_start3A_95 = tpu.memref_slice %arg2[%dma_start3A_93, %dma_start3A_94] : memref<10016x8xf32, #tpu.memory_space<hbm>> -> memref<10016x8xf32, #tpu.memory_space<hbm>>
    %dma_start3A_96 = tpu.memref_slice %arg11[%dma_start3A_85] : memref<8x!tpu.dma_semaphore, #tpu.memory_space<semaphore_mem>> -> memref<1x!tpu.dma_semaphore, #tpu.memory_space<semaphore_mem>>
    %dma_start3A_97 = tpu.memref_squeeze %dma_start3A_96 : memref<1x!tpu.dma_semaphore, #tpu.memory_space<semaphore_mem>> -> memref<!tpu.dma_semaphore, #tpu.memory_space<semaphore_mem>>
    tpu.enqueue_indirect_dma source(%dma_start3A_95 : memref<10016x8xf32, #tpu.memory_space<hbm>>) target(%dma_start3A_89 : memref<128x8xf32, #tpu.memory_space<vmem>>) offsets(%dma_start3A_92 : memref<128xi32, #tpu.memory_space<vmem>>) semaphore(%dma_start3A_97 : memref<!tpu.dma_semaphore, #tpu.memory_space<semaphore_mem>>)
    %dma_start3A_98 = arith.constant 6 : i32
    %dma_start3A_99 = arith.constant 6 : i32
    %dma_start3A_100 = arith.constant 6 : i32
    %dma_start3A_101 = arith.constant 0 : i32
    %dma_start3A_102 = arith.constant 0 : i32
    %dma_start3A_103 = tpu.memref_slice %arg9[%dma_start3A_99, %dma_start3A_101, %dma_start3A_102] : memref<8x128x8xf32, #tpu.memory_space<vmem>> -> memref<1x128x8xf32, #tpu.memory_space<vmem>>
    %dma_start3A_104 = tpu.memref_squeeze %dma_start3A_103 : memref<1x128x8xf32, #tpu.memory_space<vmem>> -> memref<128x8xf32, #tpu.memory_space<vmem>>
    %dma_start3A_105 = arith.constant 0 : i32
    %dma_start3A_106 = tpu.memref_slice %arg7[%dma_start3A_98, %dma_start3A_105] : memref<80x128xi32, #tpu.memory_space<vmem>> -> memref<1x128xi32, #tpu.memory_space<vmem>>
    %dma_start3A_107 = tpu.memref_squeeze %dma_start3A_106 : memref<1x128xi32, #tpu.memory_space<vmem>> -> memref<128xi32, #tpu.memory_space<vmem>>
    %dma_start3A_108 = arith.constant 0 : i32
    %dma_start3A_109 = arith.constant 0 : i32
    %dma_start3A_110 = tpu.memref_slice %arg2[%dma_start3A_108, %dma_start3A_109] : memref<10016x8xf32, #tpu.memory_space<hbm>> -> memref<10016x8xf32, #tpu.memory_space<hbm>>
    %dma_start3A_111 = tpu.memref_slice %arg11[%dma_start3A_100] : memref<8x!tpu.dma_semaphore, #tpu.memory_space<semaphore_mem>> -> memref<1x!tpu.dma_semaphore, #tpu.memory_space<semaphore_mem>>
    %dma_start3A_112 = tpu.memref_squeeze %dma_start3A_111 : memref<1x!tpu.dma_semaphore, #tpu.memory_space<semaphore_mem>> -> memref<!tpu.dma_semaphore, #tpu.memory_space<semaphore_mem>>
    tpu.enqueue_indirect_dma source(%dma_start3A_110 : memref<10016x8xf32, #tpu.memory_space<hbm>>) target(%dma_start3A_104 : memref<128x8xf32, #tpu.memory_space<vmem>>) offsets(%dma_start3A_107 : memref<128xi32, #tpu.memory_space<vmem>>) semaphore(%dma_start3A_112 : memref<!tpu.dma_semaphore, #tpu.memory_space<semaphore_mem>>)
    %dma_start3A_113 = arith.constant 7 : i32
    %dma_start3A_114 = arith.constant 7 : i32
    %dma_start3A_115 = arith.constant 7 : i32
    %dma_start3A_116 = arith.constant 0 : i32
    %dma_start3A_117 = arith.constant 0 : i32
    %dma_start3A_118 = tpu.memref_slice %arg9[%dma_start3A_114, %dma_start3A_116, %dma_start3A_117] : memref<8x128x8xf32, #tpu.memory_space<vmem>> -> memref<1x128x8xf32, #tpu.memory_space<vmem>>
    %dma_start3A_119 = tpu.memref_squeeze %dma_start3A_118 : memref<1x128x8xf32, #tpu.memory_space<vmem>> -> memref<128x8xf32, #tpu.memory_space<vmem>>
    %dma_start3A_120 = arith.constant 0 : i32
    %dma_start3A_121 = tpu.memref_slice %arg7[%dma_start3A_113, %dma_start3A_120] : memref<80x128xi32, #tpu.memory_space<vmem>> -> memref<1x128xi32, #tpu.memory_space<vmem>>
    %dma_start3A_122 = tpu.memref_squeeze %dma_start3A_121 : memref<1x128xi32, #tpu.memory_space<vmem>> -> memref<128xi32, #tpu.memory_space<vmem>>
    %dma_start3A_123 = arith.constant 0 : i32
    %dma_start3A_124 = arith.constant 0 : i32
    %dma_start3A_125 = tpu.memref_slice %arg2[%dma_start3A_123, %dma_start3A_124] : memref<10016x8xf32, #tpu.memory_space<hbm>> -> memref<10016x8xf32, #tpu.memory_space<hbm>>
    %dma_start3A_126 = tpu.memref_slice %arg11[%dma_start3A_115] : memref<8x!tpu.dma_semaphore, #tpu.memory_space<semaphore_mem>> -> memref<1x!tpu.dma_semaphore, #tpu.memory_space<semaphore_mem>>
    %dma_start3A_127 = tpu.memref_squeeze %dma_start3A_126 : memref<1x!tpu.dma_semaphore, #tpu.memory_space<semaphore_mem>> -> memref<!tpu.dma_semaphore, #tpu.memory_space<semaphore_mem>>
    tpu.enqueue_indirect_dma source(%dma_start3A_125 : memref<10016x8xf32, #tpu.memory_space<hbm>>) target(%dma_start3A_119 : memref<128x8xf32, #tpu.memory_space<vmem>>) offsets(%dma_start3A_122 : memref<128xi32, #tpu.memory_space<vmem>>) semaphore(%dma_start3A_127 : memref<!tpu.dma_semaphore, #tpu.memory_space<semaphore_mem>>)
    %scan3A = arith.constant 0 : i32
    %scan3A_128 = arith.constant 0 : i32
    %scan3A_129 = arith.constant 10 : i32
    %scan3A_130 = arith.addi %scan3A_128, %scan3A_129 : i32
    %scan3A_131 = arith.constant 1 : i32
    scf.for %scan3A_141 = %scan3A_128 to %scan3A_130 step %scan3A_131  : i32 {
      %mul3A_142 = arith.constant 8 : i32
      %mul3A_143 = arith.muli %scan3A_141, %mul3A_142 : i32
      %add3A_144 = arith.constant 0 : i32
      %add3A_145 = arith.addi %mul3A_143, %add3A_144 : i32
      %dma_wait3A = arith.constant 0 : i32
      %dma_wait3A_146 = arith.constant 0 : i32
      %dma_wait3A_147 = arith.constant 0 : i32
      %dma_wait3A_148 = arith.constant 0 : i32
      %dma_wait3A_149 = tpu.memref_slice %arg9[%dma_wait3A, %dma_wait3A_147, %dma_wait3A_148] : memref<8x128x8xf32, #tpu.memory_space<vmem>> -> memref<1x128x8xf32, #tpu.memory_space<vmem>>
      %dma_wait3A_150 = tpu.memref_squeeze %dma_wait3A_149 : memref<1x128x8xf32, #tpu.memory_space<vmem>> -> memref<128x8xf32, #tpu.memory_space<vmem>>
      %dma_wait3A_151 = arith.constant 0 : i32
      %dma_wait3A_152 = tpu.memref_slice %arg7[%add3A_145, %dma_wait3A_151] : memref<80x128xi32, #tpu.memory_space<vmem>> -> memref<1x128xi32, #tpu.memory_space<vmem>>
      %dma_wait3A_153 = tpu.memref_squeeze %dma_wait3A_152 : memref<1x128xi32, #tpu.memory_space<vmem>> -> memref<128xi32, #tpu.memory_space<vmem>>
      %dma_wait3A_154 = arith.constant 0 : i32
      %dma_wait3A_155 = arith.constant 0 : i32
      %dma_wait3A_156 = tpu.memref_slice %arg2[%dma_wait3A_154, %dma_wait3A_155] : memref<10016x8xf32, #tpu.memory_space<hbm>> -> memref<10016x8xf32, #tpu.memory_space<hbm>>
      %dma_wait3A_157 = tpu.memref_slice %arg11[%dma_wait3A_146] : memref<8x!tpu.dma_semaphore, #tpu.memory_space<semaphore_mem>> -> memref<1x!tpu.dma_semaphore, #tpu.memory_space<semaphore_mem>>
      %dma_wait3A_158 = tpu.memref_squeeze %dma_wait3A_157 : memref<1x!tpu.dma_semaphore, #tpu.memory_space<semaphore_mem>> -> memref<!tpu.dma_semaphore, #tpu.memory_space<semaphore_mem>>
      tpu.wait_indirect_dma semaphore(%dma_wait3A_158 : memref<!tpu.dma_semaphore, #tpu.memory_space<semaphore_mem>>) src(%dma_wait3A_156 : memref<10016x8xf32, #tpu.memory_space<hbm>>) dst(%dma_wait3A_150 : memref<128x8xf32, #tpu.memory_space<vmem>>)
      %dma_start3A_159 = arith.constant 0 : i32
      %dma_start3A_160 = arith.constant 0 : i32
      %dma_start3A_161 = arith.constant 0 : i32
      %dma_start3A_162 = arith.constant 0 : i32
      %dma_start3A_163 = tpu.memref_slice %arg9[%dma_start3A_159, %dma_start3A_161, %dma_start3A_162] : memref<8x128x8xf32, #tpu.memory_space<vmem>> -> memref<1x128x8xf32, #tpu.memory_space<vmem>>
      %dma_start3A_164 = tpu.memref_squeeze %dma_start3A_163 : memref<1x128x8xf32, #tpu.memory_space<vmem>> -> memref<128x8xf32, #tpu.memory_space<vmem>>
      %dma_start3A_165 = arith.constant 0 : i32
      %dma_start3A_166 = tpu.memref_slice %arg8[%add3A_145, %dma_start3A_165] : memref<80x128xi32, #tpu.memory_space<vmem>> -> memref<1x128xi32, #tpu.memory_space<vmem>>
      %dma_start3A_167 = tpu.memref_squeeze %dma_start3A_166 : memref<1x128xi32, #tpu.memory_space<vmem>> -> memref<128xi32, #tpu.memory_space<vmem>>
      %dma_start3A_168 = arith.constant 0 : i32
      %dma_start3A_169 = arith.constant 0 : i32
      %dma_start3A_170 = tpu.memref_slice %arg10[%dma_start3A_168, %dma_start3A_169] : memref<10016x8xf32, #tpu.memory_space<vmem_shared>> -> memref<10016x8xf32, #tpu.memory_space<vmem_shared>>
      %dma_start3A_171 = tpu.memref_slice %arg12[%dma_start3A_160] : memref<8x!tpu.dma_semaphore, #tpu.memory_space<semaphore_mem>> -> memref<1x!tpu.dma_semaphore, #tpu.memory_space<semaphore_mem>>
      %dma_start3A_172 = tpu.memref_squeeze %dma_start3A_171 : memref<1x!tpu.dma_semaphore, #tpu.memory_space<semaphore_mem>> -> memref<!tpu.dma_semaphore, #tpu.memory_space<semaphore_mem>>
      tpu.enqueue_indirect_dma source(%dma_start3A_164 : memref<128x8xf32, #tpu.memory_space<vmem>>) target(%dma_start3A_170 : memref<10016x8xf32, #tpu.memory_space<vmem_shared>>) offsets(%dma_start3A_167 : memref<128xi32, #tpu.memory_space<vmem>>) semaphore(%dma_start3A_172 : memref<!tpu.dma_semaphore, #tpu.memory_space<semaphore_mem>>) {add = true}
      %add3A_173 = arith.constant 8 : i32
      %add3A_174 = arith.addi %add3A_145, %add3A_173 : i32
      %lt3A = arith.constant 80 : i32
      %lt3A_175 = arith.cmpi slt, %add3A_174, %lt3A : i32
      %convert_element_type3A = arith.extui %lt3A_175 : i1 to i32
      %cond3A = arith.constant 0 : i32
      %cond3A_176 = arith.constant 0 : i32
      %cond3A_177 = arith.constant 0 : i32
      %cond3A_178 = arith.cmpi ne, %convert_element_type3A, %cond3A_177 : i32
      scf.if %cond3A_178 {
        %dma_wait3A_537 = arith.constant 0 : i32
        %dma_wait3A_538 = arith.constant 0 : i32
        %dma_wait3A_539 = tpu.memref_slice %arg9[%cond3A, %dma_wait3A_537, %dma_wait3A_538] : memref<8x128x8xf32, #tpu.memory_space<vmem>> -> memref<1x128x8xf32, #tpu.memory_space<vmem>>
        %dma_wait3A_540 = tpu.memref_squeeze %dma_wait3A_539 : memref<1x128x8xf32, #tpu.memory_space<vmem>> -> memref<128x8xf32, #tpu.memory_space<vmem>>
        %dma_wait3A_541 = arith.constant 0 : i32
        %dma_wait3A_542 = tpu.memref_slice %arg8[%add3A_145, %dma_wait3A_541] : memref<80x128xi32, #tpu.memory_space<vmem>> -> memref<1x128xi32, #tpu.memory_space<vmem>>
        %dma_wait3A_543 = tpu.memref_squeeze %dma_wait3A_542 : memref<1x128xi32, #tpu.memory_space<vmem>> -> memref<128xi32, #tpu.memory_space<vmem>>
        %dma_wait3A_544 = arith.constant 0 : i32
        %dma_wait3A_545 = arith.constant 0 : i32
        %dma_wait3A_546 = tpu.memref_slice %arg10[%dma_wait3A_544, %dma_wait3A_545] : memref<10016x8xf32, #tpu.memory_space<vmem_shared>> -> memref<10016x8xf32, #tpu.memory_space<vmem_shared>>
        %dma_wait3A_547 = tpu.memref_slice %arg12[%cond3A_176] : memref<8x!tpu.dma_semaphore, #tpu.memory_space<semaphore_mem>> -> memref<1x!tpu.dma_semaphore, #tpu.memory_space<semaphore_mem>>
        %dma_wait3A_548 = tpu.memref_squeeze %dma_wait3A_547 : memref<1x!tpu.dma_semaphore, #tpu.memory_space<semaphore_mem>> -> memref<!tpu.dma_semaphore, #tpu.memory_space<semaphore_mem>>
        tpu.wait_indirect_dma semaphore(%dma_wait3A_548 : memref<!tpu.dma_semaphore, #tpu.memory_space<semaphore_mem>>) src(%dma_wait3A_540 : memref<128x8xf32, #tpu.memory_space<vmem>>) dst(%dma_wait3A_546 : memref<10016x8xf32, #tpu.memory_space<vmem_shared>>)
        %add3A_549 = arith.constant 8 : i32
        %add3A_550 = arith.addi %add3A_145, %add3A_549 : i32
        %dma_start3A_551 = arith.constant 0 : i32
        %dma_start3A_552 = arith.constant 0 : i32
        %dma_start3A_553 = arith.constant 0 : i32
        %dma_start3A_554 = arith.constant 0 : i32
        %dma_start3A_555 = tpu.memref_slice %arg9[%dma_start3A_551, %dma_start3A_553, %dma_start3A_554] : memref<8x128x8xf32, #tpu.memory_space<vmem>> -> memref<1x128x8xf32, #tpu.memory_space<vmem>>
        %dma_start3A_556 = tpu.memref_squeeze %dma_start3A_555 : memref<1x128x8xf32, #tpu.memory_space<vmem>> -> memref<128x8xf32, #tpu.memory_space<vmem>>
        %dma_start3A_557 = arith.constant 0 : i32
        %dma_start3A_558 = tpu.memref_slice %arg7[%add3A_550, %dma_start3A_557] : memref<80x128xi32, #tpu.memory_space<vmem>> -> memref<1x128xi32, #tpu.memory_space<vmem>>
        %dma_start3A_559 = tpu.memref_squeeze %dma_start3A_558 : memref<1x128xi32, #tpu.memory_space<vmem>> -> memref<128xi32, #tpu.memory_space<vmem>>
        %dma_start3A_560 = arith.constant 0 : i32
        %dma_start3A_561 = arith.constant 0 : i32
        %dma_start3A_562 = tpu.memref_slice %arg2[%dma_start3A_560, %dma_start3A_561] : memref<10016x8xf32, #tpu.memory_space<hbm>> -> memref<10016x8xf32, #tpu.memory_space<hbm>>
        %dma_start3A_563 = tpu.memref_slice %arg11[%dma_start3A_552] : memref<8x!tpu.dma_semaphore, #tpu.memory_space<semaphore_mem>> -> memref<1x!tpu.dma_semaphore, #tpu.memory_space<semaphore_mem>>
        %dma_start3A_564 = tpu.memref_squeeze %dma_start3A_563 : memref<1x!tpu.dma_semaphore, #tpu.memory_space<semaphore_mem>> -> memref<!tpu.dma_semaphore, #tpu.memory_space<semaphore_mem>>
        tpu.enqueue_indirect_dma source(%dma_start3A_562 : memref<10016x8xf32, #tpu.memory_space<hbm>>) target(%dma_start3A_556 : memref<128x8xf32, #tpu.memory_space<vmem>>) offsets(%dma_start3A_559 : memref<128xi32, #tpu.memory_space<vmem>>) semaphore(%dma_start3A_564 : memref<!tpu.dma_semaphore, #tpu.memory_space<semaphore_mem>>)
      } else {
      }
      %add3A_179 = arith.constant 8 : i32
      %add3A_180 = arith.addi %add3A_145, %add3A_179 : i32
      %ge3A = arith.constant 80 : i32
      %ge3A_181 = arith.cmpi sge, %add3A_180, %ge3A : i32
      %convert_element_type3A_182 = arith.extui %ge3A_181 : i1 to i32
      %cond3A_183 = arith.constant 0 : i32
      %cond3A_184 = arith.constant 0 : i32
      %cond3A_185 = arith.constant 0 : i32
      %cond3A_186 = arith.cmpi ne, %convert_element_type3A_182, %cond3A_185 : i32
      scf.if %cond3A_186 {
        %dma_wait3A_537 = arith.constant 0 : i32
        %dma_wait3A_538 = arith.constant 0 : i32
        %dma_wait3A_539 = tpu.memref_slice %arg9[%cond3A_183, %dma_wait3A_537, %dma_wait3A_538] : memref<8x128x8xf32, #tpu.memory_space<vmem>> -> memref<1x128x8xf32, #tpu.memory_space<vmem>>
        %dma_wait3A_540 = tpu.memref_squeeze %dma_wait3A_539 : memref<1x128x8xf32, #tpu.memory_space<vmem>> -> memref<128x8xf32, #tpu.memory_space<vmem>>
        %dma_wait3A_541 = arith.constant 0 : i32
        %dma_wait3A_542 = tpu.memref_slice %arg8[%add3A_145, %dma_wait3A_541] : memref<80x128xi32, #tpu.memory_space<vmem>> -> memref<1x128xi32, #tpu.memory_space<vmem>>
        %dma_wait3A_543 = tpu.memref_squeeze %dma_wait3A_542 : memref<1x128xi32, #tpu.memory_space<vmem>> -> memref<128xi32, #tpu.memory_space<vmem>>
        %dma_wait3A_544 = arith.constant 0 : i32
        %dma_wait3A_545 = arith.constant 0 : i32
        %dma_wait3A_546 = tpu.memref_slice %arg10[%dma_wait3A_544, %dma_wait3A_545] : memref<10016x8xf32, #tpu.memory_space<vmem_shared>> -> memref<10016x8xf32, #tpu.memory_space<vmem_shared>>
        %dma_wait3A_547 = tpu.memref_slice %arg12[%cond3A_184] : memref<8x!tpu.dma_semaphore, #tpu.memory_space<semaphore_mem>> -> memref<1x!tpu.dma_semaphore, #tpu.memory_space<semaphore_mem>>
        %dma_wait3A_548 = tpu.memref_squeeze %dma_wait3A_547 : memref<1x!tpu.dma_semaphore, #tpu.memory_space<semaphore_mem>> -> memref<!tpu.dma_semaphore, #tpu.memory_space<semaphore_mem>>
        tpu.wait_indirect_dma semaphore(%dma_wait3A_548 : memref<!tpu.dma_semaphore, #tpu.memory_space<semaphore_mem>>) src(%dma_wait3A_540 : memref<128x8xf32, #tpu.memory_space<vmem>>) dst(%dma_wait3A_546 : memref<10016x8xf32, #tpu.memory_space<vmem_shared>>)
      } else {
      }
      %mul3A_187 = arith.constant 8 : i32
      %mul3A_188 = arith.muli %scan3A_141, %mul3A_187 : i32
      %add3A_189 = arith.constant 1 : i32
      %add3A_190 = arith.addi %mul3A_188, %add3A_189 : i32
      %dma_wait3A_191 = arith.constant 1 : i32
      %dma_wait3A_192 = arith.constant 1 : i32
      %dma_wait3A_193 = arith.constant 0 : i32
      %dma_wait3A_194 = arith.constant 0 : i32
      %dma_wait3A_195 = tpu.memref_slice %arg9[%dma_wait3A_191, %dma_wait3A_193, %dma_wait3A_194] : memref<8x128x8xf32, #tpu.memory_space<vmem>> -> memref<1x128x8xf32, #tpu.memory_space<vmem>>
      %dma_wait3A_196 = tpu.memref_squeeze %dma_wait3A_195 : memref<1x128x8xf32, #tpu.memory_space<vmem>> -> memref<128x8xf32, #tpu.memory_space<vmem>>
      %dma_wait3A_197 = arith.constant 0 : i32
      %dma_wait3A_198 = tpu.memref_slice %arg7[%add3A_190, %dma_wait3A_197] : memref<80x128xi32, #tpu.memory_space<vmem>> -> memref<1x128xi32, #tpu.memory_space<vmem>>
      %dma_wait3A_199 = tpu.memref_squeeze %dma_wait3A_198 : memref<1x128xi32, #tpu.memory_space<vmem>> -> memref<128xi32, #tpu.memory_space<vmem>>
      %dma_wait3A_200 = arith.constant 0 : i32
      %dma_wait3A_201 = arith.constant 0 : i32
      %dma_wait3A_202 = tpu.memref_slice %arg2[%dma_wait3A_200, %dma_wait3A_201] : memref<10016x8xf32, #tpu.memory_space<hbm>> -> memref<10016x8xf32, #tpu.memory_space<hbm>>
      %dma_wait3A_203 = tpu.memref_slice %arg11[%dma_wait3A_192] : memref<8x!tpu.dma_semaphore, #tpu.memory_space<semaphore_mem>> -> memref<1x!tpu.dma_semaphore, #tpu.memory_space<semaphore_mem>>
      %dma_wait3A_204 = tpu.memref_squeeze %dma_wait3A_203 : memref<1x!tpu.dma_semaphore, #tpu.memory_space<semaphore_mem>> -> memref<!tpu.dma_semaphore, #tpu.memory_space<semaphore_mem>>
      tpu.wait_indirect_dma semaphore(%dma_wait3A_204 : memref<!tpu.dma_semaphore, #tpu.memory_space<semaphore_mem>>) src(%dma_wait3A_202 : memref<10016x8xf32, #tpu.memory_space<hbm>>) dst(%dma_wait3A_196 : memref<128x8xf32, #tpu.memory_space<vmem>>)
      %dma_start3A_205 = arith.constant 1 : i32
      %dma_start3A_206 = arith.constant 1 : i32
      %dma_start3A_207 = arith.constant 0 : i32
      %dma_start3A_208 = arith.constant 0 : i32
      %dma_start3A_209 = tpu.memref_slice %arg9[%dma_start3A_205, %dma_start3A_207, %dma_start3A_208] : memref<8x128x8xf32, #tpu.memory_space<vmem>> -> memref<1x128x8xf32, #tpu.memory_space<vmem>>
      %dma_start3A_210 = tpu.memref_squeeze %dma_start3A_209 : memref<1x128x8xf32, #tpu.memory_space<vmem>> -> memref<128x8xf32, #tpu.memory_space<vmem>>
      %dma_start3A_211 = arith.constant 0 : i32
      %dma_start3A_212 = tpu.memref_slice %arg8[%add3A_190, %dma_start3A_211] : memref<80x128xi32, #tpu.memory_space<vmem>> -> memref<1x128xi32, #tpu.memory_space<vmem>>
      %dma_start3A_213 = tpu.memref_squeeze %dma_start3A_212 : memref<1x128xi32, #tpu.memory_space<vmem>> -> memref<128xi32, #tpu.memory_space<vmem>>
      %dma_start3A_214 = arith.constant 0 : i32
      %dma_start3A_215 = arith.constant 0 : i32
      %dma_start3A_216 = tpu.memref_slice %arg10[%dma_start3A_214, %dma_start3A_215] : memref<10016x8xf32, #tpu.memory_space<vmem_shared>> -> memref<10016x8xf32, #tpu.memory_space<vmem_shared>>
      %dma_start3A_217 = tpu.memref_slice %arg12[%dma_start3A_206] : memref<8x!tpu.dma_semaphore, #tpu.memory_space<semaphore_mem>> -> memref<1x!tpu.dma_semaphore, #tpu.memory_space<semaphore_mem>>
      %dma_start3A_218 = tpu.memref_squeeze %dma_start3A_217 : memref<1x!tpu.dma_semaphore, #tpu.memory_space<semaphore_mem>> -> memref<!tpu.dma_semaphore, #tpu.memory_space<semaphore_mem>>
      tpu.enqueue_indirect_dma source(%dma_start3A_210 : memref<128x8xf32, #tpu.memory_space<vmem>>) target(%dma_start3A_216 : memref<10016x8xf32, #tpu.memory_space<vmem_shared>>) offsets(%dma_start3A_213 : memref<128xi32, #tpu.memory_space<vmem>>) semaphore(%dma_start3A_218 : memref<!tpu.dma_semaphore, #tpu.memory_space<semaphore_mem>>) {add = true}
      %add3A_219 = arith.constant 8 : i32
      %add3A_220 = arith.addi %add3A_190, %add3A_219 : i32
      %lt3A_221 = arith.constant 80 : i32
      %lt3A_222 = arith.cmpi slt, %add3A_220, %lt3A_221 : i32
      %convert_element_type3A_223 = arith.extui %lt3A_222 : i1 to i32
      %cond3A_224 = arith.constant 1 : i32
      %cond3A_225 = arith.constant 1 : i32
      %cond3A_226 = arith.constant 0 : i32
      %cond3A_227 = arith.cmpi ne, %convert_element_type3A_223, %cond3A_226 : i32
      scf.if %cond3A_227 {
        %dma_wait3A_537 = arith.constant 0 : i32
        %dma_wait3A_538 = arith.constant 0 : i32
        %dma_wait3A_539 = tpu.memref_slice %arg9[%cond3A_224, %dma_wait3A_537, %dma_wait3A_538] : memref<8x128x8xf32, #tpu.memory_space<vmem>> -> memref<1x128x8xf32, #tpu.memory_space<vmem>>
        %dma_wait3A_540 = tpu.memref_squeeze %dma_wait3A_539 : memref<1x128x8xf32, #tpu.memory_space<vmem>> -> memref<128x8xf32, #tpu.memory_space<vmem>>
        %dma_wait3A_541 = arith.constant 0 : i32
        %dma_wait3A_542 = tpu.memref_slice %arg8[%add3A_190, %dma_wait3A_541] : memref<80x128xi32, #tpu.memory_space<vmem>> -> memref<1x128xi32, #tpu.memory_space<vmem>>
        %dma_wait3A_543 = tpu.memref_squeeze %dma_wait3A_542 : memref<1x128xi32, #tpu.memory_space<vmem>> -> memref<128xi32, #tpu.memory_space<vmem>>
        %dma_wait3A_544 = arith.constant 0 : i32
        %dma_wait3A_545 = arith.constant 0 : i32
        %dma_wait3A_546 = tpu.memref_slice %arg10[%dma_wait3A_544, %dma_wait3A_545] : memref<10016x8xf32, #tpu.memory_space<vmem_shared>> -> memref<10016x8xf32, #tpu.memory_space<vmem_shared>>
        %dma_wait3A_547 = tpu.memref_slice %arg12[%cond3A_225] : memref<8x!tpu.dma_semaphore, #tpu.memory_space<semaphore_mem>> -> memref<1x!tpu.dma_semaphore, #tpu.memory_space<semaphore_mem>>
        %dma_wait3A_548 = tpu.memref_squeeze %dma_wait3A_547 : memref<1x!tpu.dma_semaphore, #tpu.memory_space<semaphore_mem>> -> memref<!tpu.dma_semaphore, #tpu.memory_space<semaphore_mem>>
        tpu.wait_indirect_dma semaphore(%dma_wait3A_548 : memref<!tpu.dma_semaphore, #tpu.memory_space<semaphore_mem>>) src(%dma_wait3A_540 : memref<128x8xf32, #tpu.memory_space<vmem>>) dst(%dma_wait3A_546 : memref<10016x8xf32, #tpu.memory_space<vmem_shared>>)
        %add3A_549 = arith.constant 8 : i32
        %add3A_550 = arith.addi %add3A_190, %add3A_549 : i32
        %dma_start3A_551 = arith.constant 1 : i32
        %dma_start3A_552 = arith.constant 1 : i32
        %dma_start3A_553 = arith.constant 0 : i32
        %dma_start3A_554 = arith.constant 0 : i32
        %dma_start3A_555 = tpu.memref_slice %arg9[%dma_start3A_551, %dma_start3A_553, %dma_start3A_554] : memref<8x128x8xf32, #tpu.memory_space<vmem>> -> memref<1x128x8xf32, #tpu.memory_space<vmem>>
        %dma_start3A_556 = tpu.memref_squeeze %dma_start3A_555 : memref<1x128x8xf32, #tpu.memory_space<vmem>> -> memref<128x8xf32, #tpu.memory_space<vmem>>
        %dma_start3A_557 = arith.constant 0 : i32
        %dma_start3A_558 = tpu.memref_slice %arg7[%add3A_550, %dma_start3A_557] : memref<80x128xi32, #tpu.memory_space<vmem>> -> memref<1x128xi32, #tpu.memory_space<vmem>>
        %dma_start3A_559 = tpu.memref_squeeze %dma_start3A_558 : memref<1x128xi32, #tpu.memory_space<vmem>> -> memref<128xi32, #tpu.memory_space<vmem>>
        %dma_start3A_560 = arith.constant 0 : i32
        %dma_start3A_561 = arith.constant 0 : i32
        %dma_start3A_562 = tpu.memref_slice %arg2[%dma_start3A_560, %dma_start3A_561] : memref<10016x8xf32, #tpu.memory_space<hbm>> -> memref<10016x8xf32, #tpu.memory_space<hbm>>
        %dma_start3A_563 = tpu.memref_slice %arg11[%dma_start3A_552] : memref<8x!tpu.dma_semaphore, #tpu.memory_space<semaphore_mem>> -> memref<1x!tpu.dma_semaphore, #tpu.memory_space<semaphore_mem>>
        %dma_start3A_564 = tpu.memref_squeeze %dma_start3A_563 : memref<1x!tpu.dma_semaphore, #tpu.memory_space<semaphore_mem>> -> memref<!tpu.dma_semaphore, #tpu.memory_space<semaphore_mem>>
        tpu.enqueue_indirect_dma source(%dma_start3A_562 : memref<10016x8xf32, #tpu.memory_space<hbm>>) target(%dma_start3A_556 : memref<128x8xf32, #tpu.memory_space<vmem>>) offsets(%dma_start3A_559 : memref<128xi32, #tpu.memory_space<vmem>>) semaphore(%dma_start3A_564 : memref<!tpu.dma_semaphore, #tpu.memory_space<semaphore_mem>>)
      } else {
      }
      %add3A_228 = arith.constant 8 : i32
      %add3A_229 = arith.addi %add3A_190, %add3A_228 : i32
      %ge3A_230 = arith.constant 80 : i32
      %ge3A_231 = arith.cmpi sge, %add3A_229, %ge3A_230 : i32
      %convert_element_type3A_232 = arith.extui %ge3A_231 : i1 to i32
      %cond3A_233 = arith.constant 1 : i32
      %cond3A_234 = arith.constant 1 : i32
      %cond3A_235 = arith.constant 0 : i32
      %cond3A_236 = arith.cmpi ne, %convert_element_type3A_232, %cond3A_235 : i32
      scf.if %cond3A_236 {
        %dma_wait3A_537 = arith.constant 0 : i32
        %dma_wait3A_538 = arith.constant 0 : i32
        %dma_wait3A_539 = tpu.memref_slice %arg9[%cond3A_233, %dma_wait3A_537, %dma_wait3A_538] : memref<8x128x8xf32, #tpu.memory_space<vmem>> -> memref<1x128x8xf32, #tpu.memory_space<vmem>>
        %dma_wait3A_540 = tpu.memref_squeeze %dma_wait3A_539 : memref<1x128x8xf32, #tpu.memory_space<vmem>> -> memref<128x8xf32, #tpu.memory_space<vmem>>
        %dma_wait3A_541 = arith.constant 0 : i32
        %dma_wait3A_542 = tpu.memref_slice %arg8[%add3A_190, %dma_wait3A_541] : memref<80x128xi32, #tpu.memory_space<vmem>> -> memref<1x128xi32, #tpu.memory_space<vmem>>
        %dma_wait3A_543 = tpu.memref_squeeze %dma_wait3A_542 : memref<1x128xi32, #tpu.memory_space<vmem>> -> memref<128xi32, #tpu.memory_space<vmem>>
        %dma_wait3A_544 = arith.constant 0 : i32
        %dma_wait3A_545 = arith.constant 0 : i32
        %dma_wait3A_546 = tpu.memref_slice %arg10[%dma_wait3A_544, %dma_wait3A_545] : memref<10016x8xf32, #tpu.memory_space<vmem_shared>> -> memref<10016x8xf32, #tpu.memory_space<vmem_shared>>
        %dma_wait3A_547 = tpu.memref_slice %arg12[%cond3A_234] : memref<8x!tpu.dma_semaphore, #tpu.memory_space<semaphore_mem>> -> memref<1x!tpu.dma_semaphore, #tpu.memory_space<semaphore_mem>>
        %dma_wait3A_548 = tpu.memref_squeeze %dma_wait3A_547 : memref<1x!tpu.dma_semaphore, #tpu.memory_space<semaphore_mem>> -> memref<!tpu.dma_semaphore, #tpu.memory_space<semaphore_mem>>
        tpu.wait_indirect_dma semaphore(%dma_wait3A_548 : memref<!tpu.dma_semaphore, #tpu.memory_space<semaphore_mem>>) src(%dma_wait3A_540 : memref<128x8xf32, #tpu.memory_space<vmem>>) dst(%dma_wait3A_546 : memref<10016x8xf32, #tpu.memory_space<vmem_shared>>)
      } else {
      }
      %mul3A_237 = arith.constant 8 : i32
      %mul3A_238 = arith.muli %scan3A_141, %mul3A_237 : i32
      %add3A_239 = arith.constant 2 : i32
      %add3A_240 = arith.addi %mul3A_238, %add3A_239 : i32
      %dma_wait3A_241 = arith.constant 2 : i32
      %dma_wait3A_242 = arith.constant 2 : i32
      %dma_wait3A_243 = arith.constant 0 : i32
      %dma_wait3A_244 = arith.constant 0 : i32
      %dma_wait3A_245 = tpu.memref_slice %arg9[%dma_wait3A_241, %dma_wait3A_243, %dma_wait3A_244] : memref<8x128x8xf32, #tpu.memory_space<vmem>> -> memref<1x128x8xf32, #tpu.memory_space<vmem>>
      %dma_wait3A_246 = tpu.memref_squeeze %dma_wait3A_245 : memref<1x128x8xf32, #tpu.memory_space<vmem>> -> memref<128x8xf32, #tpu.memory_space<vmem>>
      %dma_wait3A_247 = arith.constant 0 : i32
      %dma_wait3A_248 = tpu.memref_slice %arg7[%add3A_240, %dma_wait3A_247] : memref<80x128xi32, #tpu.memory_space<vmem>> -> memref<1x128xi32, #tpu.memory_space<vmem>>
      %dma_wait3A_249 = tpu.memref_squeeze %dma_wait3A_248 : memref<1x128xi32, #tpu.memory_space<vmem>> -> memref<128xi32, #tpu.memory_space<vmem>>
      %dma_wait3A_250 = arith.constant 0 : i32
      %dma_wait3A_251 = arith.constant 0 : i32
      %dma_wait3A_252 = tpu.memref_slice %arg2[%dma_wait3A_250, %dma_wait3A_251] : memref<10016x8xf32, #tpu.memory_space<hbm>> -> memref<10016x8xf32, #tpu.memory_space<hbm>>
      %dma_wait3A_253 = tpu.memref_slice %arg11[%dma_wait3A_242] : memref<8x!tpu.dma_semaphore, #tpu.memory_space<semaphore_mem>> -> memref<1x!tpu.dma_semaphore, #tpu.memory_space<semaphore_mem>>
      %dma_wait3A_254 = tpu.memref_squeeze %dma_wait3A_253 : memref<1x!tpu.dma_semaphore, #tpu.memory_space<semaphore_mem>> -> memref<!tpu.dma_semaphore, #tpu.memory_space<semaphore_mem>>
      tpu.wait_indirect_dma semaphore(%dma_wait3A_254 : memref<!tpu.dma_semaphore, #tpu.memory_space<semaphore_mem>>) src(%dma_wait3A_252 : memref<10016x8xf32, #tpu.memory_space<hbm>>) dst(%dma_wait3A_246 : memref<128x8xf32, #tpu.memory_space<vmem>>)
      %dma_start3A_255 = arith.constant 2 : i32
      %dma_start3A_256 = arith.constant 2 : i32
      %dma_start3A_257 = arith.constant 0 : i32
      %dma_start3A_258 = arith.constant 0 : i32
      %dma_start3A_259 = tpu.memref_slice %arg9[%dma_start3A_255, %dma_start3A_257, %dma_start3A_258] : memref<8x128x8xf32, #tpu.memory_space<vmem>> -> memref<1x128x8xf32, #tpu.memory_space<vmem>>
      %dma_start3A_260 = tpu.memref_squeeze %dma_start3A_259 : memref<1x128x8xf32, #tpu.memory_space<vmem>> -> memref<128x8xf32, #tpu.memory_space<vmem>>
      %dma_start3A_261 = arith.constant 0 : i32
      %dma_start3A_262 = tpu.memref_slice %arg8[%add3A_240, %dma_start3A_261] : memref<80x128xi32, #tpu.memory_space<vmem>> -> memref<1x128xi32, #tpu.memory_space<vmem>>
      %dma_start3A_263 = tpu.memref_squeeze %dma_start3A_262 : memref<1x128xi32, #tpu.memory_space<vmem>> -> memref<128xi32, #tpu.memory_space<vmem>>
      %dma_start3A_264 = arith.constant 0 : i32
      %dma_start3A_265 = arith.constant 0 : i32
      %dma_start3A_266 = tpu.memref_slice %arg10[%dma_start3A_264, %dma_start3A_265] : memref<10016x8xf32, #tpu.memory_space<vmem_shared>> -> memref<10016x8xf32, #tpu.memory_space<vmem_shared>>
      %dma_start3A_267 = tpu.memref_slice %arg12[%dma_start3A_256] : memref<8x!tpu.dma_semaphore, #tpu.memory_space<semaphore_mem>> -> memref<1x!tpu.dma_semaphore, #tpu.memory_space<semaphore_mem>>
      %dma_start3A_268 = tpu.memref_squeeze %dma_start3A_267 : memref<1x!tpu.dma_semaphore, #tpu.memory_space<semaphore_mem>> -> memref<!tpu.dma_semaphore, #tpu.memory_space<semaphore_mem>>
      tpu.enqueue_indirect_dma source(%dma_start3A_260 : memref<128x8xf32, #tpu.memory_space<vmem>>) target(%dma_start3A_266 : memref<10016x8xf32, #tpu.memory_space<vmem_shared>>) offsets(%dma_start3A_263 : memref<128xi32, #tpu.memory_space<vmem>>) semaphore(%dma_start3A_268 : memref<!tpu.dma_semaphore, #tpu.memory_space<semaphore_mem>>) {add = true}
      %add3A_269 = arith.constant 8 : i32
      %add3A_270 = arith.addi %add3A_240, %add3A_269 : i32
      %lt3A_271 = arith.constant 80 : i32
      %lt3A_272 = arith.cmpi slt, %add3A_270, %lt3A_271 : i32
      %convert_element_type3A_273 = arith.extui %lt3A_272 : i1 to i32
      %cond3A_274 = arith.constant 2 : i32
      %cond3A_275 = arith.constant 2 : i32
      %cond3A_276 = arith.constant 0 : i32
      %cond3A_277 = arith.cmpi ne, %convert_element_type3A_273, %cond3A_276 : i32
      scf.if %cond3A_277 {
        %dma_wait3A_537 = arith.constant 0 : i32
        %dma_wait3A_538 = arith.constant 0 : i32
        %dma_wait3A_539 = tpu.memref_slice %arg9[%cond3A_274, %dma_wait3A_537, %dma_wait3A_538] : memref<8x128x8xf32, #tpu.memory_space<vmem>> -> memref<1x128x8xf32, #tpu.memory_space<vmem>>
        %dma_wait3A_540 = tpu.memref_squeeze %dma_wait3A_539 : memref<1x128x8xf32, #tpu.memory_space<vmem>> -> memref<128x8xf32, #tpu.memory_space<vmem>>
        %dma_wait3A_541 = arith.constant 0 : i32
        %dma_wait3A_542 = tpu.memref_slice %arg8[%add3A_240, %dma_wait3A_541] : memref<80x128xi32, #tpu.memory_space<vmem>> -> memref<1x128xi32, #tpu.memory_space<vmem>>
        %dma_wait3A_543 = tpu.memref_squeeze %dma_wait3A_542 : memref<1x128xi32, #tpu.memory_space<vmem>> -> memref<128xi32, #tpu.memory_space<vmem>>
        %dma_wait3A_544 = arith.constant 0 : i32
        %dma_wait3A_545 = arith.constant 0 : i32
        %dma_wait3A_546 = tpu.memref_slice %arg10[%dma_wait3A_544, %dma_wait3A_545] : memref<10016x8xf32, #tpu.memory_space<vmem_shared>> -> memref<10016x8xf32, #tpu.memory_space<vmem_shared>>
        %dma_wait3A_547 = tpu.memref_slice %arg12[%cond3A_275] : memref<8x!tpu.dma_semaphore, #tpu.memory_space<semaphore_mem>> -> memref<1x!tpu.dma_semaphore, #tpu.memory_space<semaphore_mem>>
        %dma_wait3A_548 = tpu.memref_squeeze %dma_wait3A_547 : memref<1x!tpu.dma_semaphore, #tpu.memory_space<semaphore_mem>> -> memref<!tpu.dma_semaphore, #tpu.memory_space<semaphore_mem>>
        tpu.wait_indirect_dma semaphore(%dma_wait3A_548 : memref<!tpu.dma_semaphore, #tpu.memory_space<semaphore_mem>>) src(%dma_wait3A_540 : memref<128x8xf32, #tpu.memory_space<vmem>>) dst(%dma_wait3A_546 : memref<10016x8xf32, #tpu.memory_space<vmem_shared>>)
        %add3A_549 = arith.constant 8 : i32
        %add3A_550 = arith.addi %add3A_240, %add3A_549 : i32
        %dma_start3A_551 = arith.constant 2 : i32
        %dma_start3A_552 = arith.constant 2 : i32
        %dma_start3A_553 = arith.constant 0 : i32
        %dma_start3A_554 = arith.constant 0 : i32
        %dma_start3A_555 = tpu.memref_slice %arg9[%dma_start3A_551, %dma_start3A_553, %dma_start3A_554] : memref<8x128x8xf32, #tpu.memory_space<vmem>> -> memref<1x128x8xf32, #tpu.memory_space<vmem>>
        %dma_start3A_556 = tpu.memref_squeeze %dma_start3A_555 : memref<1x128x8xf32, #tpu.memory_space<vmem>> -> memref<128x8xf32, #tpu.memory_space<vmem>>
        %dma_start3A_557 = arith.constant 0 : i32
        %dma_start3A_558 = tpu.memref_slice %arg7[%add3A_550, %dma_start3A_557] : memref<80x128xi32, #tpu.memory_space<vmem>> -> memref<1x128xi32, #tpu.memory_space<vmem>>
        %dma_start3A_559 = tpu.memref_squeeze %dma_start3A_558 : memref<1x128xi32, #tpu.memory_space<vmem>> -> memref<128xi32, #tpu.memory_space<vmem>>
        %dma_start3A_560 = arith.constant 0 : i32
        %dma_start3A_561 = arith.constant 0 : i32
        %dma_start3A_562 = tpu.memref_slice %arg2[%dma_start3A_560, %dma_start3A_561] : memref<10016x8xf32, #tpu.memory_space<hbm>> -> memref<10016x8xf32, #tpu.memory_space<hbm>>
        %dma_start3A_563 = tpu.memref_slice %arg11[%dma_start3A_552] : memref<8x!tpu.dma_semaphore, #tpu.memory_space<semaphore_mem>> -> memref<1x!tpu.dma_semaphore, #tpu.memory_space<semaphore_mem>>
        %dma_start3A_564 = tpu.memref_squeeze %dma_start3A_563 : memref<1x!tpu.dma_semaphore, #tpu.memory_space<semaphore_mem>> -> memref<!tpu.dma_semaphore, #tpu.memory_space<semaphore_mem>>
        tpu.enqueue_indirect_dma source(%dma_start3A_562 : memref<10016x8xf32, #tpu.memory_space<hbm>>) target(%dma_start3A_556 : memref<128x8xf32, #tpu.memory_space<vmem>>) offsets(%dma_start3A_559 : memref<128xi32, #tpu.memory_space<vmem>>) semaphore(%dma_start3A_564 : memref<!tpu.dma_semaphore, #tpu.memory_space<semaphore_mem>>)
      } else {
      }
      %add3A_278 = arith.constant 8 : i32
      %add3A_279 = arith.addi %add3A_240, %add3A_278 : i32
      %ge3A_280 = arith.constant 80 : i32
      %ge3A_281 = arith.cmpi sge, %add3A_279, %ge3A_280 : i32
      %convert_element_type3A_282 = arith.extui %ge3A_281 : i1 to i32
      %cond3A_283 = arith.constant 2 : i32
      %cond3A_284 = arith.constant 2 : i32
      %cond3A_285 = arith.constant 0 : i32
      %cond3A_286 = arith.cmpi ne, %convert_element_type3A_282, %cond3A_285 : i32
      scf.if %cond3A_286 {
        %dma_wait3A_537 = arith.constant 0 : i32
        %dma_wait3A_538 = arith.constant 0 : i32
        %dma_wait3A_539 = tpu.memref_slice %arg9[%cond3A_283, %dma_wait3A_537, %dma_wait3A_538] : memref<8x128x8xf32, #tpu.memory_space<vmem>> -> memref<1x128x8xf32, #tpu.memory_space<vmem>>
        %dma_wait3A_540 = tpu.memref_squeeze %dma_wait3A_539 : memref<1x128x8xf32, #tpu.memory_space<vmem>> -> memref<128x8xf32, #tpu.memory_space<vmem>>
        %dma_wait3A_541 = arith.constant 0 : i32
        %dma_wait3A_542 = tpu.memref_slice %arg8[%add3A_240, %dma_wait3A_541] : memref<80x128xi32, #tpu.memory_space<vmem>> -> memref<1x128xi32, #tpu.memory_space<vmem>>
        %dma_wait3A_543 = tpu.memref_squeeze %dma_wait3A_542 : memref<1x128xi32, #tpu.memory_space<vmem>> -> memref<128xi32, #tpu.memory_space<vmem>>
        %dma_wait3A_544 = arith.constant 0 : i32
        %dma_wait3A_545 = arith.constant 0 : i32
        %dma_wait3A_546 = tpu.memref_slice %arg10[%dma_wait3A_544, %dma_wait3A_545] : memref<10016x8xf32, #tpu.memory_space<vmem_shared>> -> memref<10016x8xf32, #tpu.memory_space<vmem_shared>>
        %dma_wait3A_547 = tpu.memref_slice %arg12[%cond3A_284] : memref<8x!tpu.dma_semaphore, #tpu.memory_space<semaphore_mem>> -> memref<1x!tpu.dma_semaphore, #tpu.memory_space<semaphore_mem>>
        %dma_wait3A_548 = tpu.memref_squeeze %dma_wait3A_547 : memref<1x!tpu.dma_semaphore, #tpu.memory_space<semaphore_mem>> -> memref<!tpu.dma_semaphore, #tpu.memory_space<semaphore_mem>>
        tpu.wait_indirect_dma semaphore(%dma_wait3A_548 : memref<!tpu.dma_semaphore, #tpu.memory_space<semaphore_mem>>) src(%dma_wait3A_540 : memref<128x8xf32, #tpu.memory_space<vmem>>) dst(%dma_wait3A_546 : memref<10016x8xf32, #tpu.memory_space<vmem_shared>>)
      } else {
      }
      %mul3A_287 = arith.constant 8 : i32
      %mul3A_288 = arith.muli %scan3A_141, %mul3A_287 : i32
      %add3A_289 = arith.constant 3 : i32
      %add3A_290 = arith.addi %mul3A_288, %add3A_289 : i32
      %dma_wait3A_291 = arith.constant 3 : i32
      %dma_wait3A_292 = arith.constant 3 : i32
      %dma_wait3A_293 = arith.constant 0 : i32
      %dma_wait3A_294 = arith.constant 0 : i32
      %dma_wait3A_295 = tpu.memref_slice %arg9[%dma_wait3A_291, %dma_wait3A_293, %dma_wait3A_294] : memref<8x128x8xf32, #tpu.memory_space<vmem>> -> memref<1x128x8xf32, #tpu.memory_space<vmem>>
      %dma_wait3A_296 = tpu.memref_squeeze %dma_wait3A_295 : memref<1x128x8xf32, #tpu.memory_space<vmem>> -> memref<128x8xf32, #tpu.memory_space<vmem>>
      %dma_wait3A_297 = arith.constant 0 : i32
      %dma_wait3A_298 = tpu.memref_slice %arg7[%add3A_290, %dma_wait3A_297] : memref<80x128xi32, #tpu.memory_space<vmem>> -> memref<1x128xi32, #tpu.memory_space<vmem>>
      %dma_wait3A_299 = tpu.memref_squeeze %dma_wait3A_298 : memref<1x128xi32, #tpu.memory_space<vmem>> -> memref<128xi32, #tpu.memory_space<vmem>>
      %dma_wait3A_300 = arith.constant 0 : i32
      %dma_wait3A_301 = arith.constant 0 : i32
      %dma_wait3A_302 = tpu.memref_slice %arg2[%dma_wait3A_300, %dma_wait3A_301] : memref<10016x8xf32, #tpu.memory_space<hbm>> -> memref<10016x8xf32, #tpu.memory_space<hbm>>
      %dma_wait3A_303 = tpu.memref_slice %arg11[%dma_wait3A_292] : memref<8x!tpu.dma_semaphore, #tpu.memory_space<semaphore_mem>> -> memref<1x!tpu.dma_semaphore, #tpu.memory_space<semaphore_mem>>
      %dma_wait3A_304 = tpu.memref_squeeze %dma_wait3A_303 : memref<1x!tpu.dma_semaphore, #tpu.memory_space<semaphore_mem>> -> memref<!tpu.dma_semaphore, #tpu.memory_space<semaphore_mem>>
      tpu.wait_indirect_dma semaphore(%dma_wait3A_304 : memref<!tpu.dma_semaphore, #tpu.memory_space<semaphore_mem>>) src(%dma_wait3A_302 : memref<10016x8xf32, #tpu.memory_space<hbm>>) dst(%dma_wait3A_296 : memref<128x8xf32, #tpu.memory_space<vmem>>)
      %dma_start3A_305 = arith.constant 3 : i32
      %dma_start3A_306 = arith.constant 3 : i32
      %dma_start3A_307 = arith.constant 0 : i32
      %dma_start3A_308 = arith.constant 0 : i32
      %dma_start3A_309 = tpu.memref_slice %arg9[%dma_start3A_305, %dma_start3A_307, %dma_start3A_308] : memref<8x128x8xf32, #tpu.memory_space<vmem>> -> memref<1x128x8xf32, #tpu.memory_space<vmem>>
      %dma_start3A_310 = tpu.memref_squeeze %dma_start3A_309 : memref<1x128x8xf32, #tpu.memory_space<vmem>> -> memref<128x8xf32, #tpu.memory_space<vmem>>
      %dma_start3A_311 = arith.constant 0 : i32
      %dma_start3A_312 = tpu.memref_slice %arg8[%add3A_290, %dma_start3A_311] : memref<80x128xi32, #tpu.memory_space<vmem>> -> memref<1x128xi32, #tpu.memory_space<vmem>>
      %dma_start3A_313 = tpu.memref_squeeze %dma_start3A_312 : memref<1x128xi32, #tpu.memory_space<vmem>> -> memref<128xi32, #tpu.memory_space<vmem>>
      %dma_start3A_314 = arith.constant 0 : i32
      %dma_start3A_315 = arith.constant 0 : i32
      %dma_start3A_316 = tpu.memref_slice %arg10[%dma_start3A_314, %dma_start3A_315] : memref<10016x8xf32, #tpu.memory_space<vmem_shared>> -> memref<10016x8xf32, #tpu.memory_space<vmem_shared>>
      %dma_start3A_317 = tpu.memref_slice %arg12[%dma_start3A_306] : memref<8x!tpu.dma_semaphore, #tpu.memory_space<semaphore_mem>> -> memref<1x!tpu.dma_semaphore, #tpu.memory_space<semaphore_mem>>
      %dma_start3A_318 = tpu.memref_squeeze %dma_start3A_317 : memref<1x!tpu.dma_semaphore, #tpu.memory_space<semaphore_mem>> -> memref<!tpu.dma_semaphore, #tpu.memory_space<semaphore_mem>>
      tpu.enqueue_indirect_dma source(%dma_start3A_310 : memref<128x8xf32, #tpu.memory_space<vmem>>) target(%dma_start3A_316 : memref<10016x8xf32, #tpu.memory_space<vmem_shared>>) offsets(%dma_start3A_313 : memref<128xi32, #tpu.memory_space<vmem>>) semaphore(%dma_start3A_318 : memref<!tpu.dma_semaphore, #tpu.memory_space<semaphore_mem>>) {add = true}
      %add3A_319 = arith.constant 8 : i32
      %add3A_320 = arith.addi %add3A_290, %add3A_319 : i32
      %lt3A_321 = arith.constant 80 : i32
      %lt3A_322 = arith.cmpi slt, %add3A_320, %lt3A_321 : i32
      %convert_element_type3A_323 = arith.extui %lt3A_322 : i1 to i32
      %cond3A_324 = arith.constant 3 : i32
      %cond3A_325 = arith.constant 3 : i32
      %cond3A_326 = arith.constant 0 : i32
      %cond3A_327 = arith.cmpi ne, %convert_element_type3A_323, %cond3A_326 : i32
      scf.if %cond3A_327 {
        %dma_wait3A_537 = arith.constant 0 : i32
        %dma_wait3A_538 = arith.constant 0 : i32
        %dma_wait3A_539 = tpu.memref_slice %arg9[%cond3A_324, %dma_wait3A_537, %dma_wait3A_538] : memref<8x128x8xf32, #tpu.memory_space<vmem>> -> memref<1x128x8xf32, #tpu.memory_space<vmem>>
        %dma_wait3A_540 = tpu.memref_squeeze %dma_wait3A_539 : memref<1x128x8xf32, #tpu.memory_space<vmem>> -> memref<128x8xf32, #tpu.memory_space<vmem>>
        %dma_wait3A_541 = arith.constant 0 : i32
        %dma_wait3A_542 = tpu.memref_slice %arg8[%add3A_290, %dma_wait3A_541] : memref<80x128xi32, #tpu.memory_space<vmem>> -> memref<1x128xi32, #tpu.memory_space<vmem>>
        %dma_wait3A_543 = tpu.memref_squeeze %dma_wait3A_542 : memref<1x128xi32, #tpu.memory_space<vmem>> -> memref<128xi32, #tpu.memory_space<vmem>>
        %dma_wait3A_544 = arith.constant 0 : i32
        %dma_wait3A_545 = arith.constant 0 : i32
        %dma_wait3A_546 = tpu.memref_slice %arg10[%dma_wait3A_544, %dma_wait3A_545] : memref<10016x8xf32, #tpu.memory_space<vmem_shared>> -> memref<10016x8xf32, #tpu.memory_space<vmem_shared>>
        %dma_wait3A_547 = tpu.memref_slice %arg12[%cond3A_325] : memref<8x!tpu.dma_semaphore, #tpu.memory_space<semaphore_mem>> -> memref<1x!tpu.dma_semaphore, #tpu.memory_space<semaphore_mem>>
        %dma_wait3A_548 = tpu.memref_squeeze %dma_wait3A_547 : memref<1x!tpu.dma_semaphore, #tpu.memory_space<semaphore_mem>> -> memref<!tpu.dma_semaphore, #tpu.memory_space<semaphore_mem>>
        tpu.wait_indirect_dma semaphore(%dma_wait3A_548 : memref<!tpu.dma_semaphore, #tpu.memory_space<semaphore_mem>>) src(%dma_wait3A_540 : memref<128x8xf32, #tpu.memory_space<vmem>>) dst(%dma_wait3A_546 : memref<10016x8xf32, #tpu.memory_space<vmem_shared>>)
        %add3A_549 = arith.constant 8 : i32
        %add3A_550 = arith.addi %add3A_290, %add3A_549 : i32
        %dma_start3A_551 = arith.constant 3 : i32
        %dma_start3A_552 = arith.constant 3 : i32
        %dma_start3A_553 = arith.constant 0 : i32
        %dma_start3A_554 = arith.constant 0 : i32
        %dma_start3A_555 = tpu.memref_slice %arg9[%dma_start3A_551, %dma_start3A_553, %dma_start3A_554] : memref<8x128x8xf32, #tpu.memory_space<vmem>> -> memref<1x128x8xf32, #tpu.memory_space<vmem>>
        %dma_start3A_556 = tpu.memref_squeeze %dma_start3A_555 : memref<1x128x8xf32, #tpu.memory_space<vmem>> -> memref<128x8xf32, #tpu.memory_space<vmem>>
        %dma_start3A_557 = arith.constant 0 : i32
        %dma_start3A_558 = tpu.memref_slice %arg7[%add3A_550, %dma_start3A_557] : memref<80x128xi32, #tpu.memory_space<vmem>> -> memref<1x128xi32, #tpu.memory_space<vmem>>
        %dma_start3A_559 = tpu.memref_squeeze %dma_start3A_558 : memref<1x128xi32, #tpu.memory_space<vmem>> -> memref<128xi32, #tpu.memory_space<vmem>>
        %dma_start3A_560 = arith.constant 0 : i32
        %dma_start3A_561 = arith.constant 0 : i32
        %dma_start3A_562 = tpu.memref_slice %arg2[%dma_start3A_560, %dma_start3A_561] : memref<10016x8xf32, #tpu.memory_space<hbm>> -> memref<10016x8xf32, #tpu.memory_space<hbm>>
        %dma_start3A_563 = tpu.memref_slice %arg11[%dma_start3A_552] : memref<8x!tpu.dma_semaphore, #tpu.memory_space<semaphore_mem>> -> memref<1x!tpu.dma_semaphore, #tpu.memory_space<semaphore_mem>>
        %dma_start3A_564 = tpu.memref_squeeze %dma_start3A_563 : memref<1x!tpu.dma_semaphore, #tpu.memory_space<semaphore_mem>> -> memref<!tpu.dma_semaphore, #tpu.memory_space<semaphore_mem>>
        tpu.enqueue_indirect_dma source(%dma_start3A_562 : memref<10016x8xf32, #tpu.memory_space<hbm>>) target(%dma_start3A_556 : memref<128x8xf32, #tpu.memory_space<vmem>>) offsets(%dma_start3A_559 : memref<128xi32, #tpu.memory_space<vmem>>) semaphore(%dma_start3A_564 : memref<!tpu.dma_semaphore, #tpu.memory_space<semaphore_mem>>)
      } else {
      }
      %add3A_328 = arith.constant 8 : i32
      %add3A_329 = arith.addi %add3A_290, %add3A_328 : i32
      %ge3A_330 = arith.constant 80 : i32
      %ge3A_331 = arith.cmpi sge, %add3A_329, %ge3A_330 : i32
      %convert_element_type3A_332 = arith.extui %ge3A_331 : i1 to i32
      %cond3A_333 = arith.constant 3 : i32
      %cond3A_334 = arith.constant 3 : i32
      %cond3A_335 = arith.constant 0 : i32
      %cond3A_336 = arith.cmpi ne, %convert_element_type3A_332, %cond3A_335 : i32
      scf.if %cond3A_336 {
        %dma_wait3A_537 = arith.constant 0 : i32
        %dma_wait3A_538 = arith.constant 0 : i32
        %dma_wait3A_539 = tpu.memref_slice %arg9[%cond3A_333, %dma_wait3A_537, %dma_wait3A_538] : memref<8x128x8xf32, #tpu.memory_space<vmem>> -> memref<1x128x8xf32, #tpu.memory_space<vmem>>
        %dma_wait3A_540 = tpu.memref_squeeze %dma_wait3A_539 : memref<1x128x8xf32, #tpu.memory_space<vmem>> -> memref<128x8xf32, #tpu.memory_space<vmem>>
        %dma_wait3A_541 = arith.constant 0 : i32
        %dma_wait3A_542 = tpu.memref_slice %arg8[%add3A_290, %dma_wait3A_541] : memref<80x128xi32, #tpu.memory_space<vmem>> -> memref<1x128xi32, #tpu.memory_space<vmem>>
        %dma_wait3A_543 = tpu.memref_squeeze %dma_wait3A_542 : memref<1x128xi32, #tpu.memory_space<vmem>> -> memref<128xi32, #tpu.memory_space<vmem>>
        %dma_wait3A_544 = arith.constant 0 : i32
        %dma_wait3A_545 = arith.constant 0 : i32
        %dma_wait3A_546 = tpu.memref_slice %arg10[%dma_wait3A_544, %dma_wait3A_545] : memref<10016x8xf32, #tpu.memory_space<vmem_shared>> -> memref<10016x8xf32, #tpu.memory_space<vmem_shared>>
        %dma_wait3A_547 = tpu.memref_slice %arg12[%cond3A_334] : memref<8x!tpu.dma_semaphore, #tpu.memory_space<semaphore_mem>> -> memref<1x!tpu.dma_semaphore, #tpu.memory_space<semaphore_mem>>
        %dma_wait3A_548 = tpu.memref_squeeze %dma_wait3A_547 : memref<1x!tpu.dma_semaphore, #tpu.memory_space<semaphore_mem>> -> memref<!tpu.dma_semaphore, #tpu.memory_space<semaphore_mem>>
        tpu.wait_indirect_dma semaphore(%dma_wait3A_548 : memref<!tpu.dma_semaphore, #tpu.memory_space<semaphore_mem>>) src(%dma_wait3A_540 : memref<128x8xf32, #tpu.memory_space<vmem>>) dst(%dma_wait3A_546 : memref<10016x8xf32, #tpu.memory_space<vmem_shared>>)
      } else {
      }
      %mul3A_337 = arith.constant 8 : i32
      %mul3A_338 = arith.muli %scan3A_141, %mul3A_337 : i32
      %add3A_339 = arith.constant 4 : i32
      %add3A_340 = arith.addi %mul3A_338, %add3A_339 : i32
      %dma_wait3A_341 = arith.constant 4 : i32
      %dma_wait3A_342 = arith.constant 4 : i32
      %dma_wait3A_343 = arith.constant 0 : i32
      %dma_wait3A_344 = arith.constant 0 : i32
      %dma_wait3A_345 = tpu.memref_slice %arg9[%dma_wait3A_341, %dma_wait3A_343, %dma_wait3A_344] : memref<8x128x8xf32, #tpu.memory_space<vmem>> -> memref<1x128x8xf32, #tpu.memory_space<vmem>>
      %dma_wait3A_346 = tpu.memref_squeeze %dma_wait3A_345 : memref<1x128x8xf32, #tpu.memory_space<vmem>> -> memref<128x8xf32, #tpu.memory_space<vmem>>
      %dma_wait3A_347 = arith.constant 0 : i32
      %dma_wait3A_348 = tpu.memref_slice %arg7[%add3A_340, %dma_wait3A_347] : memref<80x128xi32, #tpu.memory_space<vmem>> -> memref<1x128xi32, #tpu.memory_space<vmem>>
      %dma_wait3A_349 = tpu.memref_squeeze %dma_wait3A_348 : memref<1x128xi32, #tpu.memory_space<vmem>> -> memref<128xi32, #tpu.memory_space<vmem>>
      %dma_wait3A_350 = arith.constant 0 : i32
      %dma_wait3A_351 = arith.constant 0 : i32
      %dma_wait3A_352 = tpu.memref_slice %arg2[%dma_wait3A_350, %dma_wait3A_351] : memref<10016x8xf32, #tpu.memory_space<hbm>> -> memref<10016x8xf32, #tpu.memory_space<hbm>>
      %dma_wait3A_353 = tpu.memref_slice %arg11[%dma_wait3A_342] : memref<8x!tpu.dma_semaphore, #tpu.memory_space<semaphore_mem>> -> memref<1x!tpu.dma_semaphore, #tpu.memory_space<semaphore_mem>>
      %dma_wait3A_354 = tpu.memref_squeeze %dma_wait3A_353 : memref<1x!tpu.dma_semaphore, #tpu.memory_space<semaphore_mem>> -> memref<!tpu.dma_semaphore, #tpu.memory_space<semaphore_mem>>
      tpu.wait_indirect_dma semaphore(%dma_wait3A_354 : memref<!tpu.dma_semaphore, #tpu.memory_space<semaphore_mem>>) src(%dma_wait3A_352 : memref<10016x8xf32, #tpu.memory_space<hbm>>) dst(%dma_wait3A_346 : memref<128x8xf32, #tpu.memory_space<vmem>>)
      %dma_start3A_355 = arith.constant 4 : i32
      %dma_start3A_356 = arith.constant 4 : i32
      %dma_start3A_357 = arith.constant 0 : i32
      %dma_start3A_358 = arith.constant 0 : i32
      %dma_start3A_359 = tpu.memref_slice %arg9[%dma_start3A_355, %dma_start3A_357, %dma_start3A_358] : memref<8x128x8xf32, #tpu.memory_space<vmem>> -> memref<1x128x8xf32, #tpu.memory_space<vmem>>
      %dma_start3A_360 = tpu.memref_squeeze %dma_start3A_359 : memref<1x128x8xf32, #tpu.memory_space<vmem>> -> memref<128x8xf32, #tpu.memory_space<vmem>>
      %dma_start3A_361 = arith.constant 0 : i32
      %dma_start3A_362 = tpu.memref_slice %arg8[%add3A_340, %dma_start3A_361] : memref<80x128xi32, #tpu.memory_space<vmem>> -> memref<1x128xi32, #tpu.memory_space<vmem>>
      %dma_start3A_363 = tpu.memref_squeeze %dma_start3A_362 : memref<1x128xi32, #tpu.memory_space<vmem>> -> memref<128xi32, #tpu.memory_space<vmem>>
      %dma_start3A_364 = arith.constant 0 : i32
      %dma_start3A_365 = arith.constant 0 : i32
      %dma_start3A_366 = tpu.memref_slice %arg10[%dma_start3A_364, %dma_start3A_365] : memref<10016x8xf32, #tpu.memory_space<vmem_shared>> -> memref<10016x8xf32, #tpu.memory_space<vmem_shared>>
      %dma_start3A_367 = tpu.memref_slice %arg12[%dma_start3A_356] : memref<8x!tpu.dma_semaphore, #tpu.memory_space<semaphore_mem>> -> memref<1x!tpu.dma_semaphore, #tpu.memory_space<semaphore_mem>>
      %dma_start3A_368 = tpu.memref_squeeze %dma_start3A_367 : memref<1x!tpu.dma_semaphore, #tpu.memory_space<semaphore_mem>> -> memref<!tpu.dma_semaphore, #tpu.memory_space<semaphore_mem>>
      tpu.enqueue_indirect_dma source(%dma_start3A_360 : memref<128x8xf32, #tpu.memory_space<vmem>>) target(%dma_start3A_366 : memref<10016x8xf32, #tpu.memory_space<vmem_shared>>) offsets(%dma_start3A_363 : memref<128xi32, #tpu.memory_space<vmem>>) semaphore(%dma_start3A_368 : memref<!tpu.dma_semaphore, #tpu.memory_space<semaphore_mem>>) {add = true}
      %add3A_369 = arith.constant 8 : i32
      %add3A_370 = arith.addi %add3A_340, %add3A_369 : i32
      %lt3A_371 = arith.constant 80 : i32
      %lt3A_372 = arith.cmpi slt, %add3A_370, %lt3A_371 : i32
      %convert_element_type3A_373 = arith.extui %lt3A_372 : i1 to i32
      %cond3A_374 = arith.constant 4 : i32
      %cond3A_375 = arith.constant 4 : i32
      %cond3A_376 = arith.constant 0 : i32
      %cond3A_377 = arith.cmpi ne, %convert_element_type3A_373, %cond3A_376 : i32
      scf.if %cond3A_377 {
        %dma_wait3A_537 = arith.constant 0 : i32
        %dma_wait3A_538 = arith.constant 0 : i32
        %dma_wait3A_539 = tpu.memref_slice %arg9[%cond3A_374, %dma_wait3A_537, %dma_wait3A_538] : memref<8x128x8xf32, #tpu.memory_space<vmem>> -> memref<1x128x8xf32, #tpu.memory_space<vmem>>
        %dma_wait3A_540 = tpu.memref_squeeze %dma_wait3A_539 : memref<1x128x8xf32, #tpu.memory_space<vmem>> -> memref<128x8xf32, #tpu.memory_space<vmem>>
        %dma_wait3A_541 = arith.constant 0 : i32
        %dma_wait3A_542 = tpu.memref_slice %arg8[%add3A_340, %dma_wait3A_541] : memref<80x128xi32, #tpu.memory_space<vmem>> -> memref<1x128xi32, #tpu.memory_space<vmem>>
        %dma_wait3A_543 = tpu.memref_squeeze %dma_wait3A_542 : memref<1x128xi32, #tpu.memory_space<vmem>> -> memref<128xi32, #tpu.memory_space<vmem>>
        %dma_wait3A_544 = arith.constant 0 : i32
        %dma_wait3A_545 = arith.constant 0 : i32
        %dma_wait3A_546 = tpu.memref_slice %arg10[%dma_wait3A_544, %dma_wait3A_545] : memref<10016x8xf32, #tpu.memory_space<vmem_shared>> -> memref<10016x8xf32, #tpu.memory_space<vmem_shared>>
        %dma_wait3A_547 = tpu.memref_slice %arg12[%cond3A_375] : memref<8x!tpu.dma_semaphore, #tpu.memory_space<semaphore_mem>> -> memref<1x!tpu.dma_semaphore, #tpu.memory_space<semaphore_mem>>
        %dma_wait3A_548 = tpu.memref_squeeze %dma_wait3A_547 : memref<1x!tpu.dma_semaphore, #tpu.memory_space<semaphore_mem>> -> memref<!tpu.dma_semaphore, #tpu.memory_space<semaphore_mem>>
        tpu.wait_indirect_dma semaphore(%dma_wait3A_548 : memref<!tpu.dma_semaphore, #tpu.memory_space<semaphore_mem>>) src(%dma_wait3A_540 : memref<128x8xf32, #tpu.memory_space<vmem>>) dst(%dma_wait3A_546 : memref<10016x8xf32, #tpu.memory_space<vmem_shared>>)
        %add3A_549 = arith.constant 8 : i32
        %add3A_550 = arith.addi %add3A_340, %add3A_549 : i32
        %dma_start3A_551 = arith.constant 4 : i32
        %dma_start3A_552 = arith.constant 4 : i32
        %dma_start3A_553 = arith.constant 0 : i32
        %dma_start3A_554 = arith.constant 0 : i32
        %dma_start3A_555 = tpu.memref_slice %arg9[%dma_start3A_551, %dma_start3A_553, %dma_start3A_554] : memref<8x128x8xf32, #tpu.memory_space<vmem>> -> memref<1x128x8xf32, #tpu.memory_space<vmem>>
        %dma_start3A_556 = tpu.memref_squeeze %dma_start3A_555 : memref<1x128x8xf32, #tpu.memory_space<vmem>> -> memref<128x8xf32, #tpu.memory_space<vmem>>
        %dma_start3A_557 = arith.constant 0 : i32
        %dma_start3A_558 = tpu.memref_slice %arg7[%add3A_550, %dma_start3A_557] : memref<80x128xi32, #tpu.memory_space<vmem>> -> memref<1x128xi32, #tpu.memory_space<vmem>>
        %dma_start3A_559 = tpu.memref_squeeze %dma_start3A_558 : memref<1x128xi32, #tpu.memory_space<vmem>> -> memref<128xi32, #tpu.memory_space<vmem>>
        %dma_start3A_560 = arith.constant 0 : i32
        %dma_start3A_561 = arith.constant 0 : i32
        %dma_start3A_562 = tpu.memref_slice %arg2[%dma_start3A_560, %dma_start3A_561] : memref<10016x8xf32, #tpu.memory_space<hbm>> -> memref<10016x8xf32, #tpu.memory_space<hbm>>
        %dma_start3A_563 = tpu.memref_slice %arg11[%dma_start3A_552] : memref<8x!tpu.dma_semaphore, #tpu.memory_space<semaphore_mem>> -> memref<1x!tpu.dma_semaphore, #tpu.memory_space<semaphore_mem>>
        %dma_start3A_564 = tpu.memref_squeeze %dma_start3A_563 : memref<1x!tpu.dma_semaphore, #tpu.memory_space<semaphore_mem>> -> memref<!tpu.dma_semaphore, #tpu.memory_space<semaphore_mem>>
        tpu.enqueue_indirect_dma source(%dma_start3A_562 : memref<10016x8xf32, #tpu.memory_space<hbm>>) target(%dma_start3A_556 : memref<128x8xf32, #tpu.memory_space<vmem>>) offsets(%dma_start3A_559 : memref<128xi32, #tpu.memory_space<vmem>>) semaphore(%dma_start3A_564 : memref<!tpu.dma_semaphore, #tpu.memory_space<semaphore_mem>>)
      } else {
      }
      %add3A_378 = arith.constant 8 : i32
      %add3A_379 = arith.addi %add3A_340, %add3A_378 : i32
      %ge3A_380 = arith.constant 80 : i32
      %ge3A_381 = arith.cmpi sge, %add3A_379, %ge3A_380 : i32
      %convert_element_type3A_382 = arith.extui %ge3A_381 : i1 to i32
      %cond3A_383 = arith.constant 4 : i32
      %cond3A_384 = arith.constant 4 : i32
      %cond3A_385 = arith.constant 0 : i32
      %cond3A_386 = arith.cmpi ne, %convert_element_type3A_382, %cond3A_385 : i32
      scf.if %cond3A_386 {
        %dma_wait3A_537 = arith.constant 0 : i32
        %dma_wait3A_538 = arith.constant 0 : i32
        %dma_wait3A_539 = tpu.memref_slice %arg9[%cond3A_383, %dma_wait3A_537, %dma_wait3A_538] : memref<8x128x8xf32, #tpu.memory_space<vmem>> -> memref<1x128x8xf32, #tpu.memory_space<vmem>>
        %dma_wait3A_540 = tpu.memref_squeeze %dma_wait3A_539 : memref<1x128x8xf32, #tpu.memory_space<vmem>> -> memref<128x8xf32, #tpu.memory_space<vmem>>
        %dma_wait3A_541 = arith.constant 0 : i32
        %dma_wait3A_542 = tpu.memref_slice %arg8[%add3A_340, %dma_wait3A_541] : memref<80x128xi32, #tpu.memory_space<vmem>> -> memref<1x128xi32, #tpu.memory_space<vmem>>
        %dma_wait3A_543 = tpu.memref_squeeze %dma_wait3A_542 : memref<1x128xi32, #tpu.memory_space<vmem>> -> memref<128xi32, #tpu.memory_space<vmem>>
        %dma_wait3A_544 = arith.constant 0 : i32
        %dma_wait3A_545 = arith.constant 0 : i32
        %dma_wait3A_546 = tpu.memref_slice %arg10[%dma_wait3A_544, %dma_wait3A_545] : memref<10016x8xf32, #tpu.memory_space<vmem_shared>> -> memref<10016x8xf32, #tpu.memory_space<vmem_shared>>
        %dma_wait3A_547 = tpu.memref_slice %arg12[%cond3A_384] : memref<8x!tpu.dma_semaphore, #tpu.memory_space<semaphore_mem>> -> memref<1x!tpu.dma_semaphore, #tpu.memory_space<semaphore_mem>>
        %dma_wait3A_548 = tpu.memref_squeeze %dma_wait3A_547 : memref<1x!tpu.dma_semaphore, #tpu.memory_space<semaphore_mem>> -> memref<!tpu.dma_semaphore, #tpu.memory_space<semaphore_mem>>
        tpu.wait_indirect_dma semaphore(%dma_wait3A_548 : memref<!tpu.dma_semaphore, #tpu.memory_space<semaphore_mem>>) src(%dma_wait3A_540 : memref<128x8xf32, #tpu.memory_space<vmem>>) dst(%dma_wait3A_546 : memref<10016x8xf32, #tpu.memory_space<vmem_shared>>)
      } else {
      }
      %mul3A_387 = arith.constant 8 : i32
      %mul3A_388 = arith.muli %scan3A_141, %mul3A_387 : i32
      %add3A_389 = arith.constant 5 : i32
      %add3A_390 = arith.addi %mul3A_388, %add3A_389 : i32
      %dma_wait3A_391 = arith.constant 5 : i32
      %dma_wait3A_392 = arith.constant 5 : i32
      %dma_wait3A_393 = arith.constant 0 : i32
      %dma_wait3A_394 = arith.constant 0 : i32
      %dma_wait3A_395 = tpu.memref_slice %arg9[%dma_wait3A_391, %dma_wait3A_393, %dma_wait3A_394] : memref<8x128x8xf32, #tpu.memory_space<vmem>> -> memref<1x128x8xf32, #tpu.memory_space<vmem>>
      %dma_wait3A_396 = tpu.memref_squeeze %dma_wait3A_395 : memref<1x128x8xf32, #tpu.memory_space<vmem>> -> memref<128x8xf32, #tpu.memory_space<vmem>>
      %dma_wait3A_397 = arith.constant 0 : i32
      %dma_wait3A_398 = tpu.memref_slice %arg7[%add3A_390, %dma_wait3A_397] : memref<80x128xi32, #tpu.memory_space<vmem>> -> memref<1x128xi32, #tpu.memory_space<vmem>>
      %dma_wait3A_399 = tpu.memref_squeeze %dma_wait3A_398 : memref<1x128xi32, #tpu.memory_space<vmem>> -> memref<128xi32, #tpu.memory_space<vmem>>
      %dma_wait3A_400 = arith.constant 0 : i32
      %dma_wait3A_401 = arith.constant 0 : i32
      %dma_wait3A_402 = tpu.memref_slice %arg2[%dma_wait3A_400, %dma_wait3A_401] : memref<10016x8xf32, #tpu.memory_space<hbm>> -> memref<10016x8xf32, #tpu.memory_space<hbm>>
      %dma_wait3A_403 = tpu.memref_slice %arg11[%dma_wait3A_392] : memref<8x!tpu.dma_semaphore, #tpu.memory_space<semaphore_mem>> -> memref<1x!tpu.dma_semaphore, #tpu.memory_space<semaphore_mem>>
      %dma_wait3A_404 = tpu.memref_squeeze %dma_wait3A_403 : memref<1x!tpu.dma_semaphore, #tpu.memory_space<semaphore_mem>> -> memref<!tpu.dma_semaphore, #tpu.memory_space<semaphore_mem>>
      tpu.wait_indirect_dma semaphore(%dma_wait3A_404 : memref<!tpu.dma_semaphore, #tpu.memory_space<semaphore_mem>>) src(%dma_wait3A_402 : memref<10016x8xf32, #tpu.memory_space<hbm>>) dst(%dma_wait3A_396 : memref<128x8xf32, #tpu.memory_space<vmem>>)
      %dma_start3A_405 = arith.constant 5 : i32
      %dma_start3A_406 = arith.constant 5 : i32
      %dma_start3A_407 = arith.constant 0 : i32
      %dma_start3A_408 = arith.constant 0 : i32
      %dma_start3A_409 = tpu.memref_slice %arg9[%dma_start3A_405, %dma_start3A_407, %dma_start3A_408] : memref<8x128x8xf32, #tpu.memory_space<vmem>> -> memref<1x128x8xf32, #tpu.memory_space<vmem>>
      %dma_start3A_410 = tpu.memref_squeeze %dma_start3A_409 : memref<1x128x8xf32, #tpu.memory_space<vmem>> -> memref<128x8xf32, #tpu.memory_space<vmem>>
      %dma_start3A_411 = arith.constant 0 : i32
      %dma_start3A_412 = tpu.memref_slice %arg8[%add3A_390, %dma_start3A_411] : memref<80x128xi32, #tpu.memory_space<vmem>> -> memref<1x128xi32, #tpu.memory_space<vmem>>
      %dma_start3A_413 = tpu.memref_squeeze %dma_start3A_412 : memref<1x128xi32, #tpu.memory_space<vmem>> -> memref<128xi32, #tpu.memory_space<vmem>>
      %dma_start3A_414 = arith.constant 0 : i32
      %dma_start3A_415 = arith.constant 0 : i32
      %dma_start3A_416 = tpu.memref_slice %arg10[%dma_start3A_414, %dma_start3A_415] : memref<10016x8xf32, #tpu.memory_space<vmem_shared>> -> memref<10016x8xf32, #tpu.memory_space<vmem_shared>>
      %dma_start3A_417 = tpu.memref_slice %arg12[%dma_start3A_406] : memref<8x!tpu.dma_semaphore, #tpu.memory_space<semaphore_mem>> -> memref<1x!tpu.dma_semaphore, #tpu.memory_space<semaphore_mem>>
      %dma_start3A_418 = tpu.memref_squeeze %dma_start3A_417 : memref<1x!tpu.dma_semaphore, #tpu.memory_space<semaphore_mem>> -> memref<!tpu.dma_semaphore, #tpu.memory_space<semaphore_mem>>
      tpu.enqueue_indirect_dma source(%dma_start3A_410 : memref<128x8xf32, #tpu.memory_space<vmem>>) target(%dma_start3A_416 : memref<10016x8xf32, #tpu.memory_space<vmem_shared>>) offsets(%dma_start3A_413 : memref<128xi32, #tpu.memory_space<vmem>>) semaphore(%dma_start3A_418 : memref<!tpu.dma_semaphore, #tpu.memory_space<semaphore_mem>>) {add = true}
      %add3A_419 = arith.constant 8 : i32
      %add3A_420 = arith.addi %add3A_390, %add3A_419 : i32
      %lt3A_421 = arith.constant 80 : i32
      %lt3A_422 = arith.cmpi slt, %add3A_420, %lt3A_421 : i32
      %convert_element_type3A_423 = arith.extui %lt3A_422 : i1 to i32
      %cond3A_424 = arith.constant 5 : i32
      %cond3A_425 = arith.constant 5 : i32
      %cond3A_426 = arith.constant 0 : i32
      %cond3A_427 = arith.cmpi ne, %convert_element_type3A_423, %cond3A_426 : i32
      scf.if %cond3A_427 {
        %dma_wait3A_537 = arith.constant 0 : i32
        %dma_wait3A_538 = arith.constant 0 : i32
        %dma_wait3A_539 = tpu.memref_slice %arg9[%cond3A_424, %dma_wait3A_537, %dma_wait3A_538] : memref<8x128x8xf32, #tpu.memory_space<vmem>> -> memref<1x128x8xf32, #tpu.memory_space<vmem>>
        %dma_wait3A_540 = tpu.memref_squeeze %dma_wait3A_539 : memref<1x128x8xf32, #tpu.memory_space<vmem>> -> memref<128x8xf32, #tpu.memory_space<vmem>>
        %dma_wait3A_541 = arith.constant 0 : i32
        %dma_wait3A_542 = tpu.memref_slice %arg8[%add3A_390, %dma_wait3A_541] : memref<80x128xi32, #tpu.memory_space<vmem>> -> memref<1x128xi32, #tpu.memory_space<vmem>>
        %dma_wait3A_543 = tpu.memref_squeeze %dma_wait3A_542 : memref<1x128xi32, #tpu.memory_space<vmem>> -> memref<128xi32, #tpu.memory_space<vmem>>
        %dma_wait3A_544 = arith.constant 0 : i32
        %dma_wait3A_545 = arith.constant 0 : i32
        %dma_wait3A_546 = tpu.memref_slice %arg10[%dma_wait3A_544, %dma_wait3A_545] : memref<10016x8xf32, #tpu.memory_space<vmem_shared>> -> memref<10016x8xf32, #tpu.memory_space<vmem_shared>>
        %dma_wait3A_547 = tpu.memref_slice %arg12[%cond3A_425] : memref<8x!tpu.dma_semaphore, #tpu.memory_space<semaphore_mem>> -> memref<1x!tpu.dma_semaphore, #tpu.memory_space<semaphore_mem>>
        %dma_wait3A_548 = tpu.memref_squeeze %dma_wait3A_547 : memref<1x!tpu.dma_semaphore, #tpu.memory_space<semaphore_mem>> -> memref<!tpu.dma_semaphore, #tpu.memory_space<semaphore_mem>>
        tpu.wait_indirect_dma semaphore(%dma_wait3A_548 : memref<!tpu.dma_semaphore, #tpu.memory_space<semaphore_mem>>) src(%dma_wait3A_540 : memref<128x8xf32, #tpu.memory_space<vmem>>) dst(%dma_wait3A_546 : memref<10016x8xf32, #tpu.memory_space<vmem_shared>>)
        %add3A_549 = arith.constant 8 : i32
        %add3A_550 = arith.addi %add3A_390, %add3A_549 : i32
        %dma_start3A_551 = arith.constant 5 : i32
        %dma_start3A_552 = arith.constant 5 : i32
        %dma_start3A_553 = arith.constant 0 : i32
        %dma_start3A_554 = arith.constant 0 : i32
        %dma_start3A_555 = tpu.memref_slice %arg9[%dma_start3A_551, %dma_start3A_553, %dma_start3A_554] : memref<8x128x8xf32, #tpu.memory_space<vmem>> -> memref<1x128x8xf32, #tpu.memory_space<vmem>>
        %dma_start3A_556 = tpu.memref_squeeze %dma_start3A_555 : memref<1x128x8xf32, #tpu.memory_space<vmem>> -> memref<128x8xf32, #tpu.memory_space<vmem>>
        %dma_start3A_557 = arith.constant 0 : i32
        %dma_start3A_558 = tpu.memref_slice %arg7[%add3A_550, %dma_start3A_557] : memref<80x128xi32, #tpu.memory_space<vmem>> -> memref<1x128xi32, #tpu.memory_space<vmem>>
        %dma_start3A_559 = tpu.memref_squeeze %dma_start3A_558 : memref<1x128xi32, #tpu.memory_space<vmem>> -> memref<128xi32, #tpu.memory_space<vmem>>
        %dma_start3A_560 = arith.constant 0 : i32
        %dma_start3A_561 = arith.constant 0 : i32
        %dma_start3A_562 = tpu.memref_slice %arg2[%dma_start3A_560, %dma_start3A_561] : memref<10016x8xf32, #tpu.memory_space<hbm>> -> memref<10016x8xf32, #tpu.memory_space<hbm>>
        %dma_start3A_563 = tpu.memref_slice %arg11[%dma_start3A_552] : memref<8x!tpu.dma_semaphore, #tpu.memory_space<semaphore_mem>> -> memref<1x!tpu.dma_semaphore, #tpu.memory_space<semaphore_mem>>
        %dma_start3A_564 = tpu.memref_squeeze %dma_start3A_563 : memref<1x!tpu.dma_semaphore, #tpu.memory_space<semaphore_mem>> -> memref<!tpu.dma_semaphore, #tpu.memory_space<semaphore_mem>>
        tpu.enqueue_indirect_dma source(%dma_start3A_562 : memref<10016x8xf32, #tpu.memory_space<hbm>>) target(%dma_start3A_556 : memref<128x8xf32, #tpu.memory_space<vmem>>) offsets(%dma_start3A_559 : memref<128xi32, #tpu.memory_space<vmem>>) semaphore(%dma_start3A_564 : memref<!tpu.dma_semaphore, #tpu.memory_space<semaphore_mem>>)
      } else {
      }
      %add3A_428 = arith.constant 8 : i32
      %add3A_429 = arith.addi %add3A_390, %add3A_428 : i32
      %ge3A_430 = arith.constant 80 : i32
      %ge3A_431 = arith.cmpi sge, %add3A_429, %ge3A_430 : i32
      %convert_element_type3A_432 = arith.extui %ge3A_431 : i1 to i32
      %cond3A_433 = arith.constant 5 : i32
      %cond3A_434 = arith.constant 5 : i32
      %cond3A_435 = arith.constant 0 : i32
      %cond3A_436 = arith.cmpi ne, %convert_element_type3A_432, %cond3A_435 : i32
      scf.if %cond3A_436 {
        %dma_wait3A_537 = arith.constant 0 : i32
        %dma_wait3A_538 = arith.constant 0 : i32
        %dma_wait3A_539 = tpu.memref_slice %arg9[%cond3A_433, %dma_wait3A_537, %dma_wait3A_538] : memref<8x128x8xf32, #tpu.memory_space<vmem>> -> memref<1x128x8xf32, #tpu.memory_space<vmem>>
        %dma_wait3A_540 = tpu.memref_squeeze %dma_wait3A_539 : memref<1x128x8xf32, #tpu.memory_space<vmem>> -> memref<128x8xf32, #tpu.memory_space<vmem>>
        %dma_wait3A_541 = arith.constant 0 : i32
        %dma_wait3A_542 = tpu.memref_slice %arg8[%add3A_390, %dma_wait3A_541] : memref<80x128xi32, #tpu.memory_space<vmem>> -> memref<1x128xi32, #tpu.memory_space<vmem>>
        %dma_wait3A_543 = tpu.memref_squeeze %dma_wait3A_542 : memref<1x128xi32, #tpu.memory_space<vmem>> -> memref<128xi32, #tpu.memory_space<vmem>>
        %dma_wait3A_544 = arith.constant 0 : i32
        %dma_wait3A_545 = arith.constant 0 : i32
        %dma_wait3A_546 = tpu.memref_slice %arg10[%dma_wait3A_544, %dma_wait3A_545] : memref<10016x8xf32, #tpu.memory_space<vmem_shared>> -> memref<10016x8xf32, #tpu.memory_space<vmem_shared>>
        %dma_wait3A_547 = tpu.memref_slice %arg12[%cond3A_434] : memref<8x!tpu.dma_semaphore, #tpu.memory_space<semaphore_mem>> -> memref<1x!tpu.dma_semaphore, #tpu.memory_space<semaphore_mem>>
        %dma_wait3A_548 = tpu.memref_squeeze %dma_wait3A_547 : memref<1x!tpu.dma_semaphore, #tpu.memory_space<semaphore_mem>> -> memref<!tpu.dma_semaphore, #tpu.memory_space<semaphore_mem>>
        tpu.wait_indirect_dma semaphore(%dma_wait3A_548 : memref<!tpu.dma_semaphore, #tpu.memory_space<semaphore_mem>>) src(%dma_wait3A_540 : memref<128x8xf32, #tpu.memory_space<vmem>>) dst(%dma_wait3A_546 : memref<10016x8xf32, #tpu.memory_space<vmem_shared>>)
      } else {
      }
      %mul3A_437 = arith.constant 8 : i32
      %mul3A_438 = arith.muli %scan3A_141, %mul3A_437 : i32
      %add3A_439 = arith.constant 6 : i32
      %add3A_440 = arith.addi %mul3A_438, %add3A_439 : i32
      %dma_wait3A_441 = arith.constant 6 : i32
      %dma_wait3A_442 = arith.constant 6 : i32
      %dma_wait3A_443 = arith.constant 0 : i32
      %dma_wait3A_444 = arith.constant 0 : i32
      %dma_wait3A_445 = tpu.memref_slice %arg9[%dma_wait3A_441, %dma_wait3A_443, %dma_wait3A_444] : memref<8x128x8xf32, #tpu.memory_space<vmem>> -> memref<1x128x8xf32, #tpu.memory_space<vmem>>
      %dma_wait3A_446 = tpu.memref_squeeze %dma_wait3A_445 : memref<1x128x8xf32, #tpu.memory_space<vmem>> -> memref<128x8xf32, #tpu.memory_space<vmem>>
      %dma_wait3A_447 = arith.constant 0 : i32
      %dma_wait3A_448 = tpu.memref_slice %arg7[%add3A_440, %dma_wait3A_447] : memref<80x128xi32, #tpu.memory_space<vmem>> -> memref<1x128xi32, #tpu.memory_space<vmem>>
      %dma_wait3A_449 = tpu.memref_squeeze %dma_wait3A_448 : memref<1x128xi32, #tpu.memory_space<vmem>> -> memref<128xi32, #tpu.memory_space<vmem>>
      %dma_wait3A_450 = arith.constant 0 : i32
      %dma_wait3A_451 = arith.constant 0 : i32
      %dma_wait3A_452 = tpu.memref_slice %arg2[%dma_wait3A_450, %dma_wait3A_451] : memref<10016x8xf32, #tpu.memory_space<hbm>> -> memref<10016x8xf32, #tpu.memory_space<hbm>>
      %dma_wait3A_453 = tpu.memref_slice %arg11[%dma_wait3A_442] : memref<8x!tpu.dma_semaphore, #tpu.memory_space<semaphore_mem>> -> memref<1x!tpu.dma_semaphore, #tpu.memory_space<semaphore_mem>>
      %dma_wait3A_454 = tpu.memref_squeeze %dma_wait3A_453 : memref<1x!tpu.dma_semaphore, #tpu.memory_space<semaphore_mem>> -> memref<!tpu.dma_semaphore, #tpu.memory_space<semaphore_mem>>
      tpu.wait_indirect_dma semaphore(%dma_wait3A_454 : memref<!tpu.dma_semaphore, #tpu.memory_space<semaphore_mem>>) src(%dma_wait3A_452 : memref<10016x8xf32, #tpu.memory_space<hbm>>) dst(%dma_wait3A_446 : memref<128x8xf32, #tpu.memory_space<vmem>>)
      %dma_start3A_455 = arith.constant 6 : i32
      %dma_start3A_456 = arith.constant 6 : i32
      %dma_start3A_457 = arith.constant 0 : i32
      %dma_start3A_458 = arith.constant 0 : i32
      %dma_start3A_459 = tpu.memref_slice %arg9[%dma_start3A_455, %dma_start3A_457, %dma_start3A_458] : memref<8x128x8xf32, #tpu.memory_space<vmem>> -> memref<1x128x8xf32, #tpu.memory_space<vmem>>
      %dma_start3A_460 = tpu.memref_squeeze %dma_start3A_459 : memref<1x128x8xf32, #tpu.memory_space<vmem>> -> memref<128x8xf32, #tpu.memory_space<vmem>>
      %dma_start3A_461 = arith.constant 0 : i32
      %dma_start3A_462 = tpu.memref_slice %arg8[%add3A_440, %dma_start3A_461] : memref<80x128xi32, #tpu.memory_space<vmem>> -> memref<1x128xi32, #tpu.memory_space<vmem>>
      %dma_start3A_463 = tpu.memref_squeeze %dma_start3A_462 : memref<1x128xi32, #tpu.memory_space<vmem>> -> memref<128xi32, #tpu.memory_space<vmem>>
      %dma_start3A_464 = arith.constant 0 : i32
      %dma_start3A_465 = arith.constant 0 : i32
      %dma_start3A_466 = tpu.memref_slice %arg10[%dma_start3A_464, %dma_start3A_465] : memref<10016x8xf32, #tpu.memory_space<vmem_shared>> -> memref<10016x8xf32, #tpu.memory_space<vmem_shared>>
      %dma_start3A_467 = tpu.memref_slice %arg12[%dma_start3A_456] : memref<8x!tpu.dma_semaphore, #tpu.memory_space<semaphore_mem>> -> memref<1x!tpu.dma_semaphore, #tpu.memory_space<semaphore_mem>>
      %dma_start3A_468 = tpu.memref_squeeze %dma_start3A_467 : memref<1x!tpu.dma_semaphore, #tpu.memory_space<semaphore_mem>> -> memref<!tpu.dma_semaphore, #tpu.memory_space<semaphore_mem>>
      tpu.enqueue_indirect_dma source(%dma_start3A_460 : memref<128x8xf32, #tpu.memory_space<vmem>>) target(%dma_start3A_466 : memref<10016x8xf32, #tpu.memory_space<vmem_shared>>) offsets(%dma_start3A_463 : memref<128xi32, #tpu.memory_space<vmem>>) semaphore(%dma_start3A_468 : memref<!tpu.dma_semaphore, #tpu.memory_space<semaphore_mem>>) {add = true}
      %add3A_469 = arith.constant 8 : i32
      %add3A_470 = arith.addi %add3A_440, %add3A_469 : i32
      %lt3A_471 = arith.constant 80 : i32
      %lt3A_472 = arith.cmpi slt, %add3A_470, %lt3A_471 : i32
      %convert_element_type3A_473 = arith.extui %lt3A_472 : i1 to i32
      %cond3A_474 = arith.constant 6 : i32
      %cond3A_475 = arith.constant 6 : i32
      %cond3A_476 = arith.constant 0 : i32
      %cond3A_477 = arith.cmpi ne, %convert_element_type3A_473, %cond3A_476 : i32
      scf.if %cond3A_477 {
        %dma_wait3A_537 = arith.constant 0 : i32
        %dma_wait3A_538 = arith.constant 0 : i32
        %dma_wait3A_539 = tpu.memref_slice %arg9[%cond3A_474, %dma_wait3A_537, %dma_wait3A_538] : memref<8x128x8xf32, #tpu.memory_space<vmem>> -> memref<1x128x8xf32, #tpu.memory_space<vmem>>
        %dma_wait3A_540 = tpu.memref_squeeze %dma_wait3A_539 : memref<1x128x8xf32, #tpu.memory_space<vmem>> -> memref<128x8xf32, #tpu.memory_space<vmem>>
        %dma_wait3A_541 = arith.constant 0 : i32
        %dma_wait3A_542 = tpu.memref_slice %arg8[%add3A_440, %dma_wait3A_541] : memref<80x128xi32, #tpu.memory_space<vmem>> -> memref<1x128xi32, #tpu.memory_space<vmem>>
        %dma_wait3A_543 = tpu.memref_squeeze %dma_wait3A_542 : memref<1x128xi32, #tpu.memory_space<vmem>> -> memref<128xi32, #tpu.memory_space<vmem>>
        %dma_wait3A_544 = arith.constant 0 : i32
        %dma_wait3A_545 = arith.constant 0 : i32
        %dma_wait3A_546 = tpu.memref_slice %arg10[%dma_wait3A_544, %dma_wait3A_545] : memref<10016x8xf32, #tpu.memory_space<vmem_shared>> -> memref<10016x8xf32, #tpu.memory_space<vmem_shared>>
        %dma_wait3A_547 = tpu.memref_slice %arg12[%cond3A_475] : memref<8x!tpu.dma_semaphore, #tpu.memory_space<semaphore_mem>> -> memref<1x!tpu.dma_semaphore, #tpu.memory_space<semaphore_mem>>
        %dma_wait3A_548 = tpu.memref_squeeze %dma_wait3A_547 : memref<1x!tpu.dma_semaphore, #tpu.memory_space<semaphore_mem>> -> memref<!tpu.dma_semaphore, #tpu.memory_space<semaphore_mem>>
        tpu.wait_indirect_dma semaphore(%dma_wait3A_548 : memref<!tpu.dma_semaphore, #tpu.memory_space<semaphore_mem>>) src(%dma_wait3A_540 : memref<128x8xf32, #tpu.memory_space<vmem>>) dst(%dma_wait3A_546 : memref<10016x8xf32, #tpu.memory_space<vmem_shared>>)
        %add3A_549 = arith.constant 8 : i32
        %add3A_550 = arith.addi %add3A_440, %add3A_549 : i32
        %dma_start3A_551 = arith.constant 6 : i32
        %dma_start3A_552 = arith.constant 6 : i32
        %dma_start3A_553 = arith.constant 0 : i32
        %dma_start3A_554 = arith.constant 0 : i32
        %dma_start3A_555 = tpu.memref_slice %arg9[%dma_start3A_551, %dma_start3A_553, %dma_start3A_554] : memref<8x128x8xf32, #tpu.memory_space<vmem>> -> memref<1x128x8xf32, #tpu.memory_space<vmem>>
        %dma_start3A_556 = tpu.memref_squeeze %dma_start3A_555 : memref<1x128x8xf32, #tpu.memory_space<vmem>> -> memref<128x8xf32, #tpu.memory_space<vmem>>
        %dma_start3A_557 = arith.constant 0 : i32
        %dma_start3A_558 = tpu.memref_slice %arg7[%add3A_550, %dma_start3A_557] : memref<80x128xi32, #tpu.memory_space<vmem>> -> memref<1x128xi32, #tpu.memory_space<vmem>>
        %dma_start3A_559 = tpu.memref_squeeze %dma_start3A_558 : memref<1x128xi32, #tpu.memory_space<vmem>> -> memref<128xi32, #tpu.memory_space<vmem>>
        %dma_start3A_560 = arith.constant 0 : i32
        %dma_start3A_561 = arith.constant 0 : i32
        %dma_start3A_562 = tpu.memref_slice %arg2[%dma_start3A_560, %dma_start3A_561] : memref<10016x8xf32, #tpu.memory_space<hbm>> -> memref<10016x8xf32, #tpu.memory_space<hbm>>
        %dma_start3A_563 = tpu.memref_slice %arg11[%dma_start3A_552] : memref<8x!tpu.dma_semaphore, #tpu.memory_space<semaphore_mem>> -> memref<1x!tpu.dma_semaphore, #tpu.memory_space<semaphore_mem>>
        %dma_start3A_564 = tpu.memref_squeeze %dma_start3A_563 : memref<1x!tpu.dma_semaphore, #tpu.memory_space<semaphore_mem>> -> memref<!tpu.dma_semaphore, #tpu.memory_space<semaphore_mem>>
        tpu.enqueue_indirect_dma source(%dma_start3A_562 : memref<10016x8xf32, #tpu.memory_space<hbm>>) target(%dma_start3A_556 : memref<128x8xf32, #tpu.memory_space<vmem>>) offsets(%dma_start3A_559 : memref<128xi32, #tpu.memory_space<vmem>>) semaphore(%dma_start3A_564 : memref<!tpu.dma_semaphore, #tpu.memory_space<semaphore_mem>>)
      } else {
      }
      %add3A_478 = arith.constant 8 : i32
      %add3A_479 = arith.addi %add3A_440, %add3A_478 : i32
      %ge3A_480 = arith.constant 80 : i32
      %ge3A_481 = arith.cmpi sge, %add3A_479, %ge3A_480 : i32
      %convert_element_type3A_482 = arith.extui %ge3A_481 : i1 to i32
      %cond3A_483 = arith.constant 6 : i32
      %cond3A_484 = arith.constant 6 : i32
      %cond3A_485 = arith.constant 0 : i32
      %cond3A_486 = arith.cmpi ne, %convert_element_type3A_482, %cond3A_485 : i32
      scf.if %cond3A_486 {
        %dma_wait3A_537 = arith.constant 0 : i32
        %dma_wait3A_538 = arith.constant 0 : i32
        %dma_wait3A_539 = tpu.memref_slice %arg9[%cond3A_483, %dma_wait3A_537, %dma_wait3A_538] : memref<8x128x8xf32, #tpu.memory_space<vmem>> -> memref<1x128x8xf32, #tpu.memory_space<vmem>>
        %dma_wait3A_540 = tpu.memref_squeeze %dma_wait3A_539 : memref<1x128x8xf32, #tpu.memory_space<vmem>> -> memref<128x8xf32, #tpu.memory_space<vmem>>
        %dma_wait3A_541 = arith.constant 0 : i32
        %dma_wait3A_542 = tpu.memref_slice %arg8[%add3A_440, %dma_wait3A_541] : memref<80x128xi32, #tpu.memory_space<vmem>> -> memref<1x128xi32, #tpu.memory_space<vmem>>
        %dma_wait3A_543 = tpu.memref_squeeze %dma_wait3A_542 : memref<1x128xi32, #tpu.memory_space<vmem>> -> memref<128xi32, #tpu.memory_space<vmem>>
        %dma_wait3A_544 = arith.constant 0 : i32
        %dma_wait3A_545 = arith.constant 0 : i32
        %dma_wait3A_546 = tpu.memref_slice %arg10[%dma_wait3A_544, %dma_wait3A_545] : memref<10016x8xf32, #tpu.memory_space<vmem_shared>> -> memref<10016x8xf32, #tpu.memory_space<vmem_shared>>
        %dma_wait3A_547 = tpu.memref_slice %arg12[%cond3A_484] : memref<8x!tpu.dma_semaphore, #tpu.memory_space<semaphore_mem>> -> memref<1x!tpu.dma_semaphore, #tpu.memory_space<semaphore_mem>>
        %dma_wait3A_548 = tpu.memref_squeeze %dma_wait3A_547 : memref<1x!tpu.dma_semaphore, #tpu.memory_space<semaphore_mem>> -> memref<!tpu.dma_semaphore, #tpu.memory_space<semaphore_mem>>
        tpu.wait_indirect_dma semaphore(%dma_wait3A_548 : memref<!tpu.dma_semaphore, #tpu.memory_space<semaphore_mem>>) src(%dma_wait3A_540 : memref<128x8xf32, #tpu.memory_space<vmem>>) dst(%dma_wait3A_546 : memref<10016x8xf32, #tpu.memory_space<vmem_shared>>)
      } else {
      }
      %mul3A_487 = arith.constant 8 : i32
      %mul3A_488 = arith.muli %scan3A_141, %mul3A_487 : i32
      %add3A_489 = arith.constant 7 : i32
      %add3A_490 = arith.addi %mul3A_488, %add3A_489 : i32
      %dma_wait3A_491 = arith.constant 7 : i32
      %dma_wait3A_492 = arith.constant 7 : i32
      %dma_wait3A_493 = arith.constant 0 : i32
      %dma_wait3A_494 = arith.constant 0 : i32
      %dma_wait3A_495 = tpu.memref_slice %arg9[%dma_wait3A_491, %dma_wait3A_493, %dma_wait3A_494] : memref<8x128x8xf32, #tpu.memory_space<vmem>> -> memref<1x128x8xf32, #tpu.memory_space<vmem>>
      %dma_wait3A_496 = tpu.memref_squeeze %dma_wait3A_495 : memref<1x128x8xf32, #tpu.memory_space<vmem>> -> memref<128x8xf32, #tpu.memory_space<vmem>>
      %dma_wait3A_497 = arith.constant 0 : i32
      %dma_wait3A_498 = tpu.memref_slice %arg7[%add3A_490, %dma_wait3A_497] : memref<80x128xi32, #tpu.memory_space<vmem>> -> memref<1x128xi32, #tpu.memory_space<vmem>>
      %dma_wait3A_499 = tpu.memref_squeeze %dma_wait3A_498 : memref<1x128xi32, #tpu.memory_space<vmem>> -> memref<128xi32, #tpu.memory_space<vmem>>
      %dma_wait3A_500 = arith.constant 0 : i32
      %dma_wait3A_501 = arith.constant 0 : i32
      %dma_wait3A_502 = tpu.memref_slice %arg2[%dma_wait3A_500, %dma_wait3A_501] : memref<10016x8xf32, #tpu.memory_space<hbm>> -> memref<10016x8xf32, #tpu.memory_space<hbm>>
      %dma_wait3A_503 = tpu.memref_slice %arg11[%dma_wait3A_492] : memref<8x!tpu.dma_semaphore, #tpu.memory_space<semaphore_mem>> -> memref<1x!tpu.dma_semaphore, #tpu.memory_space<semaphore_mem>>
      %dma_wait3A_504 = tpu.memref_squeeze %dma_wait3A_503 : memref<1x!tpu.dma_semaphore, #tpu.memory_space<semaphore_mem>> -> memref<!tpu.dma_semaphore, #tpu.memory_space<semaphore_mem>>
      tpu.wait_indirect_dma semaphore(%dma_wait3A_504 : memref<!tpu.dma_semaphore, #tpu.memory_space<semaphore_mem>>) src(%dma_wait3A_502 : memref<10016x8xf32, #tpu.memory_space<hbm>>) dst(%dma_wait3A_496 : memref<128x8xf32, #tpu.memory_space<vmem>>)
      %dma_start3A_505 = arith.constant 7 : i32
      %dma_start3A_506 = arith.constant 7 : i32
      %dma_start3A_507 = arith.constant 0 : i32
      %dma_start3A_508 = arith.constant 0 : i32
      %dma_start3A_509 = tpu.memref_slice %arg9[%dma_start3A_505, %dma_start3A_507, %dma_start3A_508] : memref<8x128x8xf32, #tpu.memory_space<vmem>> -> memref<1x128x8xf32, #tpu.memory_space<vmem>>
      %dma_start3A_510 = tpu.memref_squeeze %dma_start3A_509 : memref<1x128x8xf32, #tpu.memory_space<vmem>> -> memref<128x8xf32, #tpu.memory_space<vmem>>
      %dma_start3A_511 = arith.constant 0 : i32
      %dma_start3A_512 = tpu.memref_slice %arg8[%add3A_490, %dma_start3A_511] : memref<80x128xi32, #tpu.memory_space<vmem>> -> memref<1x128xi32, #tpu.memory_space<vmem>>
      %dma_start3A_513 = tpu.memref_squeeze %dma_start3A_512 : memref<1x128xi32, #tpu.memory_space<vmem>> -> memref<128xi32, #tpu.memory_space<vmem>>
      %dma_start3A_514 = arith.constant 0 : i32
      %dma_start3A_515 = arith.constant 0 : i32
      %dma_start3A_516 = tpu.memref_slice %arg10[%dma_start3A_514, %dma_start3A_515] : memref<10016x8xf32, #tpu.memory_space<vmem_shared>> -> memref<10016x8xf32, #tpu.memory_space<vmem_shared>>
      %dma_start3A_517 = tpu.memref_slice %arg12[%dma_start3A_506] : memref<8x!tpu.dma_semaphore, #tpu.memory_space<semaphore_mem>> -> memref<1x!tpu.dma_semaphore, #tpu.memory_space<semaphore_mem>>
      %dma_start3A_518 = tpu.memref_squeeze %dma_start3A_517 : memref<1x!tpu.dma_semaphore, #tpu.memory_space<semaphore_mem>> -> memref<!tpu.dma_semaphore, #tpu.memory_space<semaphore_mem>>
      tpu.enqueue_indirect_dma source(%dma_start3A_510 : memref<128x8xf32, #tpu.memory_space<vmem>>) target(%dma_start3A_516 : memref<10016x8xf32, #tpu.memory_space<vmem_shared>>) offsets(%dma_start3A_513 : memref<128xi32, #tpu.memory_space<vmem>>) semaphore(%dma_start3A_518 : memref<!tpu.dma_semaphore, #tpu.memory_space<semaphore_mem>>) {add = true}
      %add3A_519 = arith.constant 8 : i32
      %add3A_520 = arith.addi %add3A_490, %add3A_519 : i32
      %lt3A_521 = arith.constant 80 : i32
      %lt3A_522 = arith.cmpi slt, %add3A_520, %lt3A_521 : i32
      %convert_element_type3A_523 = arith.extui %lt3A_522 : i1 to i32
      %cond3A_524 = arith.constant 7 : i32
      %cond3A_525 = arith.constant 7 : i32
      %cond3A_526 = arith.constant 0 : i32
      %cond3A_527 = arith.cmpi ne, %convert_element_type3A_523, %cond3A_526 : i32
      scf.if %cond3A_527 {
        %dma_wait3A_537 = arith.constant 0 : i32
        %dma_wait3A_538 = arith.constant 0 : i32
        %dma_wait3A_539 = tpu.memref_slice %arg9[%cond3A_524, %dma_wait3A_537, %dma_wait3A_538] : memref<8x128x8xf32, #tpu.memory_space<vmem>> -> memref<1x128x8xf32, #tpu.memory_space<vmem>>
        %dma_wait3A_540 = tpu.memref_squeeze %dma_wait3A_539 : memref<1x128x8xf32, #tpu.memory_space<vmem>> -> memref<128x8xf32, #tpu.memory_space<vmem>>
        %dma_wait3A_541 = arith.constant 0 : i32
        %dma_wait3A_542 = tpu.memref_slice %arg8[%add3A_490, %dma_wait3A_541] : memref<80x128xi32, #tpu.memory_space<vmem>> -> memref<1x128xi32, #tpu.memory_space<vmem>>
        %dma_wait3A_543 = tpu.memref_squeeze %dma_wait3A_542 : memref<1x128xi32, #tpu.memory_space<vmem>> -> memref<128xi32, #tpu.memory_space<vmem>>
        %dma_wait3A_544 = arith.constant 0 : i32
        %dma_wait3A_545 = arith.constant 0 : i32
        %dma_wait3A_546 = tpu.memref_slice %arg10[%dma_wait3A_544, %dma_wait3A_545] : memref<10016x8xf32, #tpu.memory_space<vmem_shared>> -> memref<10016x8xf32, #tpu.memory_space<vmem_shared>>
        %dma_wait3A_547 = tpu.memref_slice %arg12[%cond3A_525] : memref<8x!tpu.dma_semaphore, #tpu.memory_space<semaphore_mem>> -> memref<1x!tpu.dma_semaphore, #tpu.memory_space<semaphore_mem>>
        %dma_wait3A_548 = tpu.memref_squeeze %dma_wait3A_547 : memref<1x!tpu.dma_semaphore, #tpu.memory_space<semaphore_mem>> -> memref<!tpu.dma_semaphore, #tpu.memory_space<semaphore_mem>>
        tpu.wait_indirect_dma semaphore(%dma_wait3A_548 : memref<!tpu.dma_semaphore, #tpu.memory_space<semaphore_mem>>) src(%dma_wait3A_540 : memref<128x8xf32, #tpu.memory_space<vmem>>) dst(%dma_wait3A_546 : memref<10016x8xf32, #tpu.memory_space<vmem_shared>>)
        %add3A_549 = arith.constant 8 : i32
        %add3A_550 = arith.addi %add3A_490, %add3A_549 : i32
        %dma_start3A_551 = arith.constant 7 : i32
        %dma_start3A_552 = arith.constant 7 : i32
        %dma_start3A_553 = arith.constant 0 : i32
        %dma_start3A_554 = arith.constant 0 : i32
        %dma_start3A_555 = tpu.memref_slice %arg9[%dma_start3A_551, %dma_start3A_553, %dma_start3A_554] : memref<8x128x8xf32, #tpu.memory_space<vmem>> -> memref<1x128x8xf32, #tpu.memory_space<vmem>>
        %dma_start3A_556 = tpu.memref_squeeze %dma_start3A_555 : memref<1x128x8xf32, #tpu.memory_space<vmem>> -> memref<128x8xf32, #tpu.memory_space<vmem>>
        %dma_start3A_557 = arith.constant 0 : i32
        %dma_start3A_558 = tpu.memref_slice %arg7[%add3A_550, %dma_start3A_557] : memref<80x128xi32, #tpu.memory_space<vmem>> -> memref<1x128xi32, #tpu.memory_space<vmem>>
        %dma_start3A_559 = tpu.memref_squeeze %dma_start3A_558 : memref<1x128xi32, #tpu.memory_space<vmem>> -> memref<128xi32, #tpu.memory_space<vmem>>
        %dma_start3A_560 = arith.constant 0 : i32
        %dma_start3A_561 = arith.constant 0 : i32
        %dma_start3A_562 = tpu.memref_slice %arg2[%dma_start3A_560, %dma_start3A_561] : memref<10016x8xf32, #tpu.memory_space<hbm>> -> memref<10016x8xf32, #tpu.memory_space<hbm>>
        %dma_start3A_563 = tpu.memref_slice %arg11[%dma_start3A_552] : memref<8x!tpu.dma_semaphore, #tpu.memory_space<semaphore_mem>> -> memref<1x!tpu.dma_semaphore, #tpu.memory_space<semaphore_mem>>
        %dma_start3A_564 = tpu.memref_squeeze %dma_start3A_563 : memref<1x!tpu.dma_semaphore, #tpu.memory_space<semaphore_mem>> -> memref<!tpu.dma_semaphore, #tpu.memory_space<semaphore_mem>>
        tpu.enqueue_indirect_dma source(%dma_start3A_562 : memref<10016x8xf32, #tpu.memory_space<hbm>>) target(%dma_start3A_556 : memref<128x8xf32, #tpu.memory_space<vmem>>) offsets(%dma_start3A_559 : memref<128xi32, #tpu.memory_space<vmem>>) semaphore(%dma_start3A_564 : memref<!tpu.dma_semaphore, #tpu.memory_space<semaphore_mem>>)
      } else {
      }
      %add3A_528 = arith.constant 8 : i32
      %add3A_529 = arith.addi %add3A_490, %add3A_528 : i32
      %ge3A_530 = arith.constant 80 : i32
      %ge3A_531 = arith.cmpi sge, %add3A_529, %ge3A_530 : i32
      %convert_element_type3A_532 = arith.extui %ge3A_531 : i1 to i32
      %cond3A_533 = arith.constant 7 : i32
      %cond3A_534 = arith.constant 7 : i32
      %cond3A_535 = arith.constant 0 : i32
      %cond3A_536 = arith.cmpi ne, %convert_element_type3A_532, %cond3A_535 : i32
      scf.if %cond3A_536 {
        %dma_wait3A_537 = arith.constant 0 : i32
        %dma_wait3A_538 = arith.constant 0 : i32
        %dma_wait3A_539 = tpu.memref_slice %arg9[%cond3A_533, %dma_wait3A_537, %dma_wait3A_538] : memref<8x128x8xf32, #tpu.memory_space<vmem>> -> memref<1x128x8xf32, #tpu.memory_space<vmem>>
        %dma_wait3A_540 = tpu.memref_squeeze %dma_wait3A_539 : memref<1x128x8xf32, #tpu.memory_space<vmem>> -> memref<128x8xf32, #tpu.memory_space<vmem>>
        %dma_wait3A_541 = arith.constant 0 : i32
        %dma_wait3A_542 = tpu.memref_slice %arg8[%add3A_490, %dma_wait3A_541] : memref<80x128xi32, #tpu.memory_space<vmem>> -> memref<1x128xi32, #tpu.memory_space<vmem>>
        %dma_wait3A_543 = tpu.memref_squeeze %dma_wait3A_542 : memref<1x128xi32, #tpu.memory_space<vmem>> -> memref<128xi32, #tpu.memory_space<vmem>>
        %dma_wait3A_544 = arith.constant 0 : i32
        %dma_wait3A_545 = arith.constant 0 : i32
        %dma_wait3A_546 = tpu.memref_slice %arg10[%dma_wait3A_544, %dma_wait3A_545] : memref<10016x8xf32, #tpu.memory_space<vmem_shared>> -> memref<10016x8xf32, #tpu.memory_space<vmem_shared>>
        %dma_wait3A_547 = tpu.memref_slice %arg12[%cond3A_534] : memref<8x!tpu.dma_semaphore, #tpu.memory_space<semaphore_mem>> -> memref<1x!tpu.dma_semaphore, #tpu.memory_space<semaphore_mem>>
        %dma_wait3A_548 = tpu.memref_squeeze %dma_wait3A_547 : memref<1x!tpu.dma_semaphore, #tpu.memory_space<semaphore_mem>> -> memref<!tpu.dma_semaphore, #tpu.memory_space<semaphore_mem>>
        tpu.wait_indirect_dma semaphore(%dma_wait3A_548 : memref<!tpu.dma_semaphore, #tpu.memory_space<semaphore_mem>>) src(%dma_wait3A_540 : memref<128x8xf32, #tpu.memory_space<vmem>>) dst(%dma_wait3A_546 : memref<10016x8xf32, #tpu.memory_space<vmem_shared>>)
      } else {
      }
    }
    %scan3A_132 = arith.constant 10 : i32
    %barrier3A_133 = arith.constant 0 : index
    tpu.barrier barrier_id(%barrier3A_133)
    %mul3A_134 = arith.constant 626 : i32
    %mul3A_135 = arith.muli %arg1, %mul3A_134 : i32
    %mul3A_136 = arith.constant 10016 : i32
    %mul3A_137 = arith.muli %arg0, %mul3A_136 : i32
    %mul3A_138 = arith.constant 626 : i32
    %mul3A_139 = arith.muli %arg1, %mul3A_138 : i32
    %add3A_140 = arith.addi %mul3A_137, %mul3A_139 : i32
    "tpu.region"() ({
      %run_scoped3A = tpu.sem_alloc : memref<!tpu.dma_semaphore, #tpu.memory_space<semaphore_mem>>
      %dma_start3A_141 = arith.constant 0 : i32
      %dma_start3A_142 = tpu.memref_slice %arg6[%add3A_140, %dma_start3A_141] : memref<20032x8xf32, #tpu.memory_space<hbm>> -> memref<626x8xf32, #tpu.memory_space<hbm>>
      %dma_start3A_143 = arith.constant 0 : i32
      %dma_start3A_144 = tpu.memref_slice %arg10[%mul3A_135, %dma_start3A_143] : memref<10016x8xf32, #tpu.memory_space<vmem_shared>> -> memref<626x8xf32, #tpu.memory_space<vmem_shared>>
      tpu.enqueue_dma source(%dma_start3A_144 : memref<626x8xf32, #tpu.memory_space<vmem_shared>>) target(%dma_start3A_142 : memref<626x8xf32, #tpu.memory_space<hbm>>) target_semaphore(%run_scoped3A : memref<!tpu.dma_semaphore, #tpu.memory_space<semaphore_mem>>)
      %dma_wait3A = arith.constant 0 : i32
      %dma_wait3A_145 = tpu.memref_slice %arg6[%add3A_140, %dma_wait3A] : memref<20032x8xf32, #tpu.memory_space<hbm>> -> memref<626x8xf32, #tpu.memory_space<hbm>>
      %dma_wait3A_146 = arith.constant 0 : i32
      %dma_wait3A_147 = tpu.memref_slice %arg10[%mul3A_135, %dma_wait3A_146] : memref<10016x8xf32, #tpu.memory_space<vmem_shared>> -> memref<626x8xf32, #tpu.memory_space<vmem_shared>>
      tpu.wait_dma2 semaphore(%run_scoped3A : memref<!tpu.dma_semaphore, #tpu.memory_space<semaphore_mem>>) src(%dma_wait3A_147 : memref<626x8xf32, #tpu.memory_space<vmem_shared>>) dst(%dma_wait3A_145 : memref<626x8xf32, #tpu.memory_space<hbm>>)
      tpu.yield
    }) : () -> ()
    return
  }
}

#map = affine_map<(d0, d1) -> (0)>
#map1 = affine_map<(d0, d1) -> (0, 0)>
module attributes {stable_mosaic.version = 14 : i64} {
  func.func @_sc_degree(%arg0: i32, %arg1: i32, %arg2: memref<327680xi32, #tpu.memory_space<hbm>>, %arg3: memref<32x10016xf32, #tpu.memory_space<hbm>>, %arg4: memref<10240xi32, #tpu.memory_space<vmem>>, %arg5: memref<10016xf32, #tpu.memory_space<vmem>>) attributes {dimension_semantics = [#tpu.dimension_semantics<core_parallel>, #tpu.dimension_semantics<subcore_parallel>], iteration_bounds = array<i64: 2, 16>, scalar_prefetch = 0 : i64, scratch_operands = 2 : i64, tpu.core_type = #tpu.core_type<sc_vector_subcore>, window_params = [{transform_indices = #map}, {transform_indices = #map1}]} {
    %mul3A = arith.constant 16 : i32
    %mul3A_0 = arith.muli %arg0, %mul3A : i32
    %add3A = arith.addi %mul3A_0, %arg1 : i32
    %mul3A_1 = arith.constant 10240 : i32
    %mul3A_2 = arith.muli %add3A, %mul3A_1 : i32
    "tpu.region"() ({
      %run_scoped3A = tpu.sem_alloc : memref<!tpu.dma_semaphore, #tpu.memory_space<semaphore_mem>>
      %dma_start3A = tpu.memref_slice %arg2[%mul3A_2] : memref<327680xi32, #tpu.memory_space<hbm>> -> memref<10240xi32, #tpu.memory_space<hbm>>
      %dma_start3A_17 = tpu.memref_slice %arg2[%mul3A_2] : memref<327680xi32, #tpu.memory_space<hbm>> -> memref<10240xi32, #tpu.memory_space<hbm>>
      tpu.enqueue_dma source(%dma_start3A_17 : memref<10240xi32, #tpu.memory_space<hbm>>) target(%arg4 : memref<10240xi32, #tpu.memory_space<vmem>>) target_semaphore(%run_scoped3A : memref<!tpu.dma_semaphore, #tpu.memory_space<semaphore_mem>>)
      %dma_wait3A = tpu.memref_slice %arg2[%mul3A_2] : memref<327680xi32, #tpu.memory_space<hbm>> -> memref<10240xi32, #tpu.memory_space<hbm>>
      %dma_wait3A_18 = tpu.memref_slice %arg2[%mul3A_2] : memref<327680xi32, #tpu.memory_space<hbm>> -> memref<10240xi32, #tpu.memory_space<hbm>>
      tpu.wait_dma2 semaphore(%run_scoped3A : memref<!tpu.dma_semaphore, #tpu.memory_space<semaphore_mem>>) src(%dma_wait3A_18 : memref<10240xi32, #tpu.memory_space<hbm>>) dst(%arg4 : memref<10240xi32, #tpu.memory_space<vmem>>)
      tpu.yield
    }) : () -> ()
    %broadcast_in_dim3A = arith.constant 0.000000e+00 : f32
    %broadcast_in_dim3A_3 = vector.broadcast %broadcast_in_dim3A : f32 to vector<16xf32>
    %scan3A = arith.constant 0 : i32
    %scan3A_4 = arith.constant 0 : i32
    %scan3A_5 = arith.constant 626 : i32
    %scan3A_6 = arith.addi %scan3A_4, %scan3A_5 : i32
    %scan3A_7 = arith.constant 1 : i32
    scf.for %scan3A_17 = %scan3A_4 to %scan3A_6 step %scan3A_7  : i32 {
      %mul3A_18 = arith.constant 16 : i32
      %mul3A_19 = arith.muli %scan3A_17, %mul3A_18 : i32
      %swap3A = arith.index_cast %mul3A_19 : i32 to index
      %swap3A_20 = tpu.vector_load %arg5[%swap3A] {strides = array<i32>} : memref<10016xf32, #tpu.memory_space<vmem>>, vector<16xf32>,
      tpu.vector_store %arg5[%swap3A], %broadcast_in_dim3A_3 {strides = array<i32>} : memref<10016xf32, #tpu.memory_space<vmem>>, vector<16xf32>,
    }
    %scan3A_8 = arith.constant 626 : i32
    %broadcast_in_dim3A_9 = arith.constant 1.000000e+00 : f32
    %broadcast_in_dim3A_10 = vector.broadcast %broadcast_in_dim3A_9 : f32 to vector<16xf32>
    %scan3A_11 = arith.constant 0 : i32
    %scan3A_12 = arith.constant 0 : i32
    %scan3A_13 = arith.constant 640 : i32
    %scan3A_14 = arith.addi %scan3A_12, %scan3A_13 : i32
    %scan3A_15 = arith.constant 1 : i32
    scf.for %scan3A_17 = %scan3A_12 to %scan3A_14 step %scan3A_15  : i32 {
      %mul3A_18 = arith.constant 16 : i32
      %mul3A_19 = arith.muli %scan3A_17, %mul3A_18 : i32
      %get3A = arith.index_cast %mul3A_19 : i32 to index
      %get3A_20 = tpu.vector_load %arg4[%get3A] {strides = array<i32>} : memref<10240xi32, #tpu.memory_space<vmem>>, vector<16xi32>,
      tpu.vector_store_idx %arg5[%get3A_20], %broadcast_in_dim3A_10 {add = true} : memref<10016xf32, #tpu.memory_space<vmem>>[vector<16xi32>], vector<16xf32>,
    }
    %scan3A_16 = arith.constant 640 : i32
    "tpu.region"() ({
      %run_scoped3A = tpu.sem_alloc : memref<!tpu.dma_semaphore, #tpu.memory_space<semaphore_mem>>
      %dma_start3A = arith.constant 0 : i32
      %dma_start3A_17 = tpu.memref_slice %arg3[%add3A, %dma_start3A] : memref<32x10016xf32, #tpu.memory_space<hbm>> -> memref<1x10016xf32, #tpu.memory_space<hbm>>
      %dma_start3A_18 = tpu.memref_squeeze %dma_start3A_17 : memref<1x10016xf32, #tpu.memory_space<hbm>> -> memref<10016xf32, #tpu.memory_space<hbm>>
      %dma_start3A_19 = arith.constant 0 : i32
      %dma_start3A_20 = tpu.memref_slice %arg3[%add3A, %dma_start3A_19] : memref<32x10016xf32, #tpu.memory_space<hbm>> -> memref<1x10016xf32, #tpu.memory_space<hbm>>
      %dma_start3A_21 = tpu.memref_squeeze %dma_start3A_20 : memref<1x10016xf32, #tpu.memory_space<hbm>> -> memref<10016xf32, #tpu.memory_space<hbm>>
      tpu.enqueue_dma source(%arg5 : memref<10016xf32, #tpu.memory_space<vmem>>) target(%dma_start3A_21 : memref<10016xf32, #tpu.memory_space<hbm>>) target_semaphore(%run_scoped3A : memref<!tpu.dma_semaphore, #tpu.memory_space<semaphore_mem>>)
      %dma_wait3A = arith.constant 0 : i32
      %dma_wait3A_22 = tpu.memref_slice %arg3[%add3A, %dma_wait3A] : memref<32x10016xf32, #tpu.memory_space<hbm>> -> memref<1x10016xf32, #tpu.memory_space<hbm>>
      %dma_wait3A_23 = tpu.memref_squeeze %dma_wait3A_22 : memref<1x10016xf32, #tpu.memory_space<hbm>> -> memref<10016xf32, #tpu.memory_space<hbm>>
      %dma_wait3A_24 = arith.constant 0 : i32
      %dma_wait3A_25 = tpu.memref_slice %arg3[%add3A, %dma_wait3A_24] : memref<32x10016xf32, #tpu.memory_space<hbm>> -> memref<1x10016xf32, #tpu.memory_space<hbm>>
      %dma_wait3A_26 = tpu.memref_squeeze %dma_wait3A_25 : memref<1x10016xf32, #tpu.memory_space<hbm>> -> memref<10016xf32, #tpu.memory_space<hbm>>
      tpu.wait_dma2 semaphore(%run_scoped3A : memref<!tpu.dma_semaphore, #tpu.memory_space<semaphore_mem>>) src(%arg5 : memref<10016xf32, #tpu.memory_space<vmem>>) dst(%dma_wait3A_26 : memref<10016xf32, #tpu.memory_space<hbm>>)
      tpu.yield
    }) : () -> ()
    return
  }
}

#map = affine_map<(d0, d1) -> (0, 0)>
module attributes {stable_mosaic.version = 14 : i64} {
  func.func @_agg(%arg0: i32, %arg1: i32, %arg2: memref<10016x32xf32, #tpu.memory_space<hbm>>, %arg3: memref<2560x128xi32, #tpu.memory_space<hbm>>, %arg4: memref<2560x128xi32, #tpu.memory_space<hbm>>, %arg5: memref<10016x32xf32, #tpu.memory_space<hbm>>, %arg6: memref<20032x32xf32, #tpu.memory_space<hbm>>, %arg7: memref<80x128xi32, #tpu.memory_space<vmem>>, %arg8: memref<80x128xi32, #tpu.memory_space<vmem>>, %arg9: memref<8x128x32xf32, #tpu.memory_space<vmem>>, %arg10: memref<10016x32xf32, #tpu.memory_space<vmem_shared>>, %arg11: memref<8x!tpu.dma_semaphore, #tpu.memory_space<semaphore_mem>>, %arg12: memref<8x!tpu.dma_semaphore, #tpu.memory_space<semaphore_mem>>) attributes {dimension_semantics = [#tpu.dimension_semantics<core_parallel>, #tpu.dimension_semantics<subcore_parallel>], iteration_bounds = array<i64: 2, 16>, scalar_prefetch = 0 : i64, scratch_operands = 6 : i64, tpu.core_type = #tpu.core_type<sc_vector_subcore>, window_params = [{transform_indices = #map}, {transform_indices = #map}, {transform_indices = #map}, {transform_indices = #map}, {transform_indices = #map}]} {
    %mul3A = arith.constant 16 : i32
    %mul3A_0 = arith.muli %arg0, %mul3A : i32
    %add3A = arith.addi %mul3A_0, %arg1 : i32
    %mul3A_1 = arith.constant 626 : i32
    %mul3A_2 = arith.muli %arg1, %mul3A_1 : i32
    %mul3A_3 = arith.constant 626 : i32
    %mul3A_4 = arith.muli %arg1, %mul3A_3 : i32
    "tpu.region"() ({
      %run_scoped3A = tpu.sem_alloc : memref<!tpu.dma_semaphore, #tpu.memory_space<semaphore_mem>>
      %dma_start3A_141 = arith.constant 0 : i32
      %dma_start3A_142 = tpu.memref_slice %arg10[%mul3A_4, %dma_start3A_141] : memref<10016x32xf32, #tpu.memory_space<vmem_shared>> -> memref<626x32xf32, #tpu.memory_space<vmem_shared>>
      %dma_start3A_143 = arith.constant 0 : i32
      %dma_start3A_144 = tpu.memref_slice %arg5[%mul3A_2, %dma_start3A_143] : memref<10016x32xf32, #tpu.memory_space<hbm>> -> memref<626x32xf32, #tpu.memory_space<hbm>>
      tpu.enqueue_dma source(%dma_start3A_144 : memref<626x32xf32, #tpu.memory_space<hbm>>) target(%dma_start3A_142 : memref<626x32xf32, #tpu.memory_space<vmem_shared>>) target_semaphore(%run_scoped3A : memref<!tpu.dma_semaphore, #tpu.memory_space<semaphore_mem>>)
      %dma_wait3A = arith.constant 0 : i32
      %dma_wait3A_145 = tpu.memref_slice %arg10[%mul3A_4, %dma_wait3A] : memref<10016x32xf32, #tpu.memory_space<vmem_shared>> -> memref<626x32xf32, #tpu.memory_space<vmem_shared>>
      %dma_wait3A_146 = arith.constant 0 : i32
      %dma_wait3A_147 = tpu.memref_slice %arg5[%mul3A_2, %dma_wait3A_146] : memref<10016x32xf32, #tpu.memory_space<hbm>> -> memref<626x32xf32, #tpu.memory_space<hbm>>
      tpu.wait_dma2 semaphore(%run_scoped3A : memref<!tpu.dma_semaphore, #tpu.memory_space<semaphore_mem>>) src(%dma_wait3A_147 : memref<626x32xf32, #tpu.memory_space<hbm>>) dst(%dma_wait3A_145 : memref<626x32xf32, #tpu.memory_space<vmem_shared>>)
      tpu.yield
    }) : () -> ()
    %mul3A_5 = arith.constant 80 : i32
    %mul3A_6 = arith.muli %add3A, %mul3A_5 : i32
    "tpu.region"() ({
      %run_scoped3A = tpu.sem_alloc : memref<!tpu.dma_semaphore, #tpu.memory_space<semaphore_mem>>
      %dma_start3A_141 = arith.constant 0 : i32
      %dma_start3A_142 = tpu.memref_slice %arg3[%mul3A_6, %dma_start3A_141] : memref<2560x128xi32, #tpu.memory_space<hbm>> -> memref<80x128xi32, #tpu.memory_space<hbm>>
      %dma_start3A_143 = arith.constant 0 : i32
      %dma_start3A_144 = tpu.memref_slice %arg3[%mul3A_6, %dma_start3A_143] : memref<2560x128xi32, #tpu.memory_space<hbm>> -> memref<80x128xi32, #tpu.memory_space<hbm>>
      tpu.enqueue_dma source(%dma_start3A_144 : memref<80x128xi32, #tpu.memory_space<hbm>>) target(%arg7 : memref<80x128xi32, #tpu.memory_space<vmem>>) target_semaphore(%run_scoped3A : memref<!tpu.dma_semaphore, #tpu.memory_space<semaphore_mem>>)
      %dma_wait3A = arith.constant 0 : i32
      %dma_wait3A_145 = tpu.memref_slice %arg3[%mul3A_6, %dma_wait3A] : memref<2560x128xi32, #tpu.memory_space<hbm>> -> memref<80x128xi32, #tpu.memory_space<hbm>>
      %dma_wait3A_146 = arith.constant 0 : i32
      %dma_wait3A_147 = tpu.memref_slice %arg3[%mul3A_6, %dma_wait3A_146] : memref<2560x128xi32, #tpu.memory_space<hbm>> -> memref<80x128xi32, #tpu.memory_space<hbm>>
      tpu.wait_dma2 semaphore(%run_scoped3A : memref<!tpu.dma_semaphore, #tpu.memory_space<semaphore_mem>>) src(%dma_wait3A_147 : memref<80x128xi32, #tpu.memory_space<hbm>>) dst(%arg7 : memref<80x128xi32, #tpu.memory_space<vmem>>)
      tpu.yield
    }) : () -> ()
    %mul3A_7 = arith.constant 80 : i32
    %mul3A_8 = arith.muli %add3A, %mul3A_7 : i32
    "tpu.region"() ({
      %run_scoped3A = tpu.sem_alloc : memref<!tpu.dma_semaphore, #tpu.memory_space<semaphore_mem>>
      %dma_start3A_141 = arith.constant 0 : i32
      %dma_start3A_142 = tpu.memref_slice %arg4[%mul3A_8, %dma_start3A_141] : memref<2560x128xi32, #tpu.memory_space<hbm>> -> memref<80x128xi32, #tpu.memory_space<hbm>>
      %dma_start3A_143 = arith.constant 0 : i32
      %dma_start3A_144 = tpu.memref_slice %arg4[%mul3A_8, %dma_start3A_143] : memref<2560x128xi32, #tpu.memory_space<hbm>> -> memref<80x128xi32, #tpu.memory_space<hbm>>
      tpu.enqueue_dma source(%dma_start3A_144 : memref<80x128xi32, #tpu.memory_space<hbm>>) target(%arg8 : memref<80x128xi32, #tpu.memory_space<vmem>>) target_semaphore(%run_scoped3A : memref<!tpu.dma_semaphore, #tpu.memory_space<semaphore_mem>>)
      %dma_wait3A = arith.constant 0 : i32
      %dma_wait3A_145 = tpu.memref_slice %arg4[%mul3A_8, %dma_wait3A] : memref<2560x128xi32, #tpu.memory_space<hbm>> -> memref<80x128xi32, #tpu.memory_space<hbm>>
      %dma_wait3A_146 = arith.constant 0 : i32
      %dma_wait3A_147 = tpu.memref_slice %arg4[%mul3A_8, %dma_wait3A_146] : memref<2560x128xi32, #tpu.memory_space<hbm>> -> memref<80x128xi32, #tpu.memory_space<hbm>>
      tpu.wait_dma2 semaphore(%run_scoped3A : memref<!tpu.dma_semaphore, #tpu.memory_space<semaphore_mem>>) src(%dma_wait3A_147 : memref<80x128xi32, #tpu.memory_space<hbm>>) dst(%arg8 : memref<80x128xi32, #tpu.memory_space<vmem>>)
      tpu.yield
    }) : () -> ()
    %barrier3A = arith.constant 0 : index
    tpu.barrier barrier_id(%barrier3A)
    %dma_start3A = arith.constant 0 : i32
    %dma_start3A_9 = arith.constant 0 : i32
    %dma_start3A_10 = arith.constant 0 : i32
    %dma_start3A_11 = arith.constant 0 : i32
    %dma_start3A_12 = arith.constant 0 : i32
    %dma_start3A_13 = tpu.memref_slice %arg9[%dma_start3A_9, %dma_start3A_11, %dma_start3A_12] : memref<8x128x32xf32, #tpu.memory_space<vmem>> -> memref<1x128x32xf32, #tpu.memory_space<vmem>>
    %dma_start3A_14 = tpu.memref_squeeze %dma_start3A_13 : memref<1x128x32xf32, #tpu.memory_space<vmem>> -> memref<128x32xf32, #tpu.memory_space<vmem>>
    %dma_start3A_15 = arith.constant 0 : i32
    %dma_start3A_16 = tpu.memref_slice %arg7[%dma_start3A, %dma_start3A_15] : memref<80x128xi32, #tpu.memory_space<vmem>> -> memref<1x128xi32, #tpu.memory_space<vmem>>
    %dma_start3A_17 = tpu.memref_squeeze %dma_start3A_16 : memref<1x128xi32, #tpu.memory_space<vmem>> -> memref<128xi32, #tpu.memory_space<vmem>>
    %dma_start3A_18 = arith.constant 0 : i32
    %dma_start3A_19 = arith.constant 0 : i32
    %dma_start3A_20 = tpu.memref_slice %arg2[%dma_start3A_18, %dma_start3A_19] : memref<10016x32xf32, #tpu.memory_space<hbm>> -> memref<10016x32xf32, #tpu.memory_space<hbm>>
    %dma_start3A_21 = tpu.memref_slice %arg11[%dma_start3A_10] : memref<8x!tpu.dma_semaphore, #tpu.memory_space<semaphore_mem>> -> memref<1x!tpu.dma_semaphore, #tpu.memory_space<semaphore_mem>>
    %dma_start3A_22 = tpu.memref_squeeze %dma_start3A_21 : memref<1x!tpu.dma_semaphore, #tpu.memory_space<semaphore_mem>> -> memref<!tpu.dma_semaphore, #tpu.memory_space<semaphore_mem>>
    tpu.enqueue_indirect_dma source(%dma_start3A_20 : memref<10016x32xf32, #tpu.memory_space<hbm>>) target(%dma_start3A_14 : memref<128x32xf32, #tpu.memory_space<vmem>>) offsets(%dma_start3A_17 : memref<128xi32, #tpu.memory_space<vmem>>) semaphore(%dma_start3A_22 : memref<!tpu.dma_semaphore, #tpu.memory_space<semaphore_mem>>)
    %dma_start3A_23 = arith.constant 1 : i32
    %dma_start3A_24 = arith.constant 1 : i32
    %dma_start3A_25 = arith.constant 1 : i32
    %dma_start3A_26 = arith.constant 0 : i32
    %dma_start3A_27 = arith.constant 0 : i32
    %dma_start3A_28 = tpu.memref_slice %arg9[%dma_start3A_24, %dma_start3A_26, %dma_start3A_27] : memref<8x128x32xf32, #tpu.memory_space<vmem>> -> memref<1x128x32xf32, #tpu.memory_space<vmem>>
    %dma_start3A_29 = tpu.memref_squeeze %dma_start3A_28 : memref<1x128x32xf32, #tpu.memory_space<vmem>> -> memref<128x32xf32, #tpu.memory_space<vmem>>
    %dma_start3A_30 = arith.constant 0 : i32
    %dma_start3A_31 = tpu.memref_slice %arg7[%dma_start3A_23, %dma_start3A_30] : memref<80x128xi32, #tpu.memory_space<vmem>> -> memref<1x128xi32, #tpu.memory_space<vmem>>
    %dma_start3A_32 = tpu.memref_squeeze %dma_start3A_31 : memref<1x128xi32, #tpu.memory_space<vmem>> -> memref<128xi32, #tpu.memory_space<vmem>>
    %dma_start3A_33 = arith.constant 0 : i32
    %dma_start3A_34 = arith.constant 0 : i32
    %dma_start3A_35 = tpu.memref_slice %arg2[%dma_start3A_33, %dma_start3A_34] : memref<10016x32xf32, #tpu.memory_space<hbm>> -> memref<10016x32xf32, #tpu.memory_space<hbm>>
    %dma_start3A_36 = tpu.memref_slice %arg11[%dma_start3A_25] : memref<8x!tpu.dma_semaphore, #tpu.memory_space<semaphore_mem>> -> memref<1x!tpu.dma_semaphore, #tpu.memory_space<semaphore_mem>>
    %dma_start3A_37 = tpu.memref_squeeze %dma_start3A_36 : memref<1x!tpu.dma_semaphore, #tpu.memory_space<semaphore_mem>> -> memref<!tpu.dma_semaphore, #tpu.memory_space<semaphore_mem>>
    tpu.enqueue_indirect_dma source(%dma_start3A_35 : memref<10016x32xf32, #tpu.memory_space<hbm>>) target(%dma_start3A_29 : memref<128x32xf32, #tpu.memory_space<vmem>>) offsets(%dma_start3A_32 : memref<128xi32, #tpu.memory_space<vmem>>) semaphore(%dma_start3A_37 : memref<!tpu.dma_semaphore, #tpu.memory_space<semaphore_mem>>)
    %dma_start3A_38 = arith.constant 2 : i32
    %dma_start3A_39 = arith.constant 2 : i32
    %dma_start3A_40 = arith.constant 2 : i32
    %dma_start3A_41 = arith.constant 0 : i32
    %dma_start3A_42 = arith.constant 0 : i32
    %dma_start3A_43 = tpu.memref_slice %arg9[%dma_start3A_39, %dma_start3A_41, %dma_start3A_42] : memref<8x128x32xf32, #tpu.memory_space<vmem>> -> memref<1x128x32xf32, #tpu.memory_space<vmem>>
    %dma_start3A_44 = tpu.memref_squeeze %dma_start3A_43 : memref<1x128x32xf32, #tpu.memory_space<vmem>> -> memref<128x32xf32, #tpu.memory_space<vmem>>
    %dma_start3A_45 = arith.constant 0 : i32
    %dma_start3A_46 = tpu.memref_slice %arg7[%dma_start3A_38, %dma_start3A_45] : memref<80x128xi32, #tpu.memory_space<vmem>> -> memref<1x128xi32, #tpu.memory_space<vmem>>
    %dma_start3A_47 = tpu.memref_squeeze %dma_start3A_46 : memref<1x128xi32, #tpu.memory_space<vmem>> -> memref<128xi32, #tpu.memory_space<vmem>>
    %dma_start3A_48 = arith.constant 0 : i32
    %dma_start3A_49 = arith.constant 0 : i32
    %dma_start3A_50 = tpu.memref_slice %arg2[%dma_start3A_48, %dma_start3A_49] : memref<10016x32xf32, #tpu.memory_space<hbm>> -> memref<10016x32xf32, #tpu.memory_space<hbm>>
    %dma_start3A_51 = tpu.memref_slice %arg11[%dma_start3A_40] : memref<8x!tpu.dma_semaphore, #tpu.memory_space<semaphore_mem>> -> memref<1x!tpu.dma_semaphore, #tpu.memory_space<semaphore_mem>>
    %dma_start3A_52 = tpu.memref_squeeze %dma_start3A_51 : memref<1x!tpu.dma_semaphore, #tpu.memory_space<semaphore_mem>> -> memref<!tpu.dma_semaphore, #tpu.memory_space<semaphore_mem>>
    tpu.enqueue_indirect_dma source(%dma_start3A_50 : memref<10016x32xf32, #tpu.memory_space<hbm>>) target(%dma_start3A_44 : memref<128x32xf32, #tpu.memory_space<vmem>>) offsets(%dma_start3A_47 : memref<128xi32, #tpu.memory_space<vmem>>) semaphore(%dma_start3A_52 : memref<!tpu.dma_semaphore, #tpu.memory_space<semaphore_mem>>)
    %dma_start3A_53 = arith.constant 3 : i32
    %dma_start3A_54 = arith.constant 3 : i32
    %dma_start3A_55 = arith.constant 3 : i32
    %dma_start3A_56 = arith.constant 0 : i32
    %dma_start3A_57 = arith.constant 0 : i32
    %dma_start3A_58 = tpu.memref_slice %arg9[%dma_start3A_54, %dma_start3A_56, %dma_start3A_57] : memref<8x128x32xf32, #tpu.memory_space<vmem>> -> memref<1x128x32xf32, #tpu.memory_space<vmem>>
    %dma_start3A_59 = tpu.memref_squeeze %dma_start3A_58 : memref<1x128x32xf32, #tpu.memory_space<vmem>> -> memref<128x32xf32, #tpu.memory_space<vmem>>
    %dma_start3A_60 = arith.constant 0 : i32
    %dma_start3A_61 = tpu.memref_slice %arg7[%dma_start3A_53, %dma_start3A_60] : memref<80x128xi32, #tpu.memory_space<vmem>> -> memref<1x128xi32, #tpu.memory_space<vmem>>
    %dma_start3A_62 = tpu.memref_squeeze %dma_start3A_61 : memref<1x128xi32, #tpu.memory_space<vmem>> -> memref<128xi32, #tpu.memory_space<vmem>>
    %dma_start3A_63 = arith.constant 0 : i32
    %dma_start3A_64 = arith.constant 0 : i32
    %dma_start3A_65 = tpu.memref_slice %arg2[%dma_start3A_63, %dma_start3A_64] : memref<10016x32xf32, #tpu.memory_space<hbm>> -> memref<10016x32xf32, #tpu.memory_space<hbm>>
    %dma_start3A_66 = tpu.memref_slice %arg11[%dma_start3A_55] : memref<8x!tpu.dma_semaphore, #tpu.memory_space<semaphore_mem>> -> memref<1x!tpu.dma_semaphore, #tpu.memory_space<semaphore_mem>>
    %dma_start3A_67 = tpu.memref_squeeze %dma_start3A_66 : memref<1x!tpu.dma_semaphore, #tpu.memory_space<semaphore_mem>> -> memref<!tpu.dma_semaphore, #tpu.memory_space<semaphore_mem>>
    tpu.enqueue_indirect_dma source(%dma_start3A_65 : memref<10016x32xf32, #tpu.memory_space<hbm>>) target(%dma_start3A_59 : memref<128x32xf32, #tpu.memory_space<vmem>>) offsets(%dma_start3A_62 : memref<128xi32, #tpu.memory_space<vmem>>) semaphore(%dma_start3A_67 : memref<!tpu.dma_semaphore, #tpu.memory_space<semaphore_mem>>)
    %dma_start3A_68 = arith.constant 4 : i32
    %dma_start3A_69 = arith.constant 4 : i32
    %dma_start3A_70 = arith.constant 4 : i32
    %dma_start3A_71 = arith.constant 0 : i32
    %dma_start3A_72 = arith.constant 0 : i32
    %dma_start3A_73 = tpu.memref_slice %arg9[%dma_start3A_69, %dma_start3A_71, %dma_start3A_72] : memref<8x128x32xf32, #tpu.memory_space<vmem>> -> memref<1x128x32xf32, #tpu.memory_space<vmem>>
    %dma_start3A_74 = tpu.memref_squeeze %dma_start3A_73 : memref<1x128x32xf32, #tpu.memory_space<vmem>> -> memref<128x32xf32, #tpu.memory_space<vmem>>
    %dma_start3A_75 = arith.constant 0 : i32
    %dma_start3A_76 = tpu.memref_slice %arg7[%dma_start3A_68, %dma_start3A_75] : memref<80x128xi32, #tpu.memory_space<vmem>> -> memref<1x128xi32, #tpu.memory_space<vmem>>
    %dma_start3A_77 = tpu.memref_squeeze %dma_start3A_76 : memref<1x128xi32, #tpu.memory_space<vmem>> -> memref<128xi32, #tpu.memory_space<vmem>>
    %dma_start3A_78 = arith.constant 0 : i32
    %dma_start3A_79 = arith.constant 0 : i32
    %dma_start3A_80 = tpu.memref_slice %arg2[%dma_start3A_78, %dma_start3A_79] : memref<10016x32xf32, #tpu.memory_space<hbm>> -> memref<10016x32xf32, #tpu.memory_space<hbm>>
    %dma_start3A_81 = tpu.memref_slice %arg11[%dma_start3A_70] : memref<8x!tpu.dma_semaphore, #tpu.memory_space<semaphore_mem>> -> memref<1x!tpu.dma_semaphore, #tpu.memory_space<semaphore_mem>>
    %dma_start3A_82 = tpu.memref_squeeze %dma_start3A_81 : memref<1x!tpu.dma_semaphore, #tpu.memory_space<semaphore_mem>> -> memref<!tpu.dma_semaphore, #tpu.memory_space<semaphore_mem>>
    tpu.enqueue_indirect_dma source(%dma_start3A_80 : memref<10016x32xf32, #tpu.memory_space<hbm>>) target(%dma_start3A_74 : memref<128x32xf32, #tpu.memory_space<vmem>>) offsets(%dma_start3A_77 : memref<128xi32, #tpu.memory_space<vmem>>) semaphore(%dma_start3A_82 : memref<!tpu.dma_semaphore, #tpu.memory_space<semaphore_mem>>)
    %dma_start3A_83 = arith.constant 5 : i32
    %dma_start3A_84 = arith.constant 5 : i32
    %dma_start3A_85 = arith.constant 5 : i32
    %dma_start3A_86 = arith.constant 0 : i32
    %dma_start3A_87 = arith.constant 0 : i32
    %dma_start3A_88 = tpu.memref_slice %arg9[%dma_start3A_84, %dma_start3A_86, %dma_start3A_87] : memref<8x128x32xf32, #tpu.memory_space<vmem>> -> memref<1x128x32xf32, #tpu.memory_space<vmem>>
    %dma_start3A_89 = tpu.memref_squeeze %dma_start3A_88 : memref<1x128x32xf32, #tpu.memory_space<vmem>> -> memref<128x32xf32, #tpu.memory_space<vmem>>
    %dma_start3A_90 = arith.constant 0 : i32
    %dma_start3A_91 = tpu.memref_slice %arg7[%dma_start3A_83, %dma_start3A_90] : memref<80x128xi32, #tpu.memory_space<vmem>> -> memref<1x128xi32, #tpu.memory_space<vmem>>
    %dma_start3A_92 = tpu.memref_squeeze %dma_start3A_91 : memref<1x128xi32, #tpu.memory_space<vmem>> -> memref<128xi32, #tpu.memory_space<vmem>>
    %dma_start3A_93 = arith.constant 0 : i32
    %dma_start3A_94 = arith.constant 0 : i32
    %dma_start3A_95 = tpu.memref_slice %arg2[%dma_start3A_93, %dma_start3A_94] : memref<10016x32xf32, #tpu.memory_space<hbm>> -> memref<10016x32xf32, #tpu.memory_space<hbm>>
    %dma_start3A_96 = tpu.memref_slice %arg11[%dma_start3A_85] : memref<8x!tpu.dma_semaphore, #tpu.memory_space<semaphore_mem>> -> memref<1x!tpu.dma_semaphore, #tpu.memory_space<semaphore_mem>>
    %dma_start3A_97 = tpu.memref_squeeze %dma_start3A_96 : memref<1x!tpu.dma_semaphore, #tpu.memory_space<semaphore_mem>> -> memref<!tpu.dma_semaphore, #tpu.memory_space<semaphore_mem>>
    tpu.enqueue_indirect_dma source(%dma_start3A_95 : memref<10016x32xf32, #tpu.memory_space<hbm>>) target(%dma_start3A_89 : memref<128x32xf32, #tpu.memory_space<vmem>>) offsets(%dma_start3A_92 : memref<128xi32, #tpu.memory_space<vmem>>) semaphore(%dma_start3A_97 : memref<!tpu.dma_semaphore, #tpu.memory_space<semaphore_mem>>)
    %dma_start3A_98 = arith.constant 6 : i32
    %dma_start3A_99 = arith.constant 6 : i32
    %dma_start3A_100 = arith.constant 6 : i32
    %dma_start3A_101 = arith.constant 0 : i32
    %dma_start3A_102 = arith.constant 0 : i32
    %dma_start3A_103 = tpu.memref_slice %arg9[%dma_start3A_99, %dma_start3A_101, %dma_start3A_102] : memref<8x128x32xf32, #tpu.memory_space<vmem>> -> memref<1x128x32xf32, #tpu.memory_space<vmem>>
    %dma_start3A_104 = tpu.memref_squeeze %dma_start3A_103 : memref<1x128x32xf32, #tpu.memory_space<vmem>> -> memref<128x32xf32, #tpu.memory_space<vmem>>
    %dma_start3A_105 = arith.constant 0 : i32
    %dma_start3A_106 = tpu.memref_slice %arg7[%dma_start3A_98, %dma_start3A_105] : memref<80x128xi32, #tpu.memory_space<vmem>> -> memref<1x128xi32, #tpu.memory_space<vmem>>
    %dma_start3A_107 = tpu.memref_squeeze %dma_start3A_106 : memref<1x128xi32, #tpu.memory_space<vmem>> -> memref<128xi32, #tpu.memory_space<vmem>>
    %dma_start3A_108 = arith.constant 0 : i32
    %dma_start3A_109 = arith.constant 0 : i32
    %dma_start3A_110 = tpu.memref_slice %arg2[%dma_start3A_108, %dma_start3A_109] : memref<10016x32xf32, #tpu.memory_space<hbm>> -> memref<10016x32xf32, #tpu.memory_space<hbm>>
    %dma_start3A_111 = tpu.memref_slice %arg11[%dma_start3A_100] : memref<8x!tpu.dma_semaphore, #tpu.memory_space<semaphore_mem>> -> memref<1x!tpu.dma_semaphore, #tpu.memory_space<semaphore_mem>>
    %dma_start3A_112 = tpu.memref_squeeze %dma_start3A_111 : memref<1x!tpu.dma_semaphore, #tpu.memory_space<semaphore_mem>> -> memref<!tpu.dma_semaphore, #tpu.memory_space<semaphore_mem>>
    tpu.enqueue_indirect_dma source(%dma_start3A_110 : memref<10016x32xf32, #tpu.memory_space<hbm>>) target(%dma_start3A_104 : memref<128x32xf32, #tpu.memory_space<vmem>>) offsets(%dma_start3A_107 : memref<128xi32, #tpu.memory_space<vmem>>) semaphore(%dma_start3A_112 : memref<!tpu.dma_semaphore, #tpu.memory_space<semaphore_mem>>)
    %dma_start3A_113 = arith.constant 7 : i32
    %dma_start3A_114 = arith.constant 7 : i32
    %dma_start3A_115 = arith.constant 7 : i32
    %dma_start3A_116 = arith.constant 0 : i32
    %dma_start3A_117 = arith.constant 0 : i32
    %dma_start3A_118 = tpu.memref_slice %arg9[%dma_start3A_114, %dma_start3A_116, %dma_start3A_117] : memref<8x128x32xf32, #tpu.memory_space<vmem>> -> memref<1x128x32xf32, #tpu.memory_space<vmem>>
    %dma_start3A_119 = tpu.memref_squeeze %dma_start3A_118 : memref<1x128x32xf32, #tpu.memory_space<vmem>> -> memref<128x32xf32, #tpu.memory_space<vmem>>
    %dma_start3A_120 = arith.constant 0 : i32
    %dma_start3A_121 = tpu.memref_slice %arg7[%dma_start3A_113, %dma_start3A_120] : memref<80x128xi32, #tpu.memory_space<vmem>> -> memref<1x128xi32, #tpu.memory_space<vmem>>
    %dma_start3A_122 = tpu.memref_squeeze %dma_start3A_121 : memref<1x128xi32, #tpu.memory_space<vmem>> -> memref<128xi32, #tpu.memory_space<vmem>>
    %dma_start3A_123 = arith.constant 0 : i32
    %dma_start3A_124 = arith.constant 0 : i32
    %dma_start3A_125 = tpu.memref_slice %arg2[%dma_start3A_123, %dma_start3A_124] : memref<10016x32xf32, #tpu.memory_space<hbm>> -> memref<10016x32xf32, #tpu.memory_space<hbm>>
    %dma_start3A_126 = tpu.memref_slice %arg11[%dma_start3A_115] : memref<8x!tpu.dma_semaphore, #tpu.memory_space<semaphore_mem>> -> memref<1x!tpu.dma_semaphore, #tpu.memory_space<semaphore_mem>>
    %dma_start3A_127 = tpu.memref_squeeze %dma_start3A_126 : memref<1x!tpu.dma_semaphore, #tpu.memory_space<semaphore_mem>> -> memref<!tpu.dma_semaphore, #tpu.memory_space<semaphore_mem>>
    tpu.enqueue_indirect_dma source(%dma_start3A_125 : memref<10016x32xf32, #tpu.memory_space<hbm>>) target(%dma_start3A_119 : memref<128x32xf32, #tpu.memory_space<vmem>>) offsets(%dma_start3A_122 : memref<128xi32, #tpu.memory_space<vmem>>) semaphore(%dma_start3A_127 : memref<!tpu.dma_semaphore, #tpu.memory_space<semaphore_mem>>)
    %scan3A = arith.constant 0 : i32
    %scan3A_128 = arith.constant 0 : i32
    %scan3A_129 = arith.constant 10 : i32
    %scan3A_130 = arith.addi %scan3A_128, %scan3A_129 : i32
    %scan3A_131 = arith.constant 1 : i32
    scf.for %scan3A_141 = %scan3A_128 to %scan3A_130 step %scan3A_131  : i32 {
      %mul3A_142 = arith.constant 8 : i32
      %mul3A_143 = arith.muli %scan3A_141, %mul3A_142 : i32
      %add3A_144 = arith.constant 0 : i32
      %add3A_145 = arith.addi %mul3A_143, %add3A_144 : i32
      %dma_wait3A = arith.constant 0 : i32
      %dma_wait3A_146 = arith.constant 0 : i32
      %dma_wait3A_147 = arith.constant 0 : i32
      %dma_wait3A_148 = arith.constant 0 : i32
      %dma_wait3A_149 = tpu.memref_slice %arg9[%dma_wait3A, %dma_wait3A_147, %dma_wait3A_148] : memref<8x128x32xf32, #tpu.memory_space<vmem>> -> memref<1x128x32xf32, #tpu.memory_space<vmem>>
      %dma_wait3A_150 = tpu.memref_squeeze %dma_wait3A_149 : memref<1x128x32xf32, #tpu.memory_space<vmem>> -> memref<128x32xf32, #tpu.memory_space<vmem>>
      %dma_wait3A_151 = arith.constant 0 : i32
      %dma_wait3A_152 = tpu.memref_slice %arg7[%add3A_145, %dma_wait3A_151] : memref<80x128xi32, #tpu.memory_space<vmem>> -> memref<1x128xi32, #tpu.memory_space<vmem>>
      %dma_wait3A_153 = tpu.memref_squeeze %dma_wait3A_152 : memref<1x128xi32, #tpu.memory_space<vmem>> -> memref<128xi32, #tpu.memory_space<vmem>>
      %dma_wait3A_154 = arith.constant 0 : i32
      %dma_wait3A_155 = arith.constant 0 : i32
      %dma_wait3A_156 = tpu.memref_slice %arg2[%dma_wait3A_154, %dma_wait3A_155] : memref<10016x32xf32, #tpu.memory_space<hbm>> -> memref<10016x32xf32, #tpu.memory_space<hbm>>
      %dma_wait3A_157 = tpu.memref_slice %arg11[%dma_wait3A_146] : memref<8x!tpu.dma_semaphore, #tpu.memory_space<semaphore_mem>> -> memref<1x!tpu.dma_semaphore, #tpu.memory_space<semaphore_mem>>
      %dma_wait3A_158 = tpu.memref_squeeze %dma_wait3A_157 : memref<1x!tpu.dma_semaphore, #tpu.memory_space<semaphore_mem>> -> memref<!tpu.dma_semaphore, #tpu.memory_space<semaphore_mem>>
      tpu.wait_indirect_dma semaphore(%dma_wait3A_158 : memref<!tpu.dma_semaphore, #tpu.memory_space<semaphore_mem>>) src(%dma_wait3A_156 : memref<10016x32xf32, #tpu.memory_space<hbm>>) dst(%dma_wait3A_150 : memref<128x32xf32, #tpu.memory_space<vmem>>)
      %dma_start3A_159 = arith.constant 0 : i32
      %dma_start3A_160 = arith.constant 0 : i32
      %dma_start3A_161 = arith.constant 0 : i32
      %dma_start3A_162 = arith.constant 0 : i32
      %dma_start3A_163 = tpu.memref_slice %arg9[%dma_start3A_159, %dma_start3A_161, %dma_start3A_162] : memref<8x128x32xf32, #tpu.memory_space<vmem>> -> memref<1x128x32xf32, #tpu.memory_space<vmem>>
      %dma_start3A_164 = tpu.memref_squeeze %dma_start3A_163 : memref<1x128x32xf32, #tpu.memory_space<vmem>> -> memref<128x32xf32, #tpu.memory_space<vmem>>
      %dma_start3A_165 = arith.constant 0 : i32
      %dma_start3A_166 = tpu.memref_slice %arg8[%add3A_145, %dma_start3A_165] : memref<80x128xi32, #tpu.memory_space<vmem>> -> memref<1x128xi32, #tpu.memory_space<vmem>>
      %dma_start3A_167 = tpu.memref_squeeze %dma_start3A_166 : memref<1x128xi32, #tpu.memory_space<vmem>> -> memref<128xi32, #tpu.memory_space<vmem>>
      %dma_start3A_168 = arith.constant 0 : i32
      %dma_start3A_169 = arith.constant 0 : i32
      %dma_start3A_170 = tpu.memref_slice %arg10[%dma_start3A_168, %dma_start3A_169] : memref<10016x32xf32, #tpu.memory_space<vmem_shared>> -> memref<10016x32xf32, #tpu.memory_space<vmem_shared>>
      %dma_start3A_171 = tpu.memref_slice %arg12[%dma_start3A_160] : memref<8x!tpu.dma_semaphore, #tpu.memory_space<semaphore_mem>> -> memref<1x!tpu.dma_semaphore, #tpu.memory_space<semaphore_mem>>
      %dma_start3A_172 = tpu.memref_squeeze %dma_start3A_171 : memref<1x!tpu.dma_semaphore, #tpu.memory_space<semaphore_mem>> -> memref<!tpu.dma_semaphore, #tpu.memory_space<semaphore_mem>>
      tpu.enqueue_indirect_dma source(%dma_start3A_164 : memref<128x32xf32, #tpu.memory_space<vmem>>) target(%dma_start3A_170 : memref<10016x32xf32, #tpu.memory_space<vmem_shared>>) offsets(%dma_start3A_167 : memref<128xi32, #tpu.memory_space<vmem>>) semaphore(%dma_start3A_172 : memref<!tpu.dma_semaphore, #tpu.memory_space<semaphore_mem>>) {add = true}
      %add3A_173 = arith.constant 8 : i32
      %add3A_174 = arith.addi %add3A_145, %add3A_173 : i32
      %lt3A = arith.constant 80 : i32
      %lt3A_175 = arith.cmpi slt, %add3A_174, %lt3A : i32
      %convert_element_type3A = arith.extui %lt3A_175 : i1 to i32
      %cond3A = arith.constant 0 : i32
      %cond3A_176 = arith.constant 0 : i32
      %cond3A_177 = arith.constant 0 : i32
      %cond3A_178 = arith.cmpi ne, %convert_element_type3A, %cond3A_177 : i32
      scf.if %cond3A_178 {
        %dma_wait3A_537 = arith.constant 0 : i32
        %dma_wait3A_538 = arith.constant 0 : i32
        %dma_wait3A_539 = tpu.memref_slice %arg9[%cond3A, %dma_wait3A_537, %dma_wait3A_538] : memref<8x128x32xf32, #tpu.memory_space<vmem>> -> memref<1x128x32xf32, #tpu.memory_space<vmem>>
        %dma_wait3A_540 = tpu.memref_squeeze %dma_wait3A_539 : memref<1x128x32xf32, #tpu.memory_space<vmem>> -> memref<128x32xf32, #tpu.memory_space<vmem>>
        %dma_wait3A_541 = arith.constant 0 : i32
        %dma_wait3A_542 = tpu.memref_slice %arg8[%add3A_145, %dma_wait3A_541] : memref<80x128xi32, #tpu.memory_space<vmem>> -> memref<1x128xi32, #tpu.memory_space<vmem>>
        %dma_wait3A_543 = tpu.memref_squeeze %dma_wait3A_542 : memref<1x128xi32, #tpu.memory_space<vmem>> -> memref<128xi32, #tpu.memory_space<vmem>>
        %dma_wait3A_544 = arith.constant 0 : i32
        %dma_wait3A_545 = arith.constant 0 : i32
        %dma_wait3A_546 = tpu.memref_slice %arg10[%dma_wait3A_544, %dma_wait3A_545] : memref<10016x32xf32, #tpu.memory_space<vmem_shared>> -> memref<10016x32xf32, #tpu.memory_space<vmem_shared>>
        %dma_wait3A_547 = tpu.memref_slice %arg12[%cond3A_176] : memref<8x!tpu.dma_semaphore, #tpu.memory_space<semaphore_mem>> -> memref<1x!tpu.dma_semaphore, #tpu.memory_space<semaphore_mem>>
        %dma_wait3A_548 = tpu.memref_squeeze %dma_wait3A_547 : memref<1x!tpu.dma_semaphore, #tpu.memory_space<semaphore_mem>> -> memref<!tpu.dma_semaphore, #tpu.memory_space<semaphore_mem>>
        tpu.wait_indirect_dma semaphore(%dma_wait3A_548 : memref<!tpu.dma_semaphore, #tpu.memory_space<semaphore_mem>>) src(%dma_wait3A_540 : memref<128x32xf32, #tpu.memory_space<vmem>>) dst(%dma_wait3A_546 : memref<10016x32xf32, #tpu.memory_space<vmem_shared>>)
        %add3A_549 = arith.constant 8 : i32
        %add3A_550 = arith.addi %add3A_145, %add3A_549 : i32
        %dma_start3A_551 = arith.constant 0 : i32
        %dma_start3A_552 = arith.constant 0 : i32
        %dma_start3A_553 = arith.constant 0 : i32
        %dma_start3A_554 = arith.constant 0 : i32
        %dma_start3A_555 = tpu.memref_slice %arg9[%dma_start3A_551, %dma_start3A_553, %dma_start3A_554] : memref<8x128x32xf32, #tpu.memory_space<vmem>> -> memref<1x128x32xf32, #tpu.memory_space<vmem>>
        %dma_start3A_556 = tpu.memref_squeeze %dma_start3A_555 : memref<1x128x32xf32, #tpu.memory_space<vmem>> -> memref<128x32xf32, #tpu.memory_space<vmem>>
        %dma_start3A_557 = arith.constant 0 : i32
        %dma_start3A_558 = tpu.memref_slice %arg7[%add3A_550, %dma_start3A_557] : memref<80x128xi32, #tpu.memory_space<vmem>> -> memref<1x128xi32, #tpu.memory_space<vmem>>
        %dma_start3A_559 = tpu.memref_squeeze %dma_start3A_558 : memref<1x128xi32, #tpu.memory_space<vmem>> -> memref<128xi32, #tpu.memory_space<vmem>>
        %dma_start3A_560 = arith.constant 0 : i32
        %dma_start3A_561 = arith.constant 0 : i32
        %dma_start3A_562 = tpu.memref_slice %arg2[%dma_start3A_560, %dma_start3A_561] : memref<10016x32xf32, #tpu.memory_space<hbm>> -> memref<10016x32xf32, #tpu.memory_space<hbm>>
        %dma_start3A_563 = tpu.memref_slice %arg11[%dma_start3A_552] : memref<8x!tpu.dma_semaphore, #tpu.memory_space<semaphore_mem>> -> memref<1x!tpu.dma_semaphore, #tpu.memory_space<semaphore_mem>>
        %dma_start3A_564 = tpu.memref_squeeze %dma_start3A_563 : memref<1x!tpu.dma_semaphore, #tpu.memory_space<semaphore_mem>> -> memref<!tpu.dma_semaphore, #tpu.memory_space<semaphore_mem>>
        tpu.enqueue_indirect_dma source(%dma_start3A_562 : memref<10016x32xf32, #tpu.memory_space<hbm>>) target(%dma_start3A_556 : memref<128x32xf32, #tpu.memory_space<vmem>>) offsets(%dma_start3A_559 : memref<128xi32, #tpu.memory_space<vmem>>) semaphore(%dma_start3A_564 : memref<!tpu.dma_semaphore, #tpu.memory_space<semaphore_mem>>)
      } else {
      }
      %add3A_179 = arith.constant 8 : i32
      %add3A_180 = arith.addi %add3A_145, %add3A_179 : i32
      %ge3A = arith.constant 80 : i32
      %ge3A_181 = arith.cmpi sge, %add3A_180, %ge3A : i32
      %convert_element_type3A_182 = arith.extui %ge3A_181 : i1 to i32
      %cond3A_183 = arith.constant 0 : i32
      %cond3A_184 = arith.constant 0 : i32
      %cond3A_185 = arith.constant 0 : i32
      %cond3A_186 = arith.cmpi ne, %convert_element_type3A_182, %cond3A_185 : i32
      scf.if %cond3A_186 {
        %dma_wait3A_537 = arith.constant 0 : i32
        %dma_wait3A_538 = arith.constant 0 : i32
        %dma_wait3A_539 = tpu.memref_slice %arg9[%cond3A_183, %dma_wait3A_537, %dma_wait3A_538] : memref<8x128x32xf32, #tpu.memory_space<vmem>> -> memref<1x128x32xf32, #tpu.memory_space<vmem>>
        %dma_wait3A_540 = tpu.memref_squeeze %dma_wait3A_539 : memref<1x128x32xf32, #tpu.memory_space<vmem>> -> memref<128x32xf32, #tpu.memory_space<vmem>>
        %dma_wait3A_541 = arith.constant 0 : i32
        %dma_wait3A_542 = tpu.memref_slice %arg8[%add3A_145, %dma_wait3A_541] : memref<80x128xi32, #tpu.memory_space<vmem>> -> memref<1x128xi32, #tpu.memory_space<vmem>>
        %dma_wait3A_543 = tpu.memref_squeeze %dma_wait3A_542 : memref<1x128xi32, #tpu.memory_space<vmem>> -> memref<128xi32, #tpu.memory_space<vmem>>
        %dma_wait3A_544 = arith.constant 0 : i32
        %dma_wait3A_545 = arith.constant 0 : i32
        %dma_wait3A_546 = tpu.memref_slice %arg10[%dma_wait3A_544, %dma_wait3A_545] : memref<10016x32xf32, #tpu.memory_space<vmem_shared>> -> memref<10016x32xf32, #tpu.memory_space<vmem_shared>>
        %dma_wait3A_547 = tpu.memref_slice %arg12[%cond3A_184] : memref<8x!tpu.dma_semaphore, #tpu.memory_space<semaphore_mem>> -> memref<1x!tpu.dma_semaphore, #tpu.memory_space<semaphore_mem>>
        %dma_wait3A_548 = tpu.memref_squeeze %dma_wait3A_547 : memref<1x!tpu.dma_semaphore, #tpu.memory_space<semaphore_mem>> -> memref<!tpu.dma_semaphore, #tpu.memory_space<semaphore_mem>>
        tpu.wait_indirect_dma semaphore(%dma_wait3A_548 : memref<!tpu.dma_semaphore, #tpu.memory_space<semaphore_mem>>) src(%dma_wait3A_540 : memref<128x32xf32, #tpu.memory_space<vmem>>) dst(%dma_wait3A_546 : memref<10016x32xf32, #tpu.memory_space<vmem_shared>>)
      } else {
      }
      %mul3A_187 = arith.constant 8 : i32
      %mul3A_188 = arith.muli %scan3A_141, %mul3A_187 : i32
      %add3A_189 = arith.constant 1 : i32
      %add3A_190 = arith.addi %mul3A_188, %add3A_189 : i32
      %dma_wait3A_191 = arith.constant 1 : i32
      %dma_wait3A_192 = arith.constant 1 : i32
      %dma_wait3A_193 = arith.constant 0 : i32
      %dma_wait3A_194 = arith.constant 0 : i32
      %dma_wait3A_195 = tpu.memref_slice %arg9[%dma_wait3A_191, %dma_wait3A_193, %dma_wait3A_194] : memref<8x128x32xf32, #tpu.memory_space<vmem>> -> memref<1x128x32xf32, #tpu.memory_space<vmem>>
      %dma_wait3A_196 = tpu.memref_squeeze %dma_wait3A_195 : memref<1x128x32xf32, #tpu.memory_space<vmem>> -> memref<128x32xf32, #tpu.memory_space<vmem>>
      %dma_wait3A_197 = arith.constant 0 : i32
      %dma_wait3A_198 = tpu.memref_slice %arg7[%add3A_190, %dma_wait3A_197] : memref<80x128xi32, #tpu.memory_space<vmem>> -> memref<1x128xi32, #tpu.memory_space<vmem>>
      %dma_wait3A_199 = tpu.memref_squeeze %dma_wait3A_198 : memref<1x128xi32, #tpu.memory_space<vmem>> -> memref<128xi32, #tpu.memory_space<vmem>>
      %dma_wait3A_200 = arith.constant 0 : i32
      %dma_wait3A_201 = arith.constant 0 : i32
      %dma_wait3A_202 = tpu.memref_slice %arg2[%dma_wait3A_200, %dma_wait3A_201] : memref<10016x32xf32, #tpu.memory_space<hbm>> -> memref<10016x32xf32, #tpu.memory_space<hbm>>
      %dma_wait3A_203 = tpu.memref_slice %arg11[%dma_wait3A_192] : memref<8x!tpu.dma_semaphore, #tpu.memory_space<semaphore_mem>> -> memref<1x!tpu.dma_semaphore, #tpu.memory_space<semaphore_mem>>
      %dma_wait3A_204 = tpu.memref_squeeze %dma_wait3A_203 : memref<1x!tpu.dma_semaphore, #tpu.memory_space<semaphore_mem>> -> memref<!tpu.dma_semaphore, #tpu.memory_space<semaphore_mem>>
      tpu.wait_indirect_dma semaphore(%dma_wait3A_204 : memref<!tpu.dma_semaphore, #tpu.memory_space<semaphore_mem>>) src(%dma_wait3A_202 : memref<10016x32xf32, #tpu.memory_space<hbm>>) dst(%dma_wait3A_196 : memref<128x32xf32, #tpu.memory_space<vmem>>)
      %dma_start3A_205 = arith.constant 1 : i32
      %dma_start3A_206 = arith.constant 1 : i32
      %dma_start3A_207 = arith.constant 0 : i32
      %dma_start3A_208 = arith.constant 0 : i32
      %dma_start3A_209 = tpu.memref_slice %arg9[%dma_start3A_205, %dma_start3A_207, %dma_start3A_208] : memref<8x128x32xf32, #tpu.memory_space<vmem>> -> memref<1x128x32xf32, #tpu.memory_space<vmem>>
      %dma_start3A_210 = tpu.memref_squeeze %dma_start3A_209 : memref<1x128x32xf32, #tpu.memory_space<vmem>> -> memref<128x32xf32, #tpu.memory_space<vmem>>
      %dma_start3A_211 = arith.constant 0 : i32
      %dma_start3A_212 = tpu.memref_slice %arg8[%add3A_190, %dma_start3A_211] : memref<80x128xi32, #tpu.memory_space<vmem>> -> memref<1x128xi32, #tpu.memory_space<vmem>>
      %dma_start3A_213 = tpu.memref_squeeze %dma_start3A_212 : memref<1x128xi32, #tpu.memory_space<vmem>> -> memref<128xi32, #tpu.memory_space<vmem>>
      %dma_start3A_214 = arith.constant 0 : i32
      %dma_start3A_215 = arith.constant 0 : i32
      %dma_start3A_216 = tpu.memref_slice %arg10[%dma_start3A_214, %dma_start3A_215] : memref<10016x32xf32, #tpu.memory_space<vmem_shared>> -> memref<10016x32xf32, #tpu.memory_space<vmem_shared>>
      %dma_start3A_217 = tpu.memref_slice %arg12[%dma_start3A_206] : memref<8x!tpu.dma_semaphore, #tpu.memory_space<semaphore_mem>> -> memref<1x!tpu.dma_semaphore, #tpu.memory_space<semaphore_mem>>
      %dma_start3A_218 = tpu.memref_squeeze %dma_start3A_217 : memref<1x!tpu.dma_semaphore, #tpu.memory_space<semaphore_mem>> -> memref<!tpu.dma_semaphore, #tpu.memory_space<semaphore_mem>>
      tpu.enqueue_indirect_dma source(%dma_start3A_210 : memref<128x32xf32, #tpu.memory_space<vmem>>) target(%dma_start3A_216 : memref<10016x32xf32, #tpu.memory_space<vmem_shared>>) offsets(%dma_start3A_213 : memref<128xi32, #tpu.memory_space<vmem>>) semaphore(%dma_start3A_218 : memref<!tpu.dma_semaphore, #tpu.memory_space<semaphore_mem>>) {add = true}
      %add3A_219 = arith.constant 8 : i32
      %add3A_220 = arith.addi %add3A_190, %add3A_219 : i32
      %lt3A_221 = arith.constant 80 : i32
      %lt3A_222 = arith.cmpi slt, %add3A_220, %lt3A_221 : i32
      %convert_element_type3A_223 = arith.extui %lt3A_222 : i1 to i32
      %cond3A_224 = arith.constant 1 : i32
      %cond3A_225 = arith.constant 1 : i32
      %cond3A_226 = arith.constant 0 : i32
      %cond3A_227 = arith.cmpi ne, %convert_element_type3A_223, %cond3A_226 : i32
      scf.if %cond3A_227 {
        %dma_wait3A_537 = arith.constant 0 : i32
        %dma_wait3A_538 = arith.constant 0 : i32
        %dma_wait3A_539 = tpu.memref_slice %arg9[%cond3A_224, %dma_wait3A_537, %dma_wait3A_538] : memref<8x128x32xf32, #tpu.memory_space<vmem>> -> memref<1x128x32xf32, #tpu.memory_space<vmem>>
        %dma_wait3A_540 = tpu.memref_squeeze %dma_wait3A_539 : memref<1x128x32xf32, #tpu.memory_space<vmem>> -> memref<128x32xf32, #tpu.memory_space<vmem>>
        %dma_wait3A_541 = arith.constant 0 : i32
        %dma_wait3A_542 = tpu.memref_slice %arg8[%add3A_190, %dma_wait3A_541] : memref<80x128xi32, #tpu.memory_space<vmem>> -> memref<1x128xi32, #tpu.memory_space<vmem>>
        %dma_wait3A_543 = tpu.memref_squeeze %dma_wait3A_542 : memref<1x128xi32, #tpu.memory_space<vmem>> -> memref<128xi32, #tpu.memory_space<vmem>>
        %dma_wait3A_544 = arith.constant 0 : i32
        %dma_wait3A_545 = arith.constant 0 : i32
        %dma_wait3A_546 = tpu.memref_slice %arg10[%dma_wait3A_544, %dma_wait3A_545] : memref<10016x32xf32, #tpu.memory_space<vmem_shared>> -> memref<10016x32xf32, #tpu.memory_space<vmem_shared>>
        %dma_wait3A_547 = tpu.memref_slice %arg12[%cond3A_225] : memref<8x!tpu.dma_semaphore, #tpu.memory_space<semaphore_mem>> -> memref<1x!tpu.dma_semaphore, #tpu.memory_space<semaphore_mem>>
        %dma_wait3A_548 = tpu.memref_squeeze %dma_wait3A_547 : memref<1x!tpu.dma_semaphore, #tpu.memory_space<semaphore_mem>> -> memref<!tpu.dma_semaphore, #tpu.memory_space<semaphore_mem>>
        tpu.wait_indirect_dma semaphore(%dma_wait3A_548 : memref<!tpu.dma_semaphore, #tpu.memory_space<semaphore_mem>>) src(%dma_wait3A_540 : memref<128x32xf32, #tpu.memory_space<vmem>>) dst(%dma_wait3A_546 : memref<10016x32xf32, #tpu.memory_space<vmem_shared>>)
        %add3A_549 = arith.constant 8 : i32
        %add3A_550 = arith.addi %add3A_190, %add3A_549 : i32
        %dma_start3A_551 = arith.constant 1 : i32
        %dma_start3A_552 = arith.constant 1 : i32
        %dma_start3A_553 = arith.constant 0 : i32
        %dma_start3A_554 = arith.constant 0 : i32
        %dma_start3A_555 = tpu.memref_slice %arg9[%dma_start3A_551, %dma_start3A_553, %dma_start3A_554] : memref<8x128x32xf32, #tpu.memory_space<vmem>> -> memref<1x128x32xf32, #tpu.memory_space<vmem>>
        %dma_start3A_556 = tpu.memref_squeeze %dma_start3A_555 : memref<1x128x32xf32, #tpu.memory_space<vmem>> -> memref<128x32xf32, #tpu.memory_space<vmem>>
        %dma_start3A_557 = arith.constant 0 : i32
        %dma_start3A_558 = tpu.memref_slice %arg7[%add3A_550, %dma_start3A_557] : memref<80x128xi32, #tpu.memory_space<vmem>> -> memref<1x128xi32, #tpu.memory_space<vmem>>
        %dma_start3A_559 = tpu.memref_squeeze %dma_start3A_558 : memref<1x128xi32, #tpu.memory_space<vmem>> -> memref<128xi32, #tpu.memory_space<vmem>>
        %dma_start3A_560 = arith.constant 0 : i32
        %dma_start3A_561 = arith.constant 0 : i32
        %dma_start3A_562 = tpu.memref_slice %arg2[%dma_start3A_560, %dma_start3A_561] : memref<10016x32xf32, #tpu.memory_space<hbm>> -> memref<10016x32xf32, #tpu.memory_space<hbm>>
        %dma_start3A_563 = tpu.memref_slice %arg11[%dma_start3A_552] : memref<8x!tpu.dma_semaphore, #tpu.memory_space<semaphore_mem>> -> memref<1x!tpu.dma_semaphore, #tpu.memory_space<semaphore_mem>>
        %dma_start3A_564 = tpu.memref_squeeze %dma_start3A_563 : memref<1x!tpu.dma_semaphore, #tpu.memory_space<semaphore_mem>> -> memref<!tpu.dma_semaphore, #tpu.memory_space<semaphore_mem>>
        tpu.enqueue_indirect_dma source(%dma_start3A_562 : memref<10016x32xf32, #tpu.memory_space<hbm>>) target(%dma_start3A_556 : memref<128x32xf32, #tpu.memory_space<vmem>>) offsets(%dma_start3A_559 : memref<128xi32, #tpu.memory_space<vmem>>) semaphore(%dma_start3A_564 : memref<!tpu.dma_semaphore, #tpu.memory_space<semaphore_mem>>)
      } else {
      }
      %add3A_228 = arith.constant 8 : i32
      %add3A_229 = arith.addi %add3A_190, %add3A_228 : i32
      %ge3A_230 = arith.constant 80 : i32
      %ge3A_231 = arith.cmpi sge, %add3A_229, %ge3A_230 : i32
      %convert_element_type3A_232 = arith.extui %ge3A_231 : i1 to i32
      %cond3A_233 = arith.constant 1 : i32
      %cond3A_234 = arith.constant 1 : i32
      %cond3A_235 = arith.constant 0 : i32
      %cond3A_236 = arith.cmpi ne, %convert_element_type3A_232, %cond3A_235 : i32
      scf.if %cond3A_236 {
        %dma_wait3A_537 = arith.constant 0 : i32
        %dma_wait3A_538 = arith.constant 0 : i32
        %dma_wait3A_539 = tpu.memref_slice %arg9[%cond3A_233, %dma_wait3A_537, %dma_wait3A_538] : memref<8x128x32xf32, #tpu.memory_space<vmem>> -> memref<1x128x32xf32, #tpu.memory_space<vmem>>
        %dma_wait3A_540 = tpu.memref_squeeze %dma_wait3A_539 : memref<1x128x32xf32, #tpu.memory_space<vmem>> -> memref<128x32xf32, #tpu.memory_space<vmem>>
        %dma_wait3A_541 = arith.constant 0 : i32
        %dma_wait3A_542 = tpu.memref_slice %arg8[%add3A_190, %dma_wait3A_541] : memref<80x128xi32, #tpu.memory_space<vmem>> -> memref<1x128xi32, #tpu.memory_space<vmem>>
        %dma_wait3A_543 = tpu.memref_squeeze %dma_wait3A_542 : memref<1x128xi32, #tpu.memory_space<vmem>> -> memref<128xi32, #tpu.memory_space<vmem>>
        %dma_wait3A_544 = arith.constant 0 : i32
        %dma_wait3A_545 = arith.constant 0 : i32
        %dma_wait3A_546 = tpu.memref_slice %arg10[%dma_wait3A_544, %dma_wait3A_545] : memref<10016x32xf32, #tpu.memory_space<vmem_shared>> -> memref<10016x32xf32, #tpu.memory_space<vmem_shared>>
        %dma_wait3A_547 = tpu.memref_slice %arg12[%cond3A_234] : memref<8x!tpu.dma_semaphore, #tpu.memory_space<semaphore_mem>> -> memref<1x!tpu.dma_semaphore, #tpu.memory_space<semaphore_mem>>
        %dma_wait3A_548 = tpu.memref_squeeze %dma_wait3A_547 : memref<1x!tpu.dma_semaphore, #tpu.memory_space<semaphore_mem>> -> memref<!tpu.dma_semaphore, #tpu.memory_space<semaphore_mem>>
        tpu.wait_indirect_dma semaphore(%dma_wait3A_548 : memref<!tpu.dma_semaphore, #tpu.memory_space<semaphore_mem>>) src(%dma_wait3A_540 : memref<128x32xf32, #tpu.memory_space<vmem>>) dst(%dma_wait3A_546 : memref<10016x32xf32, #tpu.memory_space<vmem_shared>>)
      } else {
      }
      %mul3A_237 = arith.constant 8 : i32
      %mul3A_238 = arith.muli %scan3A_141, %mul3A_237 : i32
      %add3A_239 = arith.constant 2 : i32
      %add3A_240 = arith.addi %mul3A_238, %add3A_239 : i32
      %dma_wait3A_241 = arith.constant 2 : i32
      %dma_wait3A_242 = arith.constant 2 : i32
      %dma_wait3A_243 = arith.constant 0 : i32
      %dma_wait3A_244 = arith.constant 0 : i32
      %dma_wait3A_245 = tpu.memref_slice %arg9[%dma_wait3A_241, %dma_wait3A_243, %dma_wait3A_244] : memref<8x128x32xf32, #tpu.memory_space<vmem>> -> memref<1x128x32xf32, #tpu.memory_space<vmem>>
      %dma_wait3A_246 = tpu.memref_squeeze %dma_wait3A_245 : memref<1x128x32xf32, #tpu.memory_space<vmem>> -> memref<128x32xf32, #tpu.memory_space<vmem>>
      %dma_wait3A_247 = arith.constant 0 : i32
      %dma_wait3A_248 = tpu.memref_slice %arg7[%add3A_240, %dma_wait3A_247] : memref<80x128xi32, #tpu.memory_space<vmem>> -> memref<1x128xi32, #tpu.memory_space<vmem>>
      %dma_wait3A_249 = tpu.memref_squeeze %dma_wait3A_248 : memref<1x128xi32, #tpu.memory_space<vmem>> -> memref<128xi32, #tpu.memory_space<vmem>>
      %dma_wait3A_250 = arith.constant 0 : i32
      %dma_wait3A_251 = arith.constant 0 : i32
      %dma_wait3A_252 = tpu.memref_slice %arg2[%dma_wait3A_250, %dma_wait3A_251] : memref<10016x32xf32, #tpu.memory_space<hbm>> -> memref<10016x32xf32, #tpu.memory_space<hbm>>
      %dma_wait3A_253 = tpu.memref_slice %arg11[%dma_wait3A_242] : memref<8x!tpu.dma_semaphore, #tpu.memory_space<semaphore_mem>> -> memref<1x!tpu.dma_semaphore, #tpu.memory_space<semaphore_mem>>
      %dma_wait3A_254 = tpu.memref_squeeze %dma_wait3A_253 : memref<1x!tpu.dma_semaphore, #tpu.memory_space<semaphore_mem>> -> memref<!tpu.dma_semaphore, #tpu.memory_space<semaphore_mem>>
      tpu.wait_indirect_dma semaphore(%dma_wait3A_254 : memref<!tpu.dma_semaphore, #tpu.memory_space<semaphore_mem>>) src(%dma_wait3A_252 : memref<10016x32xf32, #tpu.memory_space<hbm>>) dst(%dma_wait3A_246 : memref<128x32xf32, #tpu.memory_space<vmem>>)
      %dma_start3A_255 = arith.constant 2 : i32
      %dma_start3A_256 = arith.constant 2 : i32
      %dma_start3A_257 = arith.constant 0 : i32
      %dma_start3A_258 = arith.constant 0 : i32
      %dma_start3A_259 = tpu.memref_slice %arg9[%dma_start3A_255, %dma_start3A_257, %dma_start3A_258] : memref<8x128x32xf32, #tpu.memory_space<vmem>> -> memref<1x128x32xf32, #tpu.memory_space<vmem>>
      %dma_start3A_260 = tpu.memref_squeeze %dma_start3A_259 : memref<1x128x32xf32, #tpu.memory_space<vmem>> -> memref<128x32xf32, #tpu.memory_space<vmem>>
      %dma_start3A_261 = arith.constant 0 : i32
      %dma_start3A_262 = tpu.memref_slice %arg8[%add3A_240, %dma_start3A_261] : memref<80x128xi32, #tpu.memory_space<vmem>> -> memref<1x128xi32, #tpu.memory_space<vmem>>
      %dma_start3A_263 = tpu.memref_squeeze %dma_start3A_262 : memref<1x128xi32, #tpu.memory_space<vmem>> -> memref<128xi32, #tpu.memory_space<vmem>>
      %dma_start3A_264 = arith.constant 0 : i32
      %dma_start3A_265 = arith.constant 0 : i32
      %dma_start3A_266 = tpu.memref_slice %arg10[%dma_start3A_264, %dma_start3A_265] : memref<10016x32xf32, #tpu.memory_space<vmem_shared>> -> memref<10016x32xf32, #tpu.memory_space<vmem_shared>>
      %dma_start3A_267 = tpu.memref_slice %arg12[%dma_start3A_256] : memref<8x!tpu.dma_semaphore, #tpu.memory_space<semaphore_mem>> -> memref<1x!tpu.dma_semaphore, #tpu.memory_space<semaphore_mem>>
      %dma_start3A_268 = tpu.memref_squeeze %dma_start3A_267 : memref<1x!tpu.dma_semaphore, #tpu.memory_space<semaphore_mem>> -> memref<!tpu.dma_semaphore, #tpu.memory_space<semaphore_mem>>
      tpu.enqueue_indirect_dma source(%dma_start3A_260 : memref<128x32xf32, #tpu.memory_space<vmem>>) target(%dma_start3A_266 : memref<10016x32xf32, #tpu.memory_space<vmem_shared>>) offsets(%dma_start3A_263 : memref<128xi32, #tpu.memory_space<vmem>>) semaphore(%dma_start3A_268 : memref<!tpu.dma_semaphore, #tpu.memory_space<semaphore_mem>>) {add = true}
      %add3A_269 = arith.constant 8 : i32
      %add3A_270 = arith.addi %add3A_240, %add3A_269 : i32
      %lt3A_271 = arith.constant 80 : i32
      %lt3A_272 = arith.cmpi slt, %add3A_270, %lt3A_271 : i32
      %convert_element_type3A_273 = arith.extui %lt3A_272 : i1 to i32
      %cond3A_274 = arith.constant 2 : i32
      %cond3A_275 = arith.constant 2 : i32
      %cond3A_276 = arith.constant 0 : i32
      %cond3A_277 = arith.cmpi ne, %convert_element_type3A_273, %cond3A_276 : i32
      scf.if %cond3A_277 {
        %dma_wait3A_537 = arith.constant 0 : i32
        %dma_wait3A_538 = arith.constant 0 : i32
        %dma_wait3A_539 = tpu.memref_slice %arg9[%cond3A_274, %dma_wait3A_537, %dma_wait3A_538] : memref<8x128x32xf32, #tpu.memory_space<vmem>> -> memref<1x128x32xf32, #tpu.memory_space<vmem>>
        %dma_wait3A_540 = tpu.memref_squeeze %dma_wait3A_539 : memref<1x128x32xf32, #tpu.memory_space<vmem>> -> memref<128x32xf32, #tpu.memory_space<vmem>>
        %dma_wait3A_541 = arith.constant 0 : i32
        %dma_wait3A_542 = tpu.memref_slice %arg8[%add3A_240, %dma_wait3A_541] : memref<80x128xi32, #tpu.memory_space<vmem>> -> memref<1x128xi32, #tpu.memory_space<vmem>>
        %dma_wait3A_543 = tpu.memref_squeeze %dma_wait3A_542 : memref<1x128xi32, #tpu.memory_space<vmem>> -> memref<128xi32, #tpu.memory_space<vmem>>
        %dma_wait3A_544 = arith.constant 0 : i32
        %dma_wait3A_545 = arith.constant 0 : i32
        %dma_wait3A_546 = tpu.memref_slice %arg10[%dma_wait3A_544, %dma_wait3A_545] : memref<10016x32xf32, #tpu.memory_space<vmem_shared>> -> memref<10016x32xf32, #tpu.memory_space<vmem_shared>>
        %dma_wait3A_547 = tpu.memref_slice %arg12[%cond3A_275] : memref<8x!tpu.dma_semaphore, #tpu.memory_space<semaphore_mem>> -> memref<1x!tpu.dma_semaphore, #tpu.memory_space<semaphore_mem>>
        %dma_wait3A_548 = tpu.memref_squeeze %dma_wait3A_547 : memref<1x!tpu.dma_semaphore, #tpu.memory_space<semaphore_mem>> -> memref<!tpu.dma_semaphore, #tpu.memory_space<semaphore_mem>>
        tpu.wait_indirect_dma semaphore(%dma_wait3A_548 : memref<!tpu.dma_semaphore, #tpu.memory_space<semaphore_mem>>) src(%dma_wait3A_540 : memref<128x32xf32, #tpu.memory_space<vmem>>) dst(%dma_wait3A_546 : memref<10016x32xf32, #tpu.memory_space<vmem_shared>>)
        %add3A_549 = arith.constant 8 : i32
        %add3A_550 = arith.addi %add3A_240, %add3A_549 : i32
        %dma_start3A_551 = arith.constant 2 : i32
        %dma_start3A_552 = arith.constant 2 : i32
        %dma_start3A_553 = arith.constant 0 : i32
        %dma_start3A_554 = arith.constant 0 : i32
        %dma_start3A_555 = tpu.memref_slice %arg9[%dma_start3A_551, %dma_start3A_553, %dma_start3A_554] : memref<8x128x32xf32, #tpu.memory_space<vmem>> -> memref<1x128x32xf32, #tpu.memory_space<vmem>>
        %dma_start3A_556 = tpu.memref_squeeze %dma_start3A_555 : memref<1x128x32xf32, #tpu.memory_space<vmem>> -> memref<128x32xf32, #tpu.memory_space<vmem>>
        %dma_start3A_557 = arith.constant 0 : i32
        %dma_start3A_558 = tpu.memref_slice %arg7[%add3A_550, %dma_start3A_557] : memref<80x128xi32, #tpu.memory_space<vmem>> -> memref<1x128xi32, #tpu.memory_space<vmem>>
        %dma_start3A_559 = tpu.memref_squeeze %dma_start3A_558 : memref<1x128xi32, #tpu.memory_space<vmem>> -> memref<128xi32, #tpu.memory_space<vmem>>
        %dma_start3A_560 = arith.constant 0 : i32
        %dma_start3A_561 = arith.constant 0 : i32
        %dma_start3A_562 = tpu.memref_slice %arg2[%dma_start3A_560, %dma_start3A_561] : memref<10016x32xf32, #tpu.memory_space<hbm>> -> memref<10016x32xf32, #tpu.memory_space<hbm>>
        %dma_start3A_563 = tpu.memref_slice %arg11[%dma_start3A_552] : memref<8x!tpu.dma_semaphore, #tpu.memory_space<semaphore_mem>> -> memref<1x!tpu.dma_semaphore, #tpu.memory_space<semaphore_mem>>
        %dma_start3A_564 = tpu.memref_squeeze %dma_start3A_563 : memref<1x!tpu.dma_semaphore, #tpu.memory_space<semaphore_mem>> -> memref<!tpu.dma_semaphore, #tpu.memory_space<semaphore_mem>>
        tpu.enqueue_indirect_dma source(%dma_start3A_562 : memref<10016x32xf32, #tpu.memory_space<hbm>>) target(%dma_start3A_556 : memref<128x32xf32, #tpu.memory_space<vmem>>) offsets(%dma_start3A_559 : memref<128xi32, #tpu.memory_space<vmem>>) semaphore(%dma_start3A_564 : memref<!tpu.dma_semaphore, #tpu.memory_space<semaphore_mem>>)
      } else {
      }
      %add3A_278 = arith.constant 8 : i32
      %add3A_279 = arith.addi %add3A_240, %add3A_278 : i32
      %ge3A_280 = arith.constant 80 : i32
      %ge3A_281 = arith.cmpi sge, %add3A_279, %ge3A_280 : i32
      %convert_element_type3A_282 = arith.extui %ge3A_281 : i1 to i32
      %cond3A_283 = arith.constant 2 : i32
      %cond3A_284 = arith.constant 2 : i32
      %cond3A_285 = arith.constant 0 : i32
      %cond3A_286 = arith.cmpi ne, %convert_element_type3A_282, %cond3A_285 : i32
      scf.if %cond3A_286 {
        %dma_wait3A_537 = arith.constant 0 : i32
        %dma_wait3A_538 = arith.constant 0 : i32
        %dma_wait3A_539 = tpu.memref_slice %arg9[%cond3A_283, %dma_wait3A_537, %dma_wait3A_538] : memref<8x128x32xf32, #tpu.memory_space<vmem>> -> memref<1x128x32xf32, #tpu.memory_space<vmem>>
        %dma_wait3A_540 = tpu.memref_squeeze %dma_wait3A_539 : memref<1x128x32xf32, #tpu.memory_space<vmem>> -> memref<128x32xf32, #tpu.memory_space<vmem>>
        %dma_wait3A_541 = arith.constant 0 : i32
        %dma_wait3A_542 = tpu.memref_slice %arg8[%add3A_240, %dma_wait3A_541] : memref<80x128xi32, #tpu.memory_space<vmem>> -> memref<1x128xi32, #tpu.memory_space<vmem>>
        %dma_wait3A_543 = tpu.memref_squeeze %dma_wait3A_542 : memref<1x128xi32, #tpu.memory_space<vmem>> -> memref<128xi32, #tpu.memory_space<vmem>>
        %dma_wait3A_544 = arith.constant 0 : i32
        %dma_wait3A_545 = arith.constant 0 : i32
        %dma_wait3A_546 = tpu.memref_slice %arg10[%dma_wait3A_544, %dma_wait3A_545] : memref<10016x32xf32, #tpu.memory_space<vmem_shared>> -> memref<10016x32xf32, #tpu.memory_space<vmem_shared>>
        %dma_wait3A_547 = tpu.memref_slice %arg12[%cond3A_284] : memref<8x!tpu.dma_semaphore, #tpu.memory_space<semaphore_mem>> -> memref<1x!tpu.dma_semaphore, #tpu.memory_space<semaphore_mem>>
        %dma_wait3A_548 = tpu.memref_squeeze %dma_wait3A_547 : memref<1x!tpu.dma_semaphore, #tpu.memory_space<semaphore_mem>> -> memref<!tpu.dma_semaphore, #tpu.memory_space<semaphore_mem>>
        tpu.wait_indirect_dma semaphore(%dma_wait3A_548 : memref<!tpu.dma_semaphore, #tpu.memory_space<semaphore_mem>>) src(%dma_wait3A_540 : memref<128x32xf32, #tpu.memory_space<vmem>>) dst(%dma_wait3A_546 : memref<10016x32xf32, #tpu.memory_space<vmem_shared>>)
      } else {
      }
      %mul3A_287 = arith.constant 8 : i32
      %mul3A_288 = arith.muli %scan3A_141, %mul3A_287 : i32
      %add3A_289 = arith.constant 3 : i32
      %add3A_290 = arith.addi %mul3A_288, %add3A_289 : i32
      %dma_wait3A_291 = arith.constant 3 : i32
      %dma_wait3A_292 = arith.constant 3 : i32
      %dma_wait3A_293 = arith.constant 0 : i32
      %dma_wait3A_294 = arith.constant 0 : i32
      %dma_wait3A_295 = tpu.memref_slice %arg9[%dma_wait3A_291, %dma_wait3A_293, %dma_wait3A_294] : memref<8x128x32xf32, #tpu.memory_space<vmem>> -> memref<1x128x32xf32, #tpu.memory_space<vmem>>
      %dma_wait3A_296 = tpu.memref_squeeze %dma_wait3A_295 : memref<1x128x32xf32, #tpu.memory_space<vmem>> -> memref<128x32xf32, #tpu.memory_space<vmem>>
      %dma_wait3A_297 = arith.constant 0 : i32
      %dma_wait3A_298 = tpu.memref_slice %arg7[%add3A_290, %dma_wait3A_297] : memref<80x128xi32, #tpu.memory_space<vmem>> -> memref<1x128xi32, #tpu.memory_space<vmem>>
      %dma_wait3A_299 = tpu.memref_squeeze %dma_wait3A_298 : memref<1x128xi32, #tpu.memory_space<vmem>> -> memref<128xi32, #tpu.memory_space<vmem>>
      %dma_wait3A_300 = arith.constant 0 : i32
      %dma_wait3A_301 = arith.constant 0 : i32
      %dma_wait3A_302 = tpu.memref_slice %arg2[%dma_wait3A_300, %dma_wait3A_301] : memref<10016x32xf32, #tpu.memory_space<hbm>> -> memref<10016x32xf32, #tpu.memory_space<hbm>>
      %dma_wait3A_303 = tpu.memref_slice %arg11[%dma_wait3A_292] : memref<8x!tpu.dma_semaphore, #tpu.memory_space<semaphore_mem>> -> memref<1x!tpu.dma_semaphore, #tpu.memory_space<semaphore_mem>>
      %dma_wait3A_304 = tpu.memref_squeeze %dma_wait3A_303 : memref<1x!tpu.dma_semaphore, #tpu.memory_space<semaphore_mem>> -> memref<!tpu.dma_semaphore, #tpu.memory_space<semaphore_mem>>
      tpu.wait_indirect_dma semaphore(%dma_wait3A_304 : memref<!tpu.dma_semaphore, #tpu.memory_space<semaphore_mem>>) src(%dma_wait3A_302 : memref<10016x32xf32, #tpu.memory_space<hbm>>) dst(%dma_wait3A_296 : memref<128x32xf32, #tpu.memory_space<vmem>>)
      %dma_start3A_305 = arith.constant 3 : i32
      %dma_start3A_306 = arith.constant 3 : i32
      %dma_start3A_307 = arith.constant 0 : i32
      %dma_start3A_308 = arith.constant 0 : i32
      %dma_start3A_309 = tpu.memref_slice %arg9[%dma_start3A_305, %dma_start3A_307, %dma_start3A_308] : memref<8x128x32xf32, #tpu.memory_space<vmem>> -> memref<1x128x32xf32, #tpu.memory_space<vmem>>
      %dma_start3A_310 = tpu.memref_squeeze %dma_start3A_309 : memref<1x128x32xf32, #tpu.memory_space<vmem>> -> memref<128x32xf32, #tpu.memory_space<vmem>>
      %dma_start3A_311 = arith.constant 0 : i32
      %dma_start3A_312 = tpu.memref_slice %arg8[%add3A_290, %dma_start3A_311] : memref<80x128xi32, #tpu.memory_space<vmem>> -> memref<1x128xi32, #tpu.memory_space<vmem>>
      %dma_start3A_313 = tpu.memref_squeeze %dma_start3A_312 : memref<1x128xi32, #tpu.memory_space<vmem>> -> memref<128xi32, #tpu.memory_space<vmem>>
      %dma_start3A_314 = arith.constant 0 : i32
      %dma_start3A_315 = arith.constant 0 : i32
      %dma_start3A_316 = tpu.memref_slice %arg10[%dma_start3A_314, %dma_start3A_315] : memref<10016x32xf32, #tpu.memory_space<vmem_shared>> -> memref<10016x32xf32, #tpu.memory_space<vmem_shared>>
      %dma_start3A_317 = tpu.memref_slice %arg12[%dma_start3A_306] : memref<8x!tpu.dma_semaphore, #tpu.memory_space<semaphore_mem>> -> memref<1x!tpu.dma_semaphore, #tpu.memory_space<semaphore_mem>>
      %dma_start3A_318 = tpu.memref_squeeze %dma_start3A_317 : memref<1x!tpu.dma_semaphore, #tpu.memory_space<semaphore_mem>> -> memref<!tpu.dma_semaphore, #tpu.memory_space<semaphore_mem>>
      tpu.enqueue_indirect_dma source(%dma_start3A_310 : memref<128x32xf32, #tpu.memory_space<vmem>>) target(%dma_start3A_316 : memref<10016x32xf32, #tpu.memory_space<vmem_shared>>) offsets(%dma_start3A_313 : memref<128xi32, #tpu.memory_space<vmem>>) semaphore(%dma_start3A_318 : memref<!tpu.dma_semaphore, #tpu.memory_space<semaphore_mem>>) {add = true}
      %add3A_319 = arith.constant 8 : i32
      %add3A_320 = arith.addi %add3A_290, %add3A_319 : i32
      %lt3A_321 = arith.constant 80 : i32
      %lt3A_322 = arith.cmpi slt, %add3A_320, %lt3A_321 : i32
      %convert_element_type3A_323 = arith.extui %lt3A_322 : i1 to i32
      %cond3A_324 = arith.constant 3 : i32
      %cond3A_325 = arith.constant 3 : i32
      %cond3A_326 = arith.constant 0 : i32
      %cond3A_327 = arith.cmpi ne, %convert_element_type3A_323, %cond3A_326 : i32
      scf.if %cond3A_327 {
        %dma_wait3A_537 = arith.constant 0 : i32
        %dma_wait3A_538 = arith.constant 0 : i32
        %dma_wait3A_539 = tpu.memref_slice %arg9[%cond3A_324, %dma_wait3A_537, %dma_wait3A_538] : memref<8x128x32xf32, #tpu.memory_space<vmem>> -> memref<1x128x32xf32, #tpu.memory_space<vmem>>
        %dma_wait3A_540 = tpu.memref_squeeze %dma_wait3A_539 : memref<1x128x32xf32, #tpu.memory_space<vmem>> -> memref<128x32xf32, #tpu.memory_space<vmem>>
        %dma_wait3A_541 = arith.constant 0 : i32
        %dma_wait3A_542 = tpu.memref_slice %arg8[%add3A_290, %dma_wait3A_541] : memref<80x128xi32, #tpu.memory_space<vmem>> -> memref<1x128xi32, #tpu.memory_space<vmem>>
        %dma_wait3A_543 = tpu.memref_squeeze %dma_wait3A_542 : memref<1x128xi32, #tpu.memory_space<vmem>> -> memref<128xi32, #tpu.memory_space<vmem>>
        %dma_wait3A_544 = arith.constant 0 : i32
        %dma_wait3A_545 = arith.constant 0 : i32
        %dma_wait3A_546 = tpu.memref_slice %arg10[%dma_wait3A_544, %dma_wait3A_545] : memref<10016x32xf32, #tpu.memory_space<vmem_shared>> -> memref<10016x32xf32, #tpu.memory_space<vmem_shared>>
        %dma_wait3A_547 = tpu.memref_slice %arg12[%cond3A_325] : memref<8x!tpu.dma_semaphore, #tpu.memory_space<semaphore_mem>> -> memref<1x!tpu.dma_semaphore, #tpu.memory_space<semaphore_mem>>
        %dma_wait3A_548 = tpu.memref_squeeze %dma_wait3A_547 : memref<1x!tpu.dma_semaphore, #tpu.memory_space<semaphore_mem>> -> memref<!tpu.dma_semaphore, #tpu.memory_space<semaphore_mem>>
        tpu.wait_indirect_dma semaphore(%dma_wait3A_548 : memref<!tpu.dma_semaphore, #tpu.memory_space<semaphore_mem>>) src(%dma_wait3A_540 : memref<128x32xf32, #tpu.memory_space<vmem>>) dst(%dma_wait3A_546 : memref<10016x32xf32, #tpu.memory_space<vmem_shared>>)
        %add3A_549 = arith.constant 8 : i32
        %add3A_550 = arith.addi %add3A_290, %add3A_549 : i32
        %dma_start3A_551 = arith.constant 3 : i32
        %dma_start3A_552 = arith.constant 3 : i32
        %dma_start3A_553 = arith.constant 0 : i32
        %dma_start3A_554 = arith.constant 0 : i32
        %dma_start3A_555 = tpu.memref_slice %arg9[%dma_start3A_551, %dma_start3A_553, %dma_start3A_554] : memref<8x128x32xf32, #tpu.memory_space<vmem>> -> memref<1x128x32xf32, #tpu.memory_space<vmem>>
        %dma_start3A_556 = tpu.memref_squeeze %dma_start3A_555 : memref<1x128x32xf32, #tpu.memory_space<vmem>> -> memref<128x32xf32, #tpu.memory_space<vmem>>
        %dma_start3A_557 = arith.constant 0 : i32
        %dma_start3A_558 = tpu.memref_slice %arg7[%add3A_550, %dma_start3A_557] : memref<80x128xi32, #tpu.memory_space<vmem>> -> memref<1x128xi32, #tpu.memory_space<vmem>>
        %dma_start3A_559 = tpu.memref_squeeze %dma_start3A_558 : memref<1x128xi32, #tpu.memory_space<vmem>> -> memref<128xi32, #tpu.memory_space<vmem>>
        %dma_start3A_560 = arith.constant 0 : i32
        %dma_start3A_561 = arith.constant 0 : i32
        %dma_start3A_562 = tpu.memref_slice %arg2[%dma_start3A_560, %dma_start3A_561] : memref<10016x32xf32, #tpu.memory_space<hbm>> -> memref<10016x32xf32, #tpu.memory_space<hbm>>
        %dma_start3A_563 = tpu.memref_slice %arg11[%dma_start3A_552] : memref<8x!tpu.dma_semaphore, #tpu.memory_space<semaphore_mem>> -> memref<1x!tpu.dma_semaphore, #tpu.memory_space<semaphore_mem>>
        %dma_start3A_564 = tpu.memref_squeeze %dma_start3A_563 : memref<1x!tpu.dma_semaphore, #tpu.memory_space<semaphore_mem>> -> memref<!tpu.dma_semaphore, #tpu.memory_space<semaphore_mem>>
        tpu.enqueue_indirect_dma source(%dma_start3A_562 : memref<10016x32xf32, #tpu.memory_space<hbm>>) target(%dma_start3A_556 : memref<128x32xf32, #tpu.memory_space<vmem>>) offsets(%dma_start3A_559 : memref<128xi32, #tpu.memory_space<vmem>>) semaphore(%dma_start3A_564 : memref<!tpu.dma_semaphore, #tpu.memory_space<semaphore_mem>>)
      } else {
      }
      %add3A_328 = arith.constant 8 : i32
      %add3A_329 = arith.addi %add3A_290, %add3A_328 : i32
      %ge3A_330 = arith.constant 80 : i32
      %ge3A_331 = arith.cmpi sge, %add3A_329, %ge3A_330 : i32
      %convert_element_type3A_332 = arith.extui %ge3A_331 : i1 to i32
      %cond3A_333 = arith.constant 3 : i32
      %cond3A_334 = arith.constant 3 : i32
      %cond3A_335 = arith.constant 0 : i32
      %cond3A_336 = arith.cmpi ne, %convert_element_type3A_332, %cond3A_335 : i32
      scf.if %cond3A_336 {
        %dma_wait3A_537 = arith.constant 0 : i32
        %dma_wait3A_538 = arith.constant 0 : i32
        %dma_wait3A_539 = tpu.memref_slice %arg9[%cond3A_333, %dma_wait3A_537, %dma_wait3A_538] : memref<8x128x32xf32, #tpu.memory_space<vmem>> -> memref<1x128x32xf32, #tpu.memory_space<vmem>>
        %dma_wait3A_540 = tpu.memref_squeeze %dma_wait3A_539 : memref<1x128x32xf32, #tpu.memory_space<vmem>> -> memref<128x32xf32, #tpu.memory_space<vmem>>
        %dma_wait3A_541 = arith.constant 0 : i32
        %dma_wait3A_542 = tpu.memref_slice %arg8[%add3A_290, %dma_wait3A_541] : memref<80x128xi32, #tpu.memory_space<vmem>> -> memref<1x128xi32, #tpu.memory_space<vmem>>
        %dma_wait3A_543 = tpu.memref_squeeze %dma_wait3A_542 : memref<1x128xi32, #tpu.memory_space<vmem>> -> memref<128xi32, #tpu.memory_space<vmem>>
        %dma_wait3A_544 = arith.constant 0 : i32
        %dma_wait3A_545 = arith.constant 0 : i32
        %dma_wait3A_546 = tpu.memref_slice %arg10[%dma_wait3A_544, %dma_wait3A_545] : memref<10016x32xf32, #tpu.memory_space<vmem_shared>> -> memref<10016x32xf32, #tpu.memory_space<vmem_shared>>
        %dma_wait3A_547 = tpu.memref_slice %arg12[%cond3A_334] : memref<8x!tpu.dma_semaphore, #tpu.memory_space<semaphore_mem>> -> memref<1x!tpu.dma_semaphore, #tpu.memory_space<semaphore_mem>>
        %dma_wait3A_548 = tpu.memref_squeeze %dma_wait3A_547 : memref<1x!tpu.dma_semaphore, #tpu.memory_space<semaphore_mem>> -> memref<!tpu.dma_semaphore, #tpu.memory_space<semaphore_mem>>
        tpu.wait_indirect_dma semaphore(%dma_wait3A_548 : memref<!tpu.dma_semaphore, #tpu.memory_space<semaphore_mem>>) src(%dma_wait3A_540 : memref<128x32xf32, #tpu.memory_space<vmem>>) dst(%dma_wait3A_546 : memref<10016x32xf32, #tpu.memory_space<vmem_shared>>)
      } else {
      }
      %mul3A_337 = arith.constant 8 : i32
      %mul3A_338 = arith.muli %scan3A_141, %mul3A_337 : i32
      %add3A_339 = arith.constant 4 : i32
      %add3A_340 = arith.addi %mul3A_338, %add3A_339 : i32
      %dma_wait3A_341 = arith.constant 4 : i32
      %dma_wait3A_342 = arith.constant 4 : i32
      %dma_wait3A_343 = arith.constant 0 : i32
      %dma_wait3A_344 = arith.constant 0 : i32
      %dma_wait3A_345 = tpu.memref_slice %arg9[%dma_wait3A_341, %dma_wait3A_343, %dma_wait3A_344] : memref<8x128x32xf32, #tpu.memory_space<vmem>> -> memref<1x128x32xf32, #tpu.memory_space<vmem>>
      %dma_wait3A_346 = tpu.memref_squeeze %dma_wait3A_345 : memref<1x128x32xf32, #tpu.memory_space<vmem>> -> memref<128x32xf32, #tpu.memory_space<vmem>>
      %dma_wait3A_347 = arith.constant 0 : i32
      %dma_wait3A_348 = tpu.memref_slice %arg7[%add3A_340, %dma_wait3A_347] : memref<80x128xi32, #tpu.memory_space<vmem>> -> memref<1x128xi32, #tpu.memory_space<vmem>>
      %dma_wait3A_349 = tpu.memref_squeeze %dma_wait3A_348 : memref<1x128xi32, #tpu.memory_space<vmem>> -> memref<128xi32, #tpu.memory_space<vmem>>
      %dma_wait3A_350 = arith.constant 0 : i32
      %dma_wait3A_351 = arith.constant 0 : i32
      %dma_wait3A_352 = tpu.memref_slice %arg2[%dma_wait3A_350, %dma_wait3A_351] : memref<10016x32xf32, #tpu.memory_space<hbm>> -> memref<10016x32xf32, #tpu.memory_space<hbm>>
      %dma_wait3A_353 = tpu.memref_slice %arg11[%dma_wait3A_342] : memref<8x!tpu.dma_semaphore, #tpu.memory_space<semaphore_mem>> -> memref<1x!tpu.dma_semaphore, #tpu.memory_space<semaphore_mem>>
      %dma_wait3A_354 = tpu.memref_squeeze %dma_wait3A_353 : memref<1x!tpu.dma_semaphore, #tpu.memory_space<semaphore_mem>> -> memref<!tpu.dma_semaphore, #tpu.memory_space<semaphore_mem>>
      tpu.wait_indirect_dma semaphore(%dma_wait3A_354 : memref<!tpu.dma_semaphore, #tpu.memory_space<semaphore_mem>>) src(%dma_wait3A_352 : memref<10016x32xf32, #tpu.memory_space<hbm>>) dst(%dma_wait3A_346 : memref<128x32xf32, #tpu.memory_space<vmem>>)
      %dma_start3A_355 = arith.constant 4 : i32
      %dma_start3A_356 = arith.constant 4 : i32
      %dma_start3A_357 = arith.constant 0 : i32
      %dma_start3A_358 = arith.constant 0 : i32
      %dma_start3A_359 = tpu.memref_slice %arg9[%dma_start3A_355, %dma_start3A_357, %dma_start3A_358] : memref<8x128x32xf32, #tpu.memory_space<vmem>> -> memref<1x128x32xf32, #tpu.memory_space<vmem>>
      %dma_start3A_360 = tpu.memref_squeeze %dma_start3A_359 : memref<1x128x32xf32, #tpu.memory_space<vmem>> -> memref<128x32xf32, #tpu.memory_space<vmem>>
      %dma_start3A_361 = arith.constant 0 : i32
      %dma_start3A_362 = tpu.memref_slice %arg8[%add3A_340, %dma_start3A_361] : memref<80x128xi32, #tpu.memory_space<vmem>> -> memref<1x128xi32, #tpu.memory_space<vmem>>
      %dma_start3A_363 = tpu.memref_squeeze %dma_start3A_362 : memref<1x128xi32, #tpu.memory_space<vmem>> -> memref<128xi32, #tpu.memory_space<vmem>>
      %dma_start3A_364 = arith.constant 0 : i32
      %dma_start3A_365 = arith.constant 0 : i32
      %dma_start3A_366 = tpu.memref_slice %arg10[%dma_start3A_364, %dma_start3A_365] : memref<10016x32xf32, #tpu.memory_space<vmem_shared>> -> memref<10016x32xf32, #tpu.memory_space<vmem_shared>>
      %dma_start3A_367 = tpu.memref_slice %arg12[%dma_start3A_356] : memref<8x!tpu.dma_semaphore, #tpu.memory_space<semaphore_mem>> -> memref<1x!tpu.dma_semaphore, #tpu.memory_space<semaphore_mem>>
      %dma_start3A_368 = tpu.memref_squeeze %dma_start3A_367 : memref<1x!tpu.dma_semaphore, #tpu.memory_space<semaphore_mem>> -> memref<!tpu.dma_semaphore, #tpu.memory_space<semaphore_mem>>
      tpu.enqueue_indirect_dma source(%dma_start3A_360 : memref<128x32xf32, #tpu.memory_space<vmem>>) target(%dma_start3A_366 : memref<10016x32xf32, #tpu.memory_space<vmem_shared>>) offsets(%dma_start3A_363 : memref<128xi32, #tpu.memory_space<vmem>>) semaphore(%dma_start3A_368 : memref<!tpu.dma_semaphore, #tpu.memory_space<semaphore_mem>>) {add = true}
      %add3A_369 = arith.constant 8 : i32
      %add3A_370 = arith.addi %add3A_340, %add3A_369 : i32
      %lt3A_371 = arith.constant 80 : i32
      %lt3A_372 = arith.cmpi slt, %add3A_370, %lt3A_371 : i32
      %convert_element_type3A_373 = arith.extui %lt3A_372 : i1 to i32
      %cond3A_374 = arith.constant 4 : i32
      %cond3A_375 = arith.constant 4 : i32
      %cond3A_376 = arith.constant 0 : i32
      %cond3A_377 = arith.cmpi ne, %convert_element_type3A_373, %cond3A_376 : i32
      scf.if %cond3A_377 {
        %dma_wait3A_537 = arith.constant 0 : i32
        %dma_wait3A_538 = arith.constant 0 : i32
        %dma_wait3A_539 = tpu.memref_slice %arg9[%cond3A_374, %dma_wait3A_537, %dma_wait3A_538] : memref<8x128x32xf32, #tpu.memory_space<vmem>> -> memref<1x128x32xf32, #tpu.memory_space<vmem>>
        %dma_wait3A_540 = tpu.memref_squeeze %dma_wait3A_539 : memref<1x128x32xf32, #tpu.memory_space<vmem>> -> memref<128x32xf32, #tpu.memory_space<vmem>>
        %dma_wait3A_541 = arith.constant 0 : i32
        %dma_wait3A_542 = tpu.memref_slice %arg8[%add3A_340, %dma_wait3A_541] : memref<80x128xi32, #tpu.memory_space<vmem>> -> memref<1x128xi32, #tpu.memory_space<vmem>>
        %dma_wait3A_543 = tpu.memref_squeeze %dma_wait3A_542 : memref<1x128xi32, #tpu.memory_space<vmem>> -> memref<128xi32, #tpu.memory_space<vmem>>
        %dma_wait3A_544 = arith.constant 0 : i32
        %dma_wait3A_545 = arith.constant 0 : i32
        %dma_wait3A_546 = tpu.memref_slice %arg10[%dma_wait3A_544, %dma_wait3A_545] : memref<10016x32xf32, #tpu.memory_space<vmem_shared>> -> memref<10016x32xf32, #tpu.memory_space<vmem_shared>>
        %dma_wait3A_547 = tpu.memref_slice %arg12[%cond3A_375] : memref<8x!tpu.dma_semaphore, #tpu.memory_space<semaphore_mem>> -> memref<1x!tpu.dma_semaphore, #tpu.memory_space<semaphore_mem>>
        %dma_wait3A_548 = tpu.memref_squeeze %dma_wait3A_547 : memref<1x!tpu.dma_semaphore, #tpu.memory_space<semaphore_mem>> -> memref<!tpu.dma_semaphore, #tpu.memory_space<semaphore_mem>>
        tpu.wait_indirect_dma semaphore(%dma_wait3A_548 : memref<!tpu.dma_semaphore, #tpu.memory_space<semaphore_mem>>) src(%dma_wait3A_540 : memref<128x32xf32, #tpu.memory_space<vmem>>) dst(%dma_wait3A_546 : memref<10016x32xf32, #tpu.memory_space<vmem_shared>>)
        %add3A_549 = arith.constant 8 : i32
        %add3A_550 = arith.addi %add3A_340, %add3A_549 : i32
        %dma_start3A_551 = arith.constant 4 : i32
        %dma_start3A_552 = arith.constant 4 : i32
        %dma_start3A_553 = arith.constant 0 : i32
        %dma_start3A_554 = arith.constant 0 : i32
        %dma_start3A_555 = tpu.memref_slice %arg9[%dma_start3A_551, %dma_start3A_553, %dma_start3A_554] : memref<8x128x32xf32, #tpu.memory_space<vmem>> -> memref<1x128x32xf32, #tpu.memory_space<vmem>>
        %dma_start3A_556 = tpu.memref_squeeze %dma_start3A_555 : memref<1x128x32xf32, #tpu.memory_space<vmem>> -> memref<128x32xf32, #tpu.memory_space<vmem>>
        %dma_start3A_557 = arith.constant 0 : i32
        %dma_start3A_558 = tpu.memref_slice %arg7[%add3A_550, %dma_start3A_557] : memref<80x128xi32, #tpu.memory_space<vmem>> -> memref<1x128xi32, #tpu.memory_space<vmem>>
        %dma_start3A_559 = tpu.memref_squeeze %dma_start3A_558 : memref<1x128xi32, #tpu.memory_space<vmem>> -> memref<128xi32, #tpu.memory_space<vmem>>
        %dma_start3A_560 = arith.constant 0 : i32
        %dma_start3A_561 = arith.constant 0 : i32
        %dma_start3A_562 = tpu.memref_slice %arg2[%dma_start3A_560, %dma_start3A_561] : memref<10016x32xf32, #tpu.memory_space<hbm>> -> memref<10016x32xf32, #tpu.memory_space<hbm>>
        %dma_start3A_563 = tpu.memref_slice %arg11[%dma_start3A_552] : memref<8x!tpu.dma_semaphore, #tpu.memory_space<semaphore_mem>> -> memref<1x!tpu.dma_semaphore, #tpu.memory_space<semaphore_mem>>
        %dma_start3A_564 = tpu.memref_squeeze %dma_start3A_563 : memref<1x!tpu.dma_semaphore, #tpu.memory_space<semaphore_mem>> -> memref<!tpu.dma_semaphore, #tpu.memory_space<semaphore_mem>>
        tpu.enqueue_indirect_dma source(%dma_start3A_562 : memref<10016x32xf32, #tpu.memory_space<hbm>>) target(%dma_start3A_556 : memref<128x32xf32, #tpu.memory_space<vmem>>) offsets(%dma_start3A_559 : memref<128xi32, #tpu.memory_space<vmem>>) semaphore(%dma_start3A_564 : memref<!tpu.dma_semaphore, #tpu.memory_space<semaphore_mem>>)
      } else {
      }
      %add3A_378 = arith.constant 8 : i32
      %add3A_379 = arith.addi %add3A_340, %add3A_378 : i32
      %ge3A_380 = arith.constant 80 : i32
      %ge3A_381 = arith.cmpi sge, %add3A_379, %ge3A_380 : i32
      %convert_element_type3A_382 = arith.extui %ge3A_381 : i1 to i32
      %cond3A_383 = arith.constant 4 : i32
      %cond3A_384 = arith.constant 4 : i32
      %cond3A_385 = arith.constant 0 : i32
      %cond3A_386 = arith.cmpi ne, %convert_element_type3A_382, %cond3A_385 : i32
      scf.if %cond3A_386 {
        %dma_wait3A_537 = arith.constant 0 : i32
        %dma_wait3A_538 = arith.constant 0 : i32
        %dma_wait3A_539 = tpu.memref_slice %arg9[%cond3A_383, %dma_wait3A_537, %dma_wait3A_538] : memref<8x128x32xf32, #tpu.memory_space<vmem>> -> memref<1x128x32xf32, #tpu.memory_space<vmem>>
        %dma_wait3A_540 = tpu.memref_squeeze %dma_wait3A_539 : memref<1x128x32xf32, #tpu.memory_space<vmem>> -> memref<128x32xf32, #tpu.memory_space<vmem>>
        %dma_wait3A_541 = arith.constant 0 : i32
        %dma_wait3A_542 = tpu.memref_slice %arg8[%add3A_340, %dma_wait3A_541] : memref<80x128xi32, #tpu.memory_space<vmem>> -> memref<1x128xi32, #tpu.memory_space<vmem>>
        %dma_wait3A_543 = tpu.memref_squeeze %dma_wait3A_542 : memref<1x128xi32, #tpu.memory_space<vmem>> -> memref<128xi32, #tpu.memory_space<vmem>>
        %dma_wait3A_544 = arith.constant 0 : i32
        %dma_wait3A_545 = arith.constant 0 : i32
        %dma_wait3A_546 = tpu.memref_slice %arg10[%dma_wait3A_544, %dma_wait3A_545] : memref<10016x32xf32, #tpu.memory_space<vmem_shared>> -> memref<10016x32xf32, #tpu.memory_space<vmem_shared>>
        %dma_wait3A_547 = tpu.memref_slice %arg12[%cond3A_384] : memref<8x!tpu.dma_semaphore, #tpu.memory_space<semaphore_mem>> -> memref<1x!tpu.dma_semaphore, #tpu.memory_space<semaphore_mem>>
        %dma_wait3A_548 = tpu.memref_squeeze %dma_wait3A_547 : memref<1x!tpu.dma_semaphore, #tpu.memory_space<semaphore_mem>> -> memref<!tpu.dma_semaphore, #tpu.memory_space<semaphore_mem>>
        tpu.wait_indirect_dma semaphore(%dma_wait3A_548 : memref<!tpu.dma_semaphore, #tpu.memory_space<semaphore_mem>>) src(%dma_wait3A_540 : memref<128x32xf32, #tpu.memory_space<vmem>>) dst(%dma_wait3A_546 : memref<10016x32xf32, #tpu.memory_space<vmem_shared>>)
      } else {
      }
      %mul3A_387 = arith.constant 8 : i32
      %mul3A_388 = arith.muli %scan3A_141, %mul3A_387 : i32
      %add3A_389 = arith.constant 5 : i32
      %add3A_390 = arith.addi %mul3A_388, %add3A_389 : i32
      %dma_wait3A_391 = arith.constant 5 : i32
      %dma_wait3A_392 = arith.constant 5 : i32
      %dma_wait3A_393 = arith.constant 0 : i32
      %dma_wait3A_394 = arith.constant 0 : i32
      %dma_wait3A_395 = tpu.memref_slice %arg9[%dma_wait3A_391, %dma_wait3A_393, %dma_wait3A_394] : memref<8x128x32xf32, #tpu.memory_space<vmem>> -> memref<1x128x32xf32, #tpu.memory_space<vmem>>
      %dma_wait3A_396 = tpu.memref_squeeze %dma_wait3A_395 : memref<1x128x32xf32, #tpu.memory_space<vmem>> -> memref<128x32xf32, #tpu.memory_space<vmem>>
      %dma_wait3A_397 = arith.constant 0 : i32
      %dma_wait3A_398 = tpu.memref_slice %arg7[%add3A_390, %dma_wait3A_397] : memref<80x128xi32, #tpu.memory_space<vmem>> -> memref<1x128xi32, #tpu.memory_space<vmem>>
      %dma_wait3A_399 = tpu.memref_squeeze %dma_wait3A_398 : memref<1x128xi32, #tpu.memory_space<vmem>> -> memref<128xi32, #tpu.memory_space<vmem>>
      %dma_wait3A_400 = arith.constant 0 : i32
      %dma_wait3A_401 = arith.constant 0 : i32
      %dma_wait3A_402 = tpu.memref_slice %arg2[%dma_wait3A_400, %dma_wait3A_401] : memref<10016x32xf32, #tpu.memory_space<hbm>> -> memref<10016x32xf32, #tpu.memory_space<hbm>>
      %dma_wait3A_403 = tpu.memref_slice %arg11[%dma_wait3A_392] : memref<8x!tpu.dma_semaphore, #tpu.memory_space<semaphore_mem>> -> memref<1x!tpu.dma_semaphore, #tpu.memory_space<semaphore_mem>>
      %dma_wait3A_404 = tpu.memref_squeeze %dma_wait3A_403 : memref<1x!tpu.dma_semaphore, #tpu.memory_space<semaphore_mem>> -> memref<!tpu.dma_semaphore, #tpu.memory_space<semaphore_mem>>
      tpu.wait_indirect_dma semaphore(%dma_wait3A_404 : memref<!tpu.dma_semaphore, #tpu.memory_space<semaphore_mem>>) src(%dma_wait3A_402 : memref<10016x32xf32, #tpu.memory_space<hbm>>) dst(%dma_wait3A_396 : memref<128x32xf32, #tpu.memory_space<vmem>>)
      %dma_start3A_405 = arith.constant 5 : i32
      %dma_start3A_406 = arith.constant 5 : i32
      %dma_start3A_407 = arith.constant 0 : i32
      %dma_start3A_408 = arith.constant 0 : i32
      %dma_start3A_409 = tpu.memref_slice %arg9[%dma_start3A_405, %dma_start3A_407, %dma_start3A_408] : memref<8x128x32xf32, #tpu.memory_space<vmem>> -> memref<1x128x32xf32, #tpu.memory_space<vmem>>
      %dma_start3A_410 = tpu.memref_squeeze %dma_start3A_409 : memref<1x128x32xf32, #tpu.memory_space<vmem>> -> memref<128x32xf32, #tpu.memory_space<vmem>>
      %dma_start3A_411 = arith.constant 0 : i32
      %dma_start3A_412 = tpu.memref_slice %arg8[%add3A_390, %dma_start3A_411] : memref<80x128xi32, #tpu.memory_space<vmem>> -> memref<1x128xi32, #tpu.memory_space<vmem>>
      %dma_start3A_413 = tpu.memref_squeeze %dma_start3A_412 : memref<1x128xi32, #tpu.memory_space<vmem>> -> memref<128xi32, #tpu.memory_space<vmem>>
      %dma_start3A_414 = arith.constant 0 : i32
      %dma_start3A_415 = arith.constant 0 : i32
      %dma_start3A_416 = tpu.memref_slice %arg10[%dma_start3A_414, %dma_start3A_415] : memref<10016x32xf32, #tpu.memory_space<vmem_shared>> -> memref<10016x32xf32, #tpu.memory_space<vmem_shared>>
      %dma_start3A_417 = tpu.memref_slice %arg12[%dma_start3A_406] : memref<8x!tpu.dma_semaphore, #tpu.memory_space<semaphore_mem>> -> memref<1x!tpu.dma_semaphore, #tpu.memory_space<semaphore_mem>>
      %dma_start3A_418 = tpu.memref_squeeze %dma_start3A_417 : memref<1x!tpu.dma_semaphore, #tpu.memory_space<semaphore_mem>> -> memref<!tpu.dma_semaphore, #tpu.memory_space<semaphore_mem>>
      tpu.enqueue_indirect_dma source(%dma_start3A_410 : memref<128x32xf32, #tpu.memory_space<vmem>>) target(%dma_start3A_416 : memref<10016x32xf32, #tpu.memory_space<vmem_shared>>) offsets(%dma_start3A_413 : memref<128xi32, #tpu.memory_space<vmem>>) semaphore(%dma_start3A_418 : memref<!tpu.dma_semaphore, #tpu.memory_space<semaphore_mem>>) {add = true}
      %add3A_419 = arith.constant 8 : i32
      %add3A_420 = arith.addi %add3A_390, %add3A_419 : i32
      %lt3A_421 = arith.constant 80 : i32
      %lt3A_422 = arith.cmpi slt, %add3A_420, %lt3A_421 : i32
      %convert_element_type3A_423 = arith.extui %lt3A_422 : i1 to i32
      %cond3A_424 = arith.constant 5 : i32
      %cond3A_425 = arith.constant 5 : i32
      %cond3A_426 = arith.constant 0 : i32
      %cond3A_427 = arith.cmpi ne, %convert_element_type3A_423, %cond3A_426 : i32
      scf.if %cond3A_427 {
        %dma_wait3A_537 = arith.constant 0 : i32
        %dma_wait3A_538 = arith.constant 0 : i32
        %dma_wait3A_539 = tpu.memref_slice %arg9[%cond3A_424, %dma_wait3A_537, %dma_wait3A_538] : memref<8x128x32xf32, #tpu.memory_space<vmem>> -> memref<1x128x32xf32, #tpu.memory_space<vmem>>
        %dma_wait3A_540 = tpu.memref_squeeze %dma_wait3A_539 : memref<1x128x32xf32, #tpu.memory_space<vmem>> -> memref<128x32xf32, #tpu.memory_space<vmem>>
        %dma_wait3A_541 = arith.constant 0 : i32
        %dma_wait3A_542 = tpu.memref_slice %arg8[%add3A_390, %dma_wait3A_541] : memref<80x128xi32, #tpu.memory_space<vmem>> -> memref<1x128xi32, #tpu.memory_space<vmem>>
        %dma_wait3A_543 = tpu.memref_squeeze %dma_wait3A_542 : memref<1x128xi32, #tpu.memory_space<vmem>> -> memref<128xi32, #tpu.memory_space<vmem>>
        %dma_wait3A_544 = arith.constant 0 : i32
        %dma_wait3A_545 = arith.constant 0 : i32
        %dma_wait3A_546 = tpu.memref_slice %arg10[%dma_wait3A_544, %dma_wait3A_545] : memref<10016x32xf32, #tpu.memory_space<vmem_shared>> -> memref<10016x32xf32, #tpu.memory_space<vmem_shared>>
        %dma_wait3A_547 = tpu.memref_slice %arg12[%cond3A_425] : memref<8x!tpu.dma_semaphore, #tpu.memory_space<semaphore_mem>> -> memref<1x!tpu.dma_semaphore, #tpu.memory_space<semaphore_mem>>
        %dma_wait3A_548 = tpu.memref_squeeze %dma_wait3A_547 : memref<1x!tpu.dma_semaphore, #tpu.memory_space<semaphore_mem>> -> memref<!tpu.dma_semaphore, #tpu.memory_space<semaphore_mem>>
        tpu.wait_indirect_dma semaphore(%dma_wait3A_548 : memref<!tpu.dma_semaphore, #tpu.memory_space<semaphore_mem>>) src(%dma_wait3A_540 : memref<128x32xf32, #tpu.memory_space<vmem>>) dst(%dma_wait3A_546 : memref<10016x32xf32, #tpu.memory_space<vmem_shared>>)
        %add3A_549 = arith.constant 8 : i32
        %add3A_550 = arith.addi %add3A_390, %add3A_549 : i32
        %dma_start3A_551 = arith.constant 5 : i32
        %dma_start3A_552 = arith.constant 5 : i32
        %dma_start3A_553 = arith.constant 0 : i32
        %dma_start3A_554 = arith.constant 0 : i32
        %dma_start3A_555 = tpu.memref_slice %arg9[%dma_start3A_551, %dma_start3A_553, %dma_start3A_554] : memref<8x128x32xf32, #tpu.memory_space<vmem>> -> memref<1x128x32xf32, #tpu.memory_space<vmem>>
        %dma_start3A_556 = tpu.memref_squeeze %dma_start3A_555 : memref<1x128x32xf32, #tpu.memory_space<vmem>> -> memref<128x32xf32, #tpu.memory_space<vmem>>
        %dma_start3A_557 = arith.constant 0 : i32
        %dma_start3A_558 = tpu.memref_slice %arg7[%add3A_550, %dma_start3A_557] : memref<80x128xi32, #tpu.memory_space<vmem>> -> memref<1x128xi32, #tpu.memory_space<vmem>>
        %dma_start3A_559 = tpu.memref_squeeze %dma_start3A_558 : memref<1x128xi32, #tpu.memory_space<vmem>> -> memref<128xi32, #tpu.memory_space<vmem>>
        %dma_start3A_560 = arith.constant 0 : i32
        %dma_start3A_561 = arith.constant 0 : i32
        %dma_start3A_562 = tpu.memref_slice %arg2[%dma_start3A_560, %dma_start3A_561] : memref<10016x32xf32, #tpu.memory_space<hbm>> -> memref<10016x32xf32, #tpu.memory_space<hbm>>
        %dma_start3A_563 = tpu.memref_slice %arg11[%dma_start3A_552] : memref<8x!tpu.dma_semaphore, #tpu.memory_space<semaphore_mem>> -> memref<1x!tpu.dma_semaphore, #tpu.memory_space<semaphore_mem>>
        %dma_start3A_564 = tpu.memref_squeeze %dma_start3A_563 : memref<1x!tpu.dma_semaphore, #tpu.memory_space<semaphore_mem>> -> memref<!tpu.dma_semaphore, #tpu.memory_space<semaphore_mem>>
        tpu.enqueue_indirect_dma source(%dma_start3A_562 : memref<10016x32xf32, #tpu.memory_space<hbm>>) target(%dma_start3A_556 : memref<128x32xf32, #tpu.memory_space<vmem>>) offsets(%dma_start3A_559 : memref<128xi32, #tpu.memory_space<vmem>>) semaphore(%dma_start3A_564 : memref<!tpu.dma_semaphore, #tpu.memory_space<semaphore_mem>>)
      } else {
      }
      %add3A_428 = arith.constant 8 : i32
      %add3A_429 = arith.addi %add3A_390, %add3A_428 : i32
      %ge3A_430 = arith.constant 80 : i32
      %ge3A_431 = arith.cmpi sge, %add3A_429, %ge3A_430 : i32
      %convert_element_type3A_432 = arith.extui %ge3A_431 : i1 to i32
      %cond3A_433 = arith.constant 5 : i32
      %cond3A_434 = arith.constant 5 : i32
      %cond3A_435 = arith.constant 0 : i32
      %cond3A_436 = arith.cmpi ne, %convert_element_type3A_432, %cond3A_435 : i32
      scf.if %cond3A_436 {
        %dma_wait3A_537 = arith.constant 0 : i32
        %dma_wait3A_538 = arith.constant 0 : i32
        %dma_wait3A_539 = tpu.memref_slice %arg9[%cond3A_433, %dma_wait3A_537, %dma_wait3A_538] : memref<8x128x32xf32, #tpu.memory_space<vmem>> -> memref<1x128x32xf32, #tpu.memory_space<vmem>>
        %dma_wait3A_540 = tpu.memref_squeeze %dma_wait3A_539 : memref<1x128x32xf32, #tpu.memory_space<vmem>> -> memref<128x32xf32, #tpu.memory_space<vmem>>
        %dma_wait3A_541 = arith.constant 0 : i32
        %dma_wait3A_542 = tpu.memref_slice %arg8[%add3A_390, %dma_wait3A_541] : memref<80x128xi32, #tpu.memory_space<vmem>> -> memref<1x128xi32, #tpu.memory_space<vmem>>
        %dma_wait3A_543 = tpu.memref_squeeze %dma_wait3A_542 : memref<1x128xi32, #tpu.memory_space<vmem>> -> memref<128xi32, #tpu.memory_space<vmem>>
        %dma_wait3A_544 = arith.constant 0 : i32
        %dma_wait3A_545 = arith.constant 0 : i32
        %dma_wait3A_546 = tpu.memref_slice %arg10[%dma_wait3A_544, %dma_wait3A_545] : memref<10016x32xf32, #tpu.memory_space<vmem_shared>> -> memref<10016x32xf32, #tpu.memory_space<vmem_shared>>
        %dma_wait3A_547 = tpu.memref_slice %arg12[%cond3A_434] : memref<8x!tpu.dma_semaphore, #tpu.memory_space<semaphore_mem>> -> memref<1x!tpu.dma_semaphore, #tpu.memory_space<semaphore_mem>>
        %dma_wait3A_548 = tpu.memref_squeeze %dma_wait3A_547 : memref<1x!tpu.dma_semaphore, #tpu.memory_space<semaphore_mem>> -> memref<!tpu.dma_semaphore, #tpu.memory_space<semaphore_mem>>
        tpu.wait_indirect_dma semaphore(%dma_wait3A_548 : memref<!tpu.dma_semaphore, #tpu.memory_space<semaphore_mem>>) src(%dma_wait3A_540 : memref<128x32xf32, #tpu.memory_space<vmem>>) dst(%dma_wait3A_546 : memref<10016x32xf32, #tpu.memory_space<vmem_shared>>)
      } else {
      }
      %mul3A_437 = arith.constant 8 : i32
      %mul3A_438 = arith.muli %scan3A_141, %mul3A_437 : i32
      %add3A_439 = arith.constant 6 : i32
      %add3A_440 = arith.addi %mul3A_438, %add3A_439 : i32
      %dma_wait3A_441 = arith.constant 6 : i32
      %dma_wait3A_442 = arith.constant 6 : i32
      %dma_wait3A_443 = arith.constant 0 : i32
      %dma_wait3A_444 = arith.constant 0 : i32
      %dma_wait3A_445 = tpu.memref_slice %arg9[%dma_wait3A_441, %dma_wait3A_443, %dma_wait3A_444] : memref<8x128x32xf32, #tpu.memory_space<vmem>> -> memref<1x128x32xf32, #tpu.memory_space<vmem>>
      %dma_wait3A_446 = tpu.memref_squeeze %dma_wait3A_445 : memref<1x128x32xf32, #tpu.memory_space<vmem>> -> memref<128x32xf32, #tpu.memory_space<vmem>>
      %dma_wait3A_447 = arith.constant 0 : i32
      %dma_wait3A_448 = tpu.memref_slice %arg7[%add3A_440, %dma_wait3A_447] : memref<80x128xi32, #tpu.memory_space<vmem>> -> memref<1x128xi32, #tpu.memory_space<vmem>>
      %dma_wait3A_449 = tpu.memref_squeeze %dma_wait3A_448 : memref<1x128xi32, #tpu.memory_space<vmem>> -> memref<128xi32, #tpu.memory_space<vmem>>
      %dma_wait3A_450 = arith.constant 0 : i32
      %dma_wait3A_451 = arith.constant 0 : i32
      %dma_wait3A_452 = tpu.memref_slice %arg2[%dma_wait3A_450, %dma_wait3A_451] : memref<10016x32xf32, #tpu.memory_space<hbm>> -> memref<10016x32xf32, #tpu.memory_space<hbm>>
      %dma_wait3A_453 = tpu.memref_slice %arg11[%dma_wait3A_442] : memref<8x!tpu.dma_semaphore, #tpu.memory_space<semaphore_mem>> -> memref<1x!tpu.dma_semaphore, #tpu.memory_space<semaphore_mem>>
      %dma_wait3A_454 = tpu.memref_squeeze %dma_wait3A_453 : memref<1x!tpu.dma_semaphore, #tpu.memory_space<semaphore_mem>> -> memref<!tpu.dma_semaphore, #tpu.memory_space<semaphore_mem>>
      tpu.wait_indirect_dma semaphore(%dma_wait3A_454 : memref<!tpu.dma_semaphore, #tpu.memory_space<semaphore_mem>>) src(%dma_wait3A_452 : memref<10016x32xf32, #tpu.memory_space<hbm>>) dst(%dma_wait3A_446 : memref<128x32xf32, #tpu.memory_space<vmem>>)
      %dma_start3A_455 = arith.constant 6 : i32
      %dma_start3A_456 = arith.constant 6 : i32
      %dma_start3A_457 = arith.constant 0 : i32
      %dma_start3A_458 = arith.constant 0 : i32
      %dma_start3A_459 = tpu.memref_slice %arg9[%dma_start3A_455, %dma_start3A_457, %dma_start3A_458] : memref<8x128x32xf32, #tpu.memory_space<vmem>> -> memref<1x128x32xf32, #tpu.memory_space<vmem>>
      %dma_start3A_460 = tpu.memref_squeeze %dma_start3A_459 : memref<1x128x32xf32, #tpu.memory_space<vmem>> -> memref<128x32xf32, #tpu.memory_space<vmem>>
      %dma_start3A_461 = arith.constant 0 : i32
      %dma_start3A_462 = tpu.memref_slice %arg8[%add3A_440, %dma_start3A_461] : memref<80x128xi32, #tpu.memory_space<vmem>> -> memref<1x128xi32, #tpu.memory_space<vmem>>
      %dma_start3A_463 = tpu.memref_squeeze %dma_start3A_462 : memref<1x128xi32, #tpu.memory_space<vmem>> -> memref<128xi32, #tpu.memory_space<vmem>>
      %dma_start3A_464 = arith.constant 0 : i32
      %dma_start3A_465 = arith.constant 0 : i32
      %dma_start3A_466 = tpu.memref_slice %arg10[%dma_start3A_464, %dma_start3A_465] : memref<10016x32xf32, #tpu.memory_space<vmem_shared>> -> memref<10016x32xf32, #tpu.memory_space<vmem_shared>>
      %dma_start3A_467 = tpu.memref_slice %arg12[%dma_start3A_456] : memref<8x!tpu.dma_semaphore, #tpu.memory_space<semaphore_mem>> -> memref<1x!tpu.dma_semaphore, #tpu.memory_space<semaphore_mem>>
      %dma_start3A_468 = tpu.memref_squeeze %dma_start3A_467 : memref<1x!tpu.dma_semaphore, #tpu.memory_space<semaphore_mem>> -> memref<!tpu.dma_semaphore, #tpu.memory_space<semaphore_mem>>
      tpu.enqueue_indirect_dma source(%dma_start3A_460 : memref<128x32xf32, #tpu.memory_space<vmem>>) target(%dma_start3A_466 : memref<10016x32xf32, #tpu.memory_space<vmem_shared>>) offsets(%dma_start3A_463 : memref<128xi32, #tpu.memory_space<vmem>>) semaphore(%dma_start3A_468 : memref<!tpu.dma_semaphore, #tpu.memory_space<semaphore_mem>>) {add = true}
      %add3A_469 = arith.constant 8 : i32
      %add3A_470 = arith.addi %add3A_440, %add3A_469 : i32
      %lt3A_471 = arith.constant 80 : i32
      %lt3A_472 = arith.cmpi slt, %add3A_470, %lt3A_471 : i32
      %convert_element_type3A_473 = arith.extui %lt3A_472 : i1 to i32
      %cond3A_474 = arith.constant 6 : i32
      %cond3A_475 = arith.constant 6 : i32
      %cond3A_476 = arith.constant 0 : i32
      %cond3A_477 = arith.cmpi ne, %convert_element_type3A_473, %cond3A_476 : i32
      scf.if %cond3A_477 {
        %dma_wait3A_537 = arith.constant 0 : i32
        %dma_wait3A_538 = arith.constant 0 : i32
        %dma_wait3A_539 = tpu.memref_slice %arg9[%cond3A_474, %dma_wait3A_537, %dma_wait3A_538] : memref<8x128x32xf32, #tpu.memory_space<vmem>> -> memref<1x128x32xf32, #tpu.memory_space<vmem>>
        %dma_wait3A_540 = tpu.memref_squeeze %dma_wait3A_539 : memref<1x128x32xf32, #tpu.memory_space<vmem>> -> memref<128x32xf32, #tpu.memory_space<vmem>>
        %dma_wait3A_541 = arith.constant 0 : i32
        %dma_wait3A_542 = tpu.memref_slice %arg8[%add3A_440, %dma_wait3A_541] : memref<80x128xi32, #tpu.memory_space<vmem>> -> memref<1x128xi32, #tpu.memory_space<vmem>>
        %dma_wait3A_543 = tpu.memref_squeeze %dma_wait3A_542 : memref<1x128xi32, #tpu.memory_space<vmem>> -> memref<128xi32, #tpu.memory_space<vmem>>
        %dma_wait3A_544 = arith.constant 0 : i32
        %dma_wait3A_545 = arith.constant 0 : i32
        %dma_wait3A_546 = tpu.memref_slice %arg10[%dma_wait3A_544, %dma_wait3A_545] : memref<10016x32xf32, #tpu.memory_space<vmem_shared>> -> memref<10016x32xf32, #tpu.memory_space<vmem_shared>>
        %dma_wait3A_547 = tpu.memref_slice %arg12[%cond3A_475] : memref<8x!tpu.dma_semaphore, #tpu.memory_space<semaphore_mem>> -> memref<1x!tpu.dma_semaphore, #tpu.memory_space<semaphore_mem>>
        %dma_wait3A_548 = tpu.memref_squeeze %dma_wait3A_547 : memref<1x!tpu.dma_semaphore, #tpu.memory_space<semaphore_mem>> -> memref<!tpu.dma_semaphore, #tpu.memory_space<semaphore_mem>>
        tpu.wait_indirect_dma semaphore(%dma_wait3A_548 : memref<!tpu.dma_semaphore, #tpu.memory_space<semaphore_mem>>) src(%dma_wait3A_540 : memref<128x32xf32, #tpu.memory_space<vmem>>) dst(%dma_wait3A_546 : memref<10016x32xf32, #tpu.memory_space<vmem_shared>>)
        %add3A_549 = arith.constant 8 : i32
        %add3A_550 = arith.addi %add3A_440, %add3A_549 : i32
        %dma_start3A_551 = arith.constant 6 : i32
        %dma_start3A_552 = arith.constant 6 : i32
        %dma_start3A_553 = arith.constant 0 : i32
        %dma_start3A_554 = arith.constant 0 : i32
        %dma_start3A_555 = tpu.memref_slice %arg9[%dma_start3A_551, %dma_start3A_553, %dma_start3A_554] : memref<8x128x32xf32, #tpu.memory_space<vmem>> -> memref<1x128x32xf32, #tpu.memory_space<vmem>>
        %dma_start3A_556 = tpu.memref_squeeze %dma_start3A_555 : memref<1x128x32xf32, #tpu.memory_space<vmem>> -> memref<128x32xf32, #tpu.memory_space<vmem>>
        %dma_start3A_557 = arith.constant 0 : i32
        %dma_start3A_558 = tpu.memref_slice %arg7[%add3A_550, %dma_start3A_557] : memref<80x128xi32, #tpu.memory_space<vmem>> -> memref<1x128xi32, #tpu.memory_space<vmem>>
        %dma_start3A_559 = tpu.memref_squeeze %dma_start3A_558 : memref<1x128xi32, #tpu.memory_space<vmem>> -> memref<128xi32, #tpu.memory_space<vmem>>
        %dma_start3A_560 = arith.constant 0 : i32
        %dma_start3A_561 = arith.constant 0 : i32
        %dma_start3A_562 = tpu.memref_slice %arg2[%dma_start3A_560, %dma_start3A_561] : memref<10016x32xf32, #tpu.memory_space<hbm>> -> memref<10016x32xf32, #tpu.memory_space<hbm>>
        %dma_start3A_563 = tpu.memref_slice %arg11[%dma_start3A_552] : memref<8x!tpu.dma_semaphore, #tpu.memory_space<semaphore_mem>> -> memref<1x!tpu.dma_semaphore, #tpu.memory_space<semaphore_mem>>
        %dma_start3A_564 = tpu.memref_squeeze %dma_start3A_563 : memref<1x!tpu.dma_semaphore, #tpu.memory_space<semaphore_mem>> -> memref<!tpu.dma_semaphore, #tpu.memory_space<semaphore_mem>>
        tpu.enqueue_indirect_dma source(%dma_start3A_562 : memref<10016x32xf32, #tpu.memory_space<hbm>>) target(%dma_start3A_556 : memref<128x32xf32, #tpu.memory_space<vmem>>) offsets(%dma_start3A_559 : memref<128xi32, #tpu.memory_space<vmem>>) semaphore(%dma_start3A_564 : memref<!tpu.dma_semaphore, #tpu.memory_space<semaphore_mem>>)
      } else {
      }
      %add3A_478 = arith.constant 8 : i32
      %add3A_479 = arith.addi %add3A_440, %add3A_478 : i32
      %ge3A_480 = arith.constant 80 : i32
      %ge3A_481 = arith.cmpi sge, %add3A_479, %ge3A_480 : i32
      %convert_element_type3A_482 = arith.extui %ge3A_481 : i1 to i32
      %cond3A_483 = arith.constant 6 : i32
      %cond3A_484 = arith.constant 6 : i32
      %cond3A_485 = arith.constant 0 : i32
      %cond3A_486 = arith.cmpi ne, %convert_element_type3A_482, %cond3A_485 : i32
      scf.if %cond3A_486 {
        %dma_wait3A_537 = arith.constant 0 : i32
        %dma_wait3A_538 = arith.constant 0 : i32
        %dma_wait3A_539 = tpu.memref_slice %arg9[%cond3A_483, %dma_wait3A_537, %dma_wait3A_538] : memref<8x128x32xf32, #tpu.memory_space<vmem>> -> memref<1x128x32xf32, #tpu.memory_space<vmem>>
        %dma_wait3A_540 = tpu.memref_squeeze %dma_wait3A_539 : memref<1x128x32xf32, #tpu.memory_space<vmem>> -> memref<128x32xf32, #tpu.memory_space<vmem>>
        %dma_wait3A_541 = arith.constant 0 : i32
        %dma_wait3A_542 = tpu.memref_slice %arg8[%add3A_440, %dma_wait3A_541] : memref<80x128xi32, #tpu.memory_space<vmem>> -> memref<1x128xi32, #tpu.memory_space<vmem>>
        %dma_wait3A_543 = tpu.memref_squeeze %dma_wait3A_542 : memref<1x128xi32, #tpu.memory_space<vmem>> -> memref<128xi32, #tpu.memory_space<vmem>>
        %dma_wait3A_544 = arith.constant 0 : i32
        %dma_wait3A_545 = arith.constant 0 : i32
        %dma_wait3A_546 = tpu.memref_slice %arg10[%dma_wait3A_544, %dma_wait3A_545] : memref<10016x32xf32, #tpu.memory_space<vmem_shared>> -> memref<10016x32xf32, #tpu.memory_space<vmem_shared>>
        %dma_wait3A_547 = tpu.memref_slice %arg12[%cond3A_484] : memref<8x!tpu.dma_semaphore, #tpu.memory_space<semaphore_mem>> -> memref<1x!tpu.dma_semaphore, #tpu.memory_space<semaphore_mem>>
        %dma_wait3A_548 = tpu.memref_squeeze %dma_wait3A_547 : memref<1x!tpu.dma_semaphore, #tpu.memory_space<semaphore_mem>> -> memref<!tpu.dma_semaphore, #tpu.memory_space<semaphore_mem>>
        tpu.wait_indirect_dma semaphore(%dma_wait3A_548 : memref<!tpu.dma_semaphore, #tpu.memory_space<semaphore_mem>>) src(%dma_wait3A_540 : memref<128x32xf32, #tpu.memory_space<vmem>>) dst(%dma_wait3A_546 : memref<10016x32xf32, #tpu.memory_space<vmem_shared>>)
      } else {
      }
      %mul3A_487 = arith.constant 8 : i32
      %mul3A_488 = arith.muli %scan3A_141, %mul3A_487 : i32
      %add3A_489 = arith.constant 7 : i32
      %add3A_490 = arith.addi %mul3A_488, %add3A_489 : i32
      %dma_wait3A_491 = arith.constant 7 : i32
      %dma_wait3A_492 = arith.constant 7 : i32
      %dma_wait3A_493 = arith.constant 0 : i32
      %dma_wait3A_494 = arith.constant 0 : i32
      %dma_wait3A_495 = tpu.memref_slice %arg9[%dma_wait3A_491, %dma_wait3A_493, %dma_wait3A_494] : memref<8x128x32xf32, #tpu.memory_space<vmem>> -> memref<1x128x32xf32, #tpu.memory_space<vmem>>
      %dma_wait3A_496 = tpu.memref_squeeze %dma_wait3A_495 : memref<1x128x32xf32, #tpu.memory_space<vmem>> -> memref<128x32xf32, #tpu.memory_space<vmem>>
      %dma_wait3A_497 = arith.constant 0 : i32
      %dma_wait3A_498 = tpu.memref_slice %arg7[%add3A_490, %dma_wait3A_497] : memref<80x128xi32, #tpu.memory_space<vmem>> -> memref<1x128xi32, #tpu.memory_space<vmem>>
      %dma_wait3A_499 = tpu.memref_squeeze %dma_wait3A_498 : memref<1x128xi32, #tpu.memory_space<vmem>> -> memref<128xi32, #tpu.memory_space<vmem>>
      %dma_wait3A_500 = arith.constant 0 : i32
      %dma_wait3A_501 = arith.constant 0 : i32
      %dma_wait3A_502 = tpu.memref_slice %arg2[%dma_wait3A_500, %dma_wait3A_501] : memref<10016x32xf32, #tpu.memory_space<hbm>> -> memref<10016x32xf32, #tpu.memory_space<hbm>>
      %dma_wait3A_503 = tpu.memref_slice %arg11[%dma_wait3A_492] : memref<8x!tpu.dma_semaphore, #tpu.memory_space<semaphore_mem>> -> memref<1x!tpu.dma_semaphore, #tpu.memory_space<semaphore_mem>>
      %dma_wait3A_504 = tpu.memref_squeeze %dma_wait3A_503 : memref<1x!tpu.dma_semaphore, #tpu.memory_space<semaphore_mem>> -> memref<!tpu.dma_semaphore, #tpu.memory_space<semaphore_mem>>
      tpu.wait_indirect_dma semaphore(%dma_wait3A_504 : memref<!tpu.dma_semaphore, #tpu.memory_space<semaphore_mem>>) src(%dma_wait3A_502 : memref<10016x32xf32, #tpu.memory_space<hbm>>) dst(%dma_wait3A_496 : memref<128x32xf32, #tpu.memory_space<vmem>>)
      %dma_start3A_505 = arith.constant 7 : i32
      %dma_start3A_506 = arith.constant 7 : i32
      %dma_start3A_507 = arith.constant 0 : i32
      %dma_start3A_508 = arith.constant 0 : i32
      %dma_start3A_509 = tpu.memref_slice %arg9[%dma_start3A_505, %dma_start3A_507, %dma_start3A_508] : memref<8x128x32xf32, #tpu.memory_space<vmem>> -> memref<1x128x32xf32, #tpu.memory_space<vmem>>
      %dma_start3A_510 = tpu.memref_squeeze %dma_start3A_509 : memref<1x128x32xf32, #tpu.memory_space<vmem>> -> memref<128x32xf32, #tpu.memory_space<vmem>>
      %dma_start3A_511 = arith.constant 0 : i32
      %dma_start3A_512 = tpu.memref_slice %arg8[%add3A_490, %dma_start3A_511] : memref<80x128xi32, #tpu.memory_space<vmem>> -> memref<1x128xi32, #tpu.memory_space<vmem>>
      %dma_start3A_513 = tpu.memref_squeeze %dma_start3A_512 : memref<1x128xi32, #tpu.memory_space<vmem>> -> memref<128xi32, #tpu.memory_space<vmem>>
      %dma_start3A_514 = arith.constant 0 : i32
      %dma_start3A_515 = arith.constant 0 : i32
      %dma_start3A_516 = tpu.memref_slice %arg10[%dma_start3A_514, %dma_start3A_515] : memref<10016x32xf32, #tpu.memory_space<vmem_shared>> -> memref<10016x32xf32, #tpu.memory_space<vmem_shared>>
      %dma_start3A_517 = tpu.memref_slice %arg12[%dma_start3A_506] : memref<8x!tpu.dma_semaphore, #tpu.memory_space<semaphore_mem>> -> memref<1x!tpu.dma_semaphore, #tpu.memory_space<semaphore_mem>>
      %dma_start3A_518 = tpu.memref_squeeze %dma_start3A_517 : memref<1x!tpu.dma_semaphore, #tpu.memory_space<semaphore_mem>> -> memref<!tpu.dma_semaphore, #tpu.memory_space<semaphore_mem>>
      tpu.enqueue_indirect_dma source(%dma_start3A_510 : memref<128x32xf32, #tpu.memory_space<vmem>>) target(%dma_start3A_516 : memref<10016x32xf32, #tpu.memory_space<vmem_shared>>) offsets(%dma_start3A_513 : memref<128xi32, #tpu.memory_space<vmem>>) semaphore(%dma_start3A_518 : memref<!tpu.dma_semaphore, #tpu.memory_space<semaphore_mem>>) {add = true}
      %add3A_519 = arith.constant 8 : i32
      %add3A_520 = arith.addi %add3A_490, %add3A_519 : i32
      %lt3A_521 = arith.constant 80 : i32
      %lt3A_522 = arith.cmpi slt, %add3A_520, %lt3A_521 : i32
      %convert_element_type3A_523 = arith.extui %lt3A_522 : i1 to i32
      %cond3A_524 = arith.constant 7 : i32
      %cond3A_525 = arith.constant 7 : i32
      %cond3A_526 = arith.constant 0 : i32
      %cond3A_527 = arith.cmpi ne, %convert_element_type3A_523, %cond3A_526 : i32
      scf.if %cond3A_527 {
        %dma_wait3A_537 = arith.constant 0 : i32
        %dma_wait3A_538 = arith.constant 0 : i32
        %dma_wait3A_539 = tpu.memref_slice %arg9[%cond3A_524, %dma_wait3A_537, %dma_wait3A_538] : memref<8x128x32xf32, #tpu.memory_space<vmem>> -> memref<1x128x32xf32, #tpu.memory_space<vmem>>
        %dma_wait3A_540 = tpu.memref_squeeze %dma_wait3A_539 : memref<1x128x32xf32, #tpu.memory_space<vmem>> -> memref<128x32xf32, #tpu.memory_space<vmem>>
        %dma_wait3A_541 = arith.constant 0 : i32
        %dma_wait3A_542 = tpu.memref_slice %arg8[%add3A_490, %dma_wait3A_541] : memref<80x128xi32, #tpu.memory_space<vmem>> -> memref<1x128xi32, #tpu.memory_space<vmem>>
        %dma_wait3A_543 = tpu.memref_squeeze %dma_wait3A_542 : memref<1x128xi32, #tpu.memory_space<vmem>> -> memref<128xi32, #tpu.memory_space<vmem>>
        %dma_wait3A_544 = arith.constant 0 : i32
        %dma_wait3A_545 = arith.constant 0 : i32
        %dma_wait3A_546 = tpu.memref_slice %arg10[%dma_wait3A_544, %dma_wait3A_545] : memref<10016x32xf32, #tpu.memory_space<vmem_shared>> -> memref<10016x32xf32, #tpu.memory_space<vmem_shared>>
        %dma_wait3A_547 = tpu.memref_slice %arg12[%cond3A_525] : memref<8x!tpu.dma_semaphore, #tpu.memory_space<semaphore_mem>> -> memref<1x!tpu.dma_semaphore, #tpu.memory_space<semaphore_mem>>
        %dma_wait3A_548 = tpu.memref_squeeze %dma_wait3A_547 : memref<1x!tpu.dma_semaphore, #tpu.memory_space<semaphore_mem>> -> memref<!tpu.dma_semaphore, #tpu.memory_space<semaphore_mem>>
        tpu.wait_indirect_dma semaphore(%dma_wait3A_548 : memref<!tpu.dma_semaphore, #tpu.memory_space<semaphore_mem>>) src(%dma_wait3A_540 : memref<128x32xf32, #tpu.memory_space<vmem>>) dst(%dma_wait3A_546 : memref<10016x32xf32, #tpu.memory_space<vmem_shared>>)
        %add3A_549 = arith.constant 8 : i32
        %add3A_550 = arith.addi %add3A_490, %add3A_549 : i32
        %dma_start3A_551 = arith.constant 7 : i32
        %dma_start3A_552 = arith.constant 7 : i32
        %dma_start3A_553 = arith.constant 0 : i32
        %dma_start3A_554 = arith.constant 0 : i32
        %dma_start3A_555 = tpu.memref_slice %arg9[%dma_start3A_551, %dma_start3A_553, %dma_start3A_554] : memref<8x128x32xf32, #tpu.memory_space<vmem>> -> memref<1x128x32xf32, #tpu.memory_space<vmem>>
        %dma_start3A_556 = tpu.memref_squeeze %dma_start3A_555 : memref<1x128x32xf32, #tpu.memory_space<vmem>> -> memref<128x32xf32, #tpu.memory_space<vmem>>
        %dma_start3A_557 = arith.constant 0 : i32
        %dma_start3A_558 = tpu.memref_slice %arg7[%add3A_550, %dma_start3A_557] : memref<80x128xi32, #tpu.memory_space<vmem>> -> memref<1x128xi32, #tpu.memory_space<vmem>>
        %dma_start3A_559 = tpu.memref_squeeze %dma_start3A_558 : memref<1x128xi32, #tpu.memory_space<vmem>> -> memref<128xi32, #tpu.memory_space<vmem>>
        %dma_start3A_560 = arith.constant 0 : i32
        %dma_start3A_561 = arith.constant 0 : i32
        %dma_start3A_562 = tpu.memref_slice %arg2[%dma_start3A_560, %dma_start3A_561] : memref<10016x32xf32, #tpu.memory_space<hbm>> -> memref<10016x32xf32, #tpu.memory_space<hbm>>
        %dma_start3A_563 = tpu.memref_slice %arg11[%dma_start3A_552] : memref<8x!tpu.dma_semaphore, #tpu.memory_space<semaphore_mem>> -> memref<1x!tpu.dma_semaphore, #tpu.memory_space<semaphore_mem>>
        %dma_start3A_564 = tpu.memref_squeeze %dma_start3A_563 : memref<1x!tpu.dma_semaphore, #tpu.memory_space<semaphore_mem>> -> memref<!tpu.dma_semaphore, #tpu.memory_space<semaphore_mem>>
        tpu.enqueue_indirect_dma source(%dma_start3A_562 : memref<10016x32xf32, #tpu.memory_space<hbm>>) target(%dma_start3A_556 : memref<128x32xf32, #tpu.memory_space<vmem>>) offsets(%dma_start3A_559 : memref<128xi32, #tpu.memory_space<vmem>>) semaphore(%dma_start3A_564 : memref<!tpu.dma_semaphore, #tpu.memory_space<semaphore_mem>>)
      } else {
      }
      %add3A_528 = arith.constant 8 : i32
      %add3A_529 = arith.addi %add3A_490, %add3A_528 : i32
      %ge3A_530 = arith.constant 80 : i32
      %ge3A_531 = arith.cmpi sge, %add3A_529, %ge3A_530 : i32
      %convert_element_type3A_532 = arith.extui %ge3A_531 : i1 to i32
      %cond3A_533 = arith.constant 7 : i32
      %cond3A_534 = arith.constant 7 : i32
      %cond3A_535 = arith.constant 0 : i32
      %cond3A_536 = arith.cmpi ne, %convert_element_type3A_532, %cond3A_535 : i32
      scf.if %cond3A_536 {
        %dma_wait3A_537 = arith.constant 0 : i32
        %dma_wait3A_538 = arith.constant 0 : i32
        %dma_wait3A_539 = tpu.memref_slice %arg9[%cond3A_533, %dma_wait3A_537, %dma_wait3A_538] : memref<8x128x32xf32, #tpu.memory_space<vmem>> -> memref<1x128x32xf32, #tpu.memory_space<vmem>>
        %dma_wait3A_540 = tpu.memref_squeeze %dma_wait3A_539 : memref<1x128x32xf32, #tpu.memory_space<vmem>> -> memref<128x32xf32, #tpu.memory_space<vmem>>
        %dma_wait3A_541 = arith.constant 0 : i32
        %dma_wait3A_542 = tpu.memref_slice %arg8[%add3A_490, %dma_wait3A_541] : memref<80x128xi32, #tpu.memory_space<vmem>> -> memref<1x128xi32, #tpu.memory_space<vmem>>
        %dma_wait3A_543 = tpu.memref_squeeze %dma_wait3A_542 : memref<1x128xi32, #tpu.memory_space<vmem>> -> memref<128xi32, #tpu.memory_space<vmem>>
        %dma_wait3A_544 = arith.constant 0 : i32
        %dma_wait3A_545 = arith.constant 0 : i32
        %dma_wait3A_546 = tpu.memref_slice %arg10[%dma_wait3A_544, %dma_wait3A_545] : memref<10016x32xf32, #tpu.memory_space<vmem_shared>> -> memref<10016x32xf32, #tpu.memory_space<vmem_shared>>
        %dma_wait3A_547 = tpu.memref_slice %arg12[%cond3A_534] : memref<8x!tpu.dma_semaphore, #tpu.memory_space<semaphore_mem>> -> memref<1x!tpu.dma_semaphore, #tpu.memory_space<semaphore_mem>>
        %dma_wait3A_548 = tpu.memref_squeeze %dma_wait3A_547 : memref<1x!tpu.dma_semaphore, #tpu.memory_space<semaphore_mem>> -> memref<!tpu.dma_semaphore, #tpu.memory_space<semaphore_mem>>
        tpu.wait_indirect_dma semaphore(%dma_wait3A_548 : memref<!tpu.dma_semaphore, #tpu.memory_space<semaphore_mem>>) src(%dma_wait3A_540 : memref<128x32xf32, #tpu.memory_space<vmem>>) dst(%dma_wait3A_546 : memref<10016x32xf32, #tpu.memory_space<vmem_shared>>)
      } else {
      }
    }
    %scan3A_132 = arith.constant 10 : i32
    %barrier3A_133 = arith.constant 0 : index
    tpu.barrier barrier_id(%barrier3A_133)
    %mul3A_134 = arith.constant 626 : i32
    %mul3A_135 = arith.muli %arg1, %mul3A_134 : i32
    %mul3A_136 = arith.constant 10016 : i32
    %mul3A_137 = arith.muli %arg0, %mul3A_136 : i32
    %mul3A_138 = arith.constant 626 : i32
    %mul3A_139 = arith.muli %arg1, %mul3A_138 : i32
    %add3A_140 = arith.addi %mul3A_137, %mul3A_139 : i32
    "tpu.region"() ({
      %run_scoped3A = tpu.sem_alloc : memref<!tpu.dma_semaphore, #tpu.memory_space<semaphore_mem>>
      %dma_start3A_141 = arith.constant 0 : i32
      %dma_start3A_142 = tpu.memref_slice %arg6[%add3A_140, %dma_start3A_141] : memref<20032x32xf32, #tpu.memory_space<hbm>> -> memref<626x32xf32, #tpu.memory_space<hbm>>
      %dma_start3A_143 = arith.constant 0 : i32
      %dma_start3A_144 = tpu.memref_slice %arg10[%mul3A_135, %dma_start3A_143] : memref<10016x32xf32, #tpu.memory_space<vmem_shared>> -> memref<626x32xf32, #tpu.memory_space<vmem_shared>>
      tpu.enqueue_dma source(%dma_start3A_144 : memref<626x32xf32, #tpu.memory_space<vmem_shared>>) target(%dma_start3A_142 : memref<626x32xf32, #tpu.memory_space<hbm>>) target_semaphore(%run_scoped3A : memref<!tpu.dma_semaphore, #tpu.memory_space<semaphore_mem>>)
      %dma_wait3A = arith.constant 0 : i32
      %dma_wait3A_145 = tpu.memref_slice %arg6[%add3A_140, %dma_wait3A] : memref<20032x32xf32, #tpu.memory_space<hbm>> -> memref<626x32xf32, #tpu.memory_space<hbm>>
      %dma_wait3A_146 = arith.constant 0 : i32
      %dma_wait3A_147 = tpu.memref_slice %arg10[%mul3A_135, %dma_wait3A_146] : memref<10016x32xf32, #tpu.memory_space<vmem_shared>> -> memref<626x32xf32, #tpu.memory_space<vmem_shared>>
      tpu.wait_dma2 semaphore(%run_scoped3A : memref<!tpu.dma_semaphore, #tpu.memory_space<semaphore_mem>>) src(%dma_wait3A_147 : memref<626x32xf32, #tpu.memory_space<vmem_shared>>) dst(%dma_wait3A_145 : memref<626x32xf32, #tpu.memory_space<hbm>>)
      tpu.yield
    }) : () -> ()
    return
  }
}

module attributes {stable_mosaic.version = 14 : i64} {
  func.func @_tc_dinv_body(%arg0: memref<32x10016xf32, #tpu.memory_space<vmem>>, %arg1: memref<1x10016xf32, #tpu.memory_space<vmem>>) attributes {dimension_semantics = [], scalar_prefetch = 0 : i64, scratch_operands = 0 : i64, tpu.core_type = #tpu.core_type<tc>} {
    %get3A = arith.constant 0 : index
    %get3A_0 = arith.constant 0 : index
    %get3A_1 = vector.load %arg0[%get3A, %get3A_0] : memref<32x10016xf32, #tpu.memory_space<vmem>>, vector<32x10016xf32>
    %reduce_sum3A = arith.constant dense<0.000000e+00> : vector<10016xf32>
    %reduce_sum3A_2 = vector.multi_reduction <add>, %get3A_1, %reduce_sum3A [0] : vector<32x10016xf32> to vector<10016xf32>
    %broadcast_in_dim3A = vector.shape_cast %reduce_sum3A_2 : vector<10016xf32> to vector<1x10016xf32>
    %add3A = arith.constant 1.000000e+00 : f32
    %add3A_3 = vector.broadcast %add3A : f32 to vector<1x10016xf32>
    %add3A_4 = arith.addf %broadcast_in_dim3A, %add3A_3 : vector<1x10016xf32>
    %rsqrt3A = math.rsqrt %add3A_4 : vector<1x10016xf32>
    %swap3A = arith.constant 0 : index
    %swap3A_5 = arith.constant 0 : index
    %swap3A_6 = vector.load %arg1[%swap3A, %swap3A_5] : memref<1x10016xf32, #tpu.memory_space<vmem>>, vector<1x10016xf32>
    tpu.vector_store %arg1[%swap3A, %swap3A_5], %rsqrt3A {strides = array<i32>} : memref<1x10016xf32, #tpu.memory_space<vmem>>, vector<1x10016xf32>,
    return
  }
}

module attributes {stable_mosaic.version = 14 : i64} {
  func.func @_tc_hs_body(%arg0: memref<10016x128xf32, #tpu.memory_space<vmem>>, %arg1: memref<128x32xf32, #tpu.memory_space<vmem>>, %arg2: memref<10016x1xf32, #tpu.memory_space<vmem>>, %arg3: memref<10016x32xf32, #tpu.memory_space<vmem>>) attributes {dimension_semantics = [], scalar_prefetch = 0 : i64, scratch_operands = 0 : i64, tpu.core_type = #tpu.core_type<tc>} {
    %get3A = arith.constant 0 : index
    %get3A_0 = arith.constant 0 : index
    %get3A_1 = vector.load %arg0[%get3A, %get3A_0] : memref<10016x128xf32, #tpu.memory_space<vmem>>, vector<10016x128xf32>
    %get3A_2 = arith.constant 0 : index
    %get3A_3 = arith.constant 0 : index
    %get3A_4 = vector.load %arg1[%get3A_2, %get3A_3] : memref<128x32xf32, #tpu.memory_space<vmem>>, vector<128x32xf32>
    %dot_general3A = arith.constant dense<0.000000e+00> : vector<10016x32xf32>
    %dot_general3A_5 = tpu.matmul %get3A_1, %get3A_4, %dot_general3A {dimension_numbers = #tpu.dot_dimension_numbers<[1], [0], [0], [1], [0, 0, 1, 1], [], []>, transpose_lhs_hint = false} : vector<10016x128xf32>, vector<128x32xf32>, vector<10016x32xf32> -> vector<10016x32xf32>
    %get3A_6 = arith.constant 0 : index
    %get3A_7 = arith.constant 0 : index
    %get3A_8 = vector.load %arg2[%get3A_6, %get3A_7] : memref<10016x1xf32, #tpu.memory_space<vmem>>, vector<10016x1xf32>
    %mul3A = vector.broadcast %get3A_8 : vector<10016x1xf32> to vector<10016x32xf32>
    %mul3A_9 = arith.mulf %dot_general3A_5, %mul3A : vector<10016x32xf32>
    %swap3A = arith.constant 0 : index
    %swap3A_10 = arith.constant 0 : index
    %swap3A_11 = vector.load %arg3[%swap3A, %swap3A_10] : memref<10016x32xf32, #tpu.memory_space<vmem>>, vector<10016x32xf32>
    tpu.vector_store %arg3[%swap3A, %swap3A_10], %mul3A_9 {strides = array<i32>} : memref<10016x32xf32, #tpu.memory_space<vmem>>, vector<10016x32xf32>,
    return
  }
}

module attributes {stable_mosaic.version = 14 : i64} {
  func.func @_tc_layer2_body(%arg0: memref<20032x32xf32, #tpu.memory_space<vmem>>, %arg1: memref<10016x32xf32, #tpu.memory_space<vmem>>, %arg2: memref<10016x1xf32, #tpu.memory_space<vmem>>, %arg3: memref<1x32xf32, #tpu.memory_space<vmem>>, %arg4: memref<32x8xf32, #tpu.memory_space<vmem>>, %arg5: memref<10016x8xf32, #tpu.memory_space<vmem>>) attributes {dimension_semantics = [], scalar_prefetch = 0 : i64, scratch_operands = 0 : i64, tpu.core_type = #tpu.core_type<tc>} {
    %get3A = arith.constant 0 : index
    %get3A_0 = arith.constant 0 : index
    %get3A_1 = vector.load %arg0[%get3A, %get3A_0] : memref<20032x32xf32, #tpu.memory_space<vmem>>, vector<10016x32xf32>
    %get3A_2 = arith.constant 10016 : index
    %get3A_3 = arith.constant 0 : index
    %get3A_4 = vector.load %arg0[%get3A_2, %get3A_3] : memref<20032x32xf32, #tpu.memory_space<vmem>>, vector<10016x32xf32>
    %add3A = arith.addf %get3A_1, %get3A_4 : vector<10016x32xf32>
    %get3A_5 = arith.constant 0 : index
    %get3A_6 = arith.constant 0 : index
    %get3A_7 = vector.load %arg1[%get3A_5, %get3A_6] : memref<10016x32xf32, #tpu.memory_space<vmem>>, vector<10016x32xf32>
    %add3A_8 = arith.addf %add3A, %get3A_7 : vector<10016x32xf32>
    %get3A_9 = arith.constant 0 : index
    %get3A_10 = arith.constant 0 : index
    %get3A_11 = vector.load %arg2[%get3A_9, %get3A_10] : memref<10016x1xf32, #tpu.memory_space<vmem>>, vector<10016x1xf32>
    %mul3A = vector.broadcast %get3A_11 : vector<10016x1xf32> to vector<10016x32xf32>
    %mul3A_12 = arith.mulf %add3A_8, %mul3A : vector<10016x32xf32>
    %get3A_13 = arith.constant 0 : index
    %get3A_14 = arith.constant 0 : index
    %get3A_15 = vector.load %arg3[%get3A_13, %get3A_14] : memref<1x32xf32, #tpu.memory_space<vmem>>, vector<1x32xf32>
    %add3A_16 = vector.broadcast %get3A_15 : vector<1x32xf32> to vector<10016x32xf32>
    %add3A_17 = arith.addf %mul3A_12, %add3A_16 : vector<10016x32xf32>
    %max3A = arith.constant 0.000000e+00 : f32
    %max3A_18 = vector.broadcast %max3A : f32 to vector<10016x32xf32>
    %max3A_19 = arith.maximumf %add3A_17, %max3A_18 : vector<10016x32xf32>
    %get3A_20 = arith.constant 0 : index
    %get3A_21 = arith.constant 0 : index
    %get3A_22 = vector.load %arg4[%get3A_20, %get3A_21] : memref<32x8xf32, #tpu.memory_space<vmem>>, vector<32x8xf32>
    %dot_general3A = arith.constant dense<0.000000e+00> : vector<10016x8xf32>
    %dot_general3A_23 = tpu.matmul %max3A_19, %get3A_22, %dot_general3A {dimension_numbers = #tpu.dot_dimension_numbers<[1], [0], [0], [1], [0, 0, 1, 1], [], []>, transpose_lhs_hint = false} : vector<10016x32xf32>, vector<32x8xf32>, vector<10016x8xf32> -> vector<10016x8xf32>
    %get3A_24 = arith.constant 0 : index
    %get3A_25 = arith.constant 0 : index
    %get3A_26 = vector.load %arg2[%get3A_24, %get3A_25] : memref<10016x1xf32, #tpu.memory_space<vmem>>, vector<10016x1xf32>
    %mul3A_27 = vector.broadcast %get3A_26 : vector<10016x1xf32> to vector<10016x8xf32>
    %mul3A_28 = arith.mulf %dot_general3A_23, %mul3A_27 : vector<10016x8xf32>
    %swap3A = arith.constant 0 : index
    %swap3A_29 = arith.constant 0 : index
    %swap3A_30 = vector.load %arg5[%swap3A, %swap3A_29] : memref<10016x8xf32, #tpu.memory_space<vmem>>, vector<10016x8xf32>
    tpu.vector_store %arg5[%swap3A, %swap3A_29], %mul3A_28 {strides = array<i32>} : memref<10016x8xf32, #tpu.memory_space<vmem>>, vector<10016x8xf32>,
    return
  }
}

module attributes {stable_mosaic.version = 14 : i64} {
  func.func @_tc_out_body(%arg0: memref<20032x8xf32, #tpu.memory_space<vmem>>, %arg1: memref<10016x8xf32, #tpu.memory_space<vmem>>, %arg2: memref<10016x1xf32, #tpu.memory_space<vmem>>, %arg3: memref<1x8xf32, #tpu.memory_space<vmem>>, %arg4: memref<10016x8xf32, #tpu.memory_space<vmem>>) attributes {dimension_semantics = [], scalar_prefetch = 0 : i64, scratch_operands = 0 : i64, tpu.core_type = #tpu.core_type<tc>} {
    %get3A = arith.constant 0 : index
    %get3A_0 = arith.constant 0 : index
    %get3A_1 = vector.load %arg0[%get3A, %get3A_0] : memref<20032x8xf32, #tpu.memory_space<vmem>>, vector<10016x8xf32>
    %get3A_2 = arith.constant 10016 : index
    %get3A_3 = arith.constant 0 : index
    %get3A_4 = vector.load %arg0[%get3A_2, %get3A_3] : memref<20032x8xf32, #tpu.memory_space<vmem>>, vector<10016x8xf32>
    %add3A = arith.addf %get3A_1, %get3A_4 : vector<10016x8xf32>
    %get3A_5 = arith.constant 0 : index
    %get3A_6 = arith.constant 0 : index
    %get3A_7 = vector.load %arg1[%get3A_5, %get3A_6] : memref<10016x8xf32, #tpu.memory_space<vmem>>, vector<10016x8xf32>
    %add3A_8 = arith.addf %add3A, %get3A_7 : vector<10016x8xf32>
    %get3A_9 = arith.constant 0 : index
    %get3A_10 = arith.constant 0 : index
    %get3A_11 = vector.load %arg2[%get3A_9, %get3A_10] : memref<10016x1xf32, #tpu.memory_space<vmem>>, vector<10016x1xf32>
    %mul3A = vector.broadcast %get3A_11 : vector<10016x1xf32> to vector<10016x8xf32>
    %mul3A_12 = arith.mulf %add3A_8, %mul3A : vector<10016x8xf32>
    %get3A_13 = arith.constant 0 : index
    %get3A_14 = arith.constant 0 : index
    %get3A_15 = vector.load %arg3[%get3A_13, %get3A_14] : memref<1x8xf32, #tpu.memory_space<vmem>>, vector<1x8xf32>
    %add3A_16 = vector.broadcast %get3A_15 : vector<1x8xf32> to vector<10016x8xf32>
    %add3A_17 = arith.addf %mul3A_12, %add3A_16 : vector<10016x8xf32>
    %swap3A = arith.constant 0 : index
    %swap3A_18 = arith.constant 0 : index
    %swap3A_19 = vector.load %arg4[%swap3A, %swap3A_18] : memref<10016x8xf32, #tpu.memory_space<vmem>>, vector<10016x8xf32>
    tpu.vector_store %arg4[%swap3A, %swap3A_18], %add3A_17 {strides = array<i32>} : memref<10016x8xf32, #tpu.memory_space<vmem>>, vector<10016x8xf32>,
    return
  }
}

</mosaic_0001>

<sc_bundles>
// kernel: kernel.12.cloned.1.call-start
scs
__scs_entry_jumppad:
0x0: {  	(pc) =	sbr.rel $0x88, $3  }
0x1: {  	(tag) =	ssettag $0x0;
	lr =	simm.s32 $0x1  }
0x2: {  	[smem:$0x3F99] =	sst lr;
	_ =	strace $0xD0000000  }
0x3: {  	_ = 	snop  }
0x4: {  	_ = 	snop  }
0x5: {  	_ = 	snop  }
0x6: {  	_ = 	snop  }
0x7: {  	_ = 	snop  }
__scs_overlays_trampoline_lowered:
0x8: {  	[smem:$0x3FA8] =	sst s0  }
0x9: {  	[smem:$0x3FA9] =	sst s1  }
0xa: {  	[smem:$0x3FAA] =	sst s2  }
0xb: {  	[smem:$0x3FAB] =	sst s3  }
0xc: {  	[smem:$0x3FAC] =	sst s4  }
0xd: {  	[smem:$0x3FAD] =	sst s5  }
0xe: {  	[smem:$0x3FAE] =	sst s6  }
0xf: {  	[smem:$0x3FAF] =	sst s7  }
0x10: {  	[smem:$0x3FB0] =	sst s8  }
0x11: {  	[smem:$0x3FB1] =	sst s9;
	s0 =	simm.s32 @!p0 $0x0  }
0x12: {  	s1 =	sld [smem:$0x3F97];
	s0 =	simm.s32 @p0 $0x1  }
0x13: {  	[smem:$0x3FB2] =	sst s0;
	s0 =	simm.s32 @!p1 $0x0  }
0x14: {  	s2 =	sld [smem:$0x3F96];
	s0 =	simm.s32 @p1 $0x1  }
0x15: {  	[smem:$0x3FB3] =	sst s0;
	s0 =	simm.s32 @!p2 $0x0  }
0x16: {  	s3 =	sld [smem:$0x3FDB];
	s0 =	simm.s32 @p2 $0x1  }
0x17: {  	s4 =	simm.s32 $0x1BF5;
	[smem:$0x3FB5] =	sst s0  }
0x18: {  	s0 =	sld [smem:$0x3F98];
	_ =	swait.ge [sflag:s4], $0x0  }
0x19: {  	s7 =	sld [smem:$0x3F99]  }
0x1a: {  	s8 =	sadd.s32 $0xFFFFE003, lr  }
0x1b: {  	s9 =	sadd.s32 $0xFFFFFEF7, lr;
	s5 =	simm.s32 $0xFFFFFFFF;
	p2 =	slt.u32 s8, $0xFFFFF086  }
0x1c: {  	p1 =	slt.u32 s9, $0xF7A;
	s5 =	simm.s32 @!p2 $0x0  }
0x1d: {  	s5 =	simm.s32 @p1 $0x1;
	p0 =	seq.s32 s7, s2  }
0x1e: {  	s7 =	smul.u32 @!p0 $0xF7A, s2;
	p2 =	seq.s32 @!p0 s5, $0x0  }
0x1f: {  	s9 =	smul.u32 $0xF7A, s1;
	s8 =	simm.s32 @!p0 $0x1BF5;
	p2 =	por !p2, p0  }
0x20: {  	[sflag:s8] =	ssyncset.s32 @!p0 $0xFFFFF086;
	s6 =	sadd.s32 @!p0 s3, s7;
	s7 =	simm.s32 @!p0 $0x108  }
0x21: {  	s3 =	sadd.s32 s3, s9;
	s6 =	sadd.s32 @!p0 $0x88, s6;
	s7 =	simm.s32 @p2 $0x1082  }
0x22: {  	[simem:s7], [sflag:s8] =	dma.local @!p0 [hbm:s6], $0xF7A  }
0x23: {  	s9 =	sor.u32 $0xD0000000, s2;
	s6 =	simm.s32 $0x108;
	_ =	swait.ge @!p0 [sflag:s8], $0x0  }
0x24: {  	s3 =	sadd.s32 $0x88, s3;
	s6 =	simm.s32 @!p1 $0x1082;
	[sflag:s4] =	ssyncset.s32 $0xFFFFF086  }
0x25: {  	[simem:s6], [sflag:s4] =	dma.local [hbm:s3], $0xF7A  }
0x26: {  	[smem:$0x3F99] =	sst s1;
	(tag) =	ssettag s2;
	_ =	strace s9  }
0x27: {  	s1 =	sld [smem:$0x3FA9]  }
0x28: {  	s2 =	sld [smem:$0x3FAA]  }
0x29: {  	s4 =	sld [smem:$0x3FAC]  }
0x2a: {  	p0 =	seq.s32 s5, $0x0;
	s5 =	sld [smem:$0x3FAD]  }
0x2b: {  	s6 =	sld [smem:$0x3FAE]  }
0x2c: {  	s7 =	sld [smem:$0x3FAF]  }
0x2d: {  	s3 =	simm.s32 $0x108;
	s8 =	sld [smem:$0x3FB0]  }
0x2e: {  	s3 =	simm.s32 @!p0 $0x1082;
	s9 =	sld [smem:$0x3FB1]  }
0x2f: {  	lr =	sadd.s32 s0, s3;
	s0 =	sld [smem:$0x3FA8]  }
0x30: {  	s3 =	sld [smem:$0x3FAB]  }
0x31: {  	[smem:$0x3FB4] =	sst s10  }
0x32: {  	s10 =	sld [smem:$0x3FB2];
	_ =	sdelay $0x3  }
0x33: {  	p0 =	seq.s32 s10, $0x1;
	s10 =	sld [smem:$0x3FB4];
	_ =	sdelay $0x3  }
0x34: {  	[smem:$0x3FB4] =	sst s10  }
0x35: {  	s10 =	sld [smem:$0x3FB3];
	_ =	sdelay $0x3  }
0x36: {  	p1 =	seq.s32 s10, $0x1;
	s10 =	sld [smem:$0x3FB4];
	_ =	sdelay $0x3  }
0x37: {  	[smem:$0x3FB4] =	sst s10  }
0x38: {  	s10 =	sld [smem:$0x3FB5]  }
0x39: {  	_ = 	snop;
	(pc) =	sbr.ind lr, $3  }
0x3a: {  	_ = 	snop  }
0x3b: {  	_ = 	snop  }
0x3c: {  	p2 =	seq.s32 s10, $0x1;
	s10 =	sld [smem:$0x3FB4]  }
0x3d: {  	_ =	shalt  }
0x3e: {  	_ =	shalt  }
0x3f: {  	_ =	shalt  }
0x40: {  	_ =	shalt  }
0x41: {  	_ =	shalt  }
0x42: {  	_ =	shalt  }
0x43: {  	_ =	shalt  }
0x44: {  	_ =	shalt  }
0x45: {  	_ =	shalt  }
0x46: {  	_ =	shalt  }
0x47: {  	_ =	shalt  }
0x48: {  	_ =	shalt  }
0x49: {  	_ =	shalt  }
0x4a: {  	_ =	shalt  }
0x4b: {  	_ =	shalt  }
0x4c: {  	_ =	shalt  }
0x4d: {  	_ =	shalt  }
0x4e: {  	_ =	shalt  }
0x4f: {  	_ =	shalt  }
0x50: {  	_ =	shalt  }
0x51: {  	_ =	shalt  }
0x52: {  	_ =	shalt  }
0x53: {  	_ =	shalt  }
0x54: {  	_ =	shalt  }
0x55: {  	_ =	shalt  }
0x56: {  	_ =	shalt  }
0x57: {  	_ =	shalt  }
0x58: {  	_ =	shalt  }
0x59: {  	_ =	shalt  }
0x5a: {  	_ =	shalt  }
0x5b: {  	_ =	shalt  }
0x5c: {  	_ =	shalt  }
0x5d: {  	_ =	shalt  }
0x5e: {  	_ =	shalt  }
0x5f: {  	_ =	shalt  }
0x60: {  	_ =	shalt  }
0x61: {  	_ =	shalt  }
0x62: {  	_ =	shalt  }
0x63: {  	_ =	shalt  }
0x64: {  	_ =	shalt  }
0x65: {  	_ =	shalt  }
0x66: {  	_ =	shalt  }
0x67: {  	_ =	shalt  }
0x68: {  	_ =	shalt  }
0x69: {  	_ =	shalt  }
0x6a: {  	_ =	shalt  }
0x6b: {  	_ =	shalt  }
0x6c: {  	_ =	shalt  }
0x6d: {  	_ =	shalt  }
0x6e: {  	_ =	shalt  }
0x6f: {  	_ =	shalt  }
0x70: {  	_ =	shalt  }
0x71: {  	_ =	shalt  }
0x72: {  	_ =	shalt  }
0x73: {  	_ =	shalt  }
0x74: {  	_ =	shalt  }
0x75: {  	_ =	shalt  }
0x76: {  	_ =	shalt  }
0x77: {  	_ =	shalt  }
0x78: {  	_ =	shalt  }
0x79: {  	_ =	shalt  }
0x7a: {  	_ =	shalt  }
0x7b: {  	_ =	shalt  }
0x7c: {  	_ =	shalt  }
0x7d: {  	_ =	shalt  }
0x7e: {  	_ =	shalt  }
0x7f: {  	_ =	shalt  }
0x80: {  	_ =	shalt  }
0x81: {  	_ =	shalt  }
0x82: {  	_ =	shalt  }
0x83: {  	_ =	shalt  }
0x84: {  	_ =	shalt  }
0x85: {  	_ =	shalt  }
0x86: {  	_ =	shalt  }
0x87: {  	_ =	shalt  }
.Lfunc_end0:
.L_simem_size_0:
called_computation.1_lowered:
.L_overlay_start_0:
0x88: {  	s2 =	sld [smem:$0x3FD9]  }
0x89: {  	s3 =	sld [smem:$0x3FFE];
	_ =	sdelay $0x1  }
0x8a: {  	s1 =	srdreg.scid  }
0x8b: {  	s0 =	sand.u32 $0x1, s1  }
0x8c: {  	s16 =	sshll.u32 s0, $0xA;
	s2 =	sadd.s32 s3, s2  }
0x8d: {  	s2 =	sadd.s32 s2, s16  }
0x8e: {  	[smem:$0x3FC0] =	sst s2  }
0x8f: {  	_ = 	snop  }
0x90: {  	(tm) =	ssettm $0x1  }
0x91: {  	s17 =	sld [smem:$0x3FFB];
	_ =	sdelay $0x3  }
0x92: {  	_ =	strace s17  }
0x93: {  	s2 =	sld [smem:$0x3FFC];
	_ =	sdelay $0x3  }
0x94: {  	_ =	strace s2  }
0x95: {  	s2 =	sld [smem:$0x3FFD];
	_ =	sdelay $0x3  }
0x96: {  	_ =	strace s2  }
0x97: {  	_ =	strace $0x8FFFFFFF  }
0x98: {  	s18 =	sld [smem:$0x3FDB];
	_ =	sdelay $0x1  }
0x99: {  	s19 =	simm.s32 $_scs_section_size  }
0x9a: {  	s4 =	simm.s32 $_size__tile_overlayer_lowered;
	s5 =	simm.s32 $_tile_overlayer_lowered  }
0x9b: {  	s22 =	simm.s32 $0x1BFF;
	s21 =	sshll.u32 s5, $0x1;
	s2 =	sadd.s32 s19, s18  }
0x9c: {  	s6 =	simm.s32 $0x0;
	s20 =	sshll.u32 s4, $0x1;
	s4 =	sadd.s32 s21, s2  }
0x9d: {  	[timem:s6], [sflag:s22] =	dma.local [hbm:s4], s20  }
0x9e: {  	_ =	swait.ge [sflag:s22], s20  }
0x9f: {  	s3 =	ssub.s32 $0x0, s20;
	[sflag:s22] =	ssyncset.done $0x0  }
0xa0: {  	[sflag:s22] =	ssyncadd.s32 s3;
	_ =	sdelay $0x1  }
0xa1: {  	s23 =	simm.s32 $0x1B8B  }
0xa2: {  	_ =	swait.ge [sflag:s23], $0x1  }
0xa3: {  	[sflag:s23] =	ssyncset.done $0x0  }
0xa4: {  	s25 =	simm.s32 $0x1B8E;
	s24 =	sld [smem:$0x3FFE];
	[sflag:s23] =	ssyncadd.s32 $0xFFFFFFFF  }
0xa5: {  	s26 =	simm.s32 $execute0_lowered;
	[smem:$0x3FD2] =	sst s25  }
0xa6: {  	s4 =	sshll.u32 s26, $0x1;
	_ =	strace $0x80000049;
	[dreg:$0x1] =	wrdreg $0xFFFFFFFF  }
0xa7: {  	s28 =	simm.s32 $_size_execute0_lowered;
	s2 =	sadd.s32 s2, s4;
	[dreg:$0x0] =	wrdreg $0x0  }
0xa8: {  	s4 =	sshll.u32 s28, $0x1;
	[dreg:$0x2] =	wrdreg s2  }
0xa9: {  	[dreg:$0x3] =	wrdreg s4  }
0xaa: {  	[dreg:$0x4] =	wrdreg $0xC0  }
0xab: {  	_ =	task [dreg:s6], $0x5FFFF  }
0xac: {  	[dreg:$0x1] =	wrdreg $0xFFFFFFFF  }
0xad: {  	[dreg:$0x0] =	wrdreg $0x60  }
0xae: {  	[dreg:$0x2] =	wrdreg s24  }
0xaf: {  	[dreg:$0x3] =	wrdreg $0xD0000  }
0xb0: {  	[dreg:$0x4] =	wrdreg $0x9  }
0xb1: {  	_ =	task.clear_ibuf [dreg:s6], $0x5FFFF;
	_ =	strace $0x90000049  }
0xb2: {  	s29 =	simm.s32 $0x9;
	_ =	strace $0x8000004B  }
0xb3: {  	_ =	swait.ge [sflag:s29], $0x1  }
0xb4: {  	[sflag:s29] =	ssyncadd.s32 $0xFFFFFFFF  }
0xb5: {  	_ =	strace $0x9000004B  }
0xb6: {  	_ =	sfence  }
0xb7: {  	s30 =	sld [smem:$0x0];
	_ =	sdelay $0x2  }
0xb8: {  	s31 =	sshll.u32 s1, $0xD;
	s1 =	sshrl.u32 s1, $0x2  }
0xb9: {  	s3 =	sand.u32 $0x4000, s31;
	s1 =	sadd.s32 s1, s30  }
0xba: {  	s0 =	sor.u32 s3, s0;
	s1 =	sshll.u32 s1, $0x11  }
0xbb: {  	s0 =	sor.u32 s1, s0  }
0xbc: {  	s0 =	sadd.s32 $0x8F2B, s0  }
0xbd: {  	[sflag:s0] =	ssyncadd.remote.s32 $0x1  }
0xbe: {  	_ =	sfence.sel $0xFFFF  }
0xbf: {  	[dreg:$0x0] =	wrdreg $0xFFFFFFFF;
	(pc) =	sbr.abs _section_cstart, $3  }
0xc0: {  	[dreg:$0x1] =	wrdreg $0xFFFFFFFF  }
0xc1: {  	_ =	task.clear_ibuf [dreg:s6], $0x2FFFF;
	_ =	strace $0x9FFFFFFF  }
0xc2: {  	(tm) =	ssettm $0x7FFFFFFF  }
0xc3: {  	_ =	shalt  }
tec
execute0_lowered:
.L_overlay_start_1:
0x0: {  	(tag) =	ssettag $0x1  }
0x1: {  	s0 =	srdreg.scid;
	s5 =	rddreg [dreg:$0x0]  }
0x2: {  	s10 =	stileid.u32;
	s2 =	rddreg [dreg:$0x1];
	s3 =	simm.s32 $0x0  }
0x3: {  	s12 =	simm.s32 $0x11;
	s14 =	simm.s32 $0x80;
	s15 =	simm.s32 $0x5000  }
0x4: {  	s18 =	simm.s32 $0x7000;
	s29 =	simm.s32 $0xC000;
	s30 =	simm.s32 $0x1  }
0x5: {  	s31 =	simm.s32 $0x9;
	s13 =	simm.s32 $0x5;
	s16 =	simm.s32 $0xD  }
0x6: {  	s17 =	simm.s32 $0x7;
	s19 =	simm.s32 $0xF;
	s20 =	simm.s32 $0x8  }
0x7: {  	s21 =	simm.s32 $0x10;
	s0 =	sand.u32 $0x1, s0;
	s6 =	smul.u32 $0x4E40, s10  }
0x8: {  	[smem:$0x7FF] =	sst s3;
	s7 =	smul.u32 $0x9C8, s10;
	s4 =	sadd.s32 $0xBA00, s5  }
0x9: {  	s23 =	sshll.u32 s10, $0x6;
	s1 =	sshll.u32 s0, $0x4;
	_ =	strace $0x8000004A  }
0xa: {  	s8 =	smul.u32 $0x9C80, s0;
	s0 =	ssub.s32 $0x2, s0;
	s1 =	sor.u32 s10, s1  }
0xb: {  	s9 =	sshrl.u32 s6, $0x3;
	s22 =	sshrl.u32 s0, $0x1;
	s24 =	sadd.s32 s6, s2  }
0xc: {  	s6 =	sor.u32 $0x1C11, s23;
	s23 =	simm.s32 $0x0;
	s1 =	smul.u32 $0x500, s1  }
0xd: {  	s9 =	sadd.s32 s9, s5;
	s7 =	sadd.s32 s7, s8;
	s0 =	ssub.s32 s0, s22  }
0xe: {  	s11 =	sshrl.u32 s24, $0x3;
	s25 =	sadd.s32 $0x1F800, s9;
	s0 =	smax.u32 s0, $0x1  }
.Ltmp0:
0xf: {  	s1 =	sadd.s32 s1, s5;
	[dreg:$0x3] =	wrdreg s25;
	(pc) =	sbr.rel .LBB2_1-.Ltmp0, $4  }
0x10: {  	s22 =	simm.s32 $0x9000;
	[dreg:$0x7] =	wrdreg s0;
	s26 =	sadd.s32 $0x15800, s1  }
0x11: {  	s5 =	sadd.s32 s7, s5;
	s1 =	sadd.s32 $0x1A00, s1;
	[dreg:$0x4] =	wrdreg s26  }
0x12: {  	s0 =	simm.s32 $0xB;
	s28 =	sadd.s32 $0x29600, s5;
	[dreg:$0x5] =	wrdreg s1  }
0x13: {  	[dreg:$0x6] =	wrdreg s28;
	s26 =	simm.s32 $0xB000;
	s1 =	simm.s32 $0x3  }
.LBB2_4:
0x14: {  	_ =	swait.ge [sflag:s20], $0x1000  }
0x15: {  	[sflag:s20] =	ssyncset.done $0x0  }
0x16: {  	[sflag:s20] =	ssyncadd.s32 $0xFFFFF000  }
0x17: {  	[spmem:s2] =	stream.indirect.scatter.add.f32 [tilespmem:s29], [sflag:$0x10], $0x20, s5, s14, $0xb8;
	[tilespmem:$0x11E40] =	vst v63  }
0x18: {  	_ =	swait.ge [sflag:s21], $0x1000  }
0x19: {  	[sflag:s21] =	ssyncset.done $0x0  }
0x1a: {  	[sflag:s21] =	ssyncadd.s32 $0xFFFFF000  }
0x1b: {  	[bflag:$0x0] =	sbarrier.arrive $0xFFFF  }
0x1c: {  	s25 =	rddreg [dreg:$0x6]  }
0x1d: {  	[hbm:s25], [sflag:s6] =	dma.local [spmem:s11], $0x9C8  }
0x1e: {  	_ =	swait.ge [sflag:s12], $0x9C8  }
0x1f: {  	s23 =	sadd.s32 $0x1, s23;
	s28 =	rddreg [dreg:$0x7]  }
0x20: {  	p0 =	sne.s32 s23, s28  }
.Ltmp1:
0x21: {  	_ = 	snop;
	(pc) =	sbr.rel @!p0 .LBB2_5-.Ltmp1, $3  }
0x22: {  	_ =	sdelay $0x1  }
0x23: {  	[sflag:s12] =	ssyncset.done $0x0  }
0x24: {  	[sflag:s12] =	ssyncadd.s32 $0xFFFFF638  }
.LBB2_1:
0x25: {  	s5 =	rddreg [dreg:$0x3]  }
0x26: {  	[spmem:s11], [sflag:s6] =	dma.local [hbm:s5], $0x9C8  }
0x27: {  	_ =	swait.ge [sflag:s12], $0x9C8  }
0x28: {  	[sflag:s12] =	ssyncset.done $0x0  }
0x29: {  	s10 =	rddreg [dreg:$0x4];
	[sflag:s12] =	ssyncadd.s32 $0xFFFFF638  }
0x2a: {  	[tilespmem:s3], [sflag:$0x11] =	stream.linear.gather [hbm4b:s10+s3], $0x2800, $0x38;
	[tilespmem:$0x11E40] =	vst v63  }
0x2b: {  	_ =	swait.ge [sflag:s12], $0x2800  }
0x2c: {  	[sflag:s12] =	ssyncset.done $0x0  }
0x2d: {  	s7 =	simm.s32 $0x2800;
	s24 =	rddreg [dreg:$0x5];
	[sflag:s12] =	ssyncadd.s32 $0xFFFFD800  }
0x2e: {  	[tilespmem:s7], [sflag:$0x11] =	stream.linear.gather [hbm4b:s24+s3], $0x2800, $0x38;
	[tilespmem:$0x11E40] =	vst v63  }
0x2f: {  	_ =	swait.ge [sflag:s12], $0x2800  }
0x30: {  	[sflag:s12] =	ssyncset.done $0x0  }
0x31: {  	[sflag:s12] =	ssyncadd.s32 $0xFFFFD800  }
0x32: {  	[bflag:$0x0] =	sbarrier.arrive $0xFFFF  }
0x33: {  	[tilespmem:s15], [sflag:$0x1] =	stream.indirect.gather [hbm4b:s4+s14], $0x20, s3, s14, $0xb8;
	[tilespmem:$0x11E40] =	vst v63  }
0x34: {  	s25 =	simm.s32 $0x6000  }
0x35: {  	[tilespmem:s25], [sflag:$0x2] =	stream.indirect.gather [hbm4b:s4+s14], $0x20, s14, s14, $0xb8;
	[tilespmem:$0x11E40] =	vst v63  }
0x36: {  	s28 =	simm.s32 $0x100  }
0x37: {  	[tilespmem:s18], [sflag:$0x3] =	stream.indirect.gather [hbm4b:s4+s14], $0x20, s28, s14, $0xb8;
	[tilespmem:$0x11E40] =	vst v63  }
0x38: {  	s8 =	simm.s32 $0x8000;
	s7 =	simm.s32 $0x180  }
0x39: {  	[tilespmem:s8], [sflag:$0x4] =	stream.indirect.gather [hbm4b:s4+s14], $0x20, s7, s14, $0xb8;
	[tilespmem:$0x11E40] =	vst v63  }
0x3a: {  	s9 =	simm.s32 $0x200  }
0x3b: {  	[tilespmem:s22], [sflag:$0x5] =	stream.indirect.gather [hbm4b:s4+s14], $0x20, s9, s14, $0xb8;
	[tilespmem:$0x11E40] =	vst v63  }
0x3c: {  	s10 =	simm.s32 $0x280;
	s24 =	simm.s32 $0xA000  }
0x3d: {  	[tilespmem:s24], [sflag:$0x6] =	stream.indirect.gather [hbm4b:s4+s14], $0x20, s10, s14, $0xb8;
	[tilespmem:$0x11E40] =	vst v63  }
0x3e: {  	s25 =	simm.s32 $0x300  }
0x3f: {  	[tilespmem:s26], [sflag:$0x7] =	stream.indirect.gather [hbm4b:s4+s14], $0x20, s25, s14, $0xb8;
	[tilespmem:$0x11E40] =	vst v63  }
0x40: {  	s28 =	simm.s32 $0x380;
	s24 =	simm.s32 $0x0  }
0x41: {  	[tilespmem:s29], [sflag:$0x8] =	stream.indirect.gather [hbm4b:s4+s14], $0x20, s28, s14, $0xb8;
	[tilespmem:$0x11E40] =	vst v63  }
.LBB2_2:
0x42: {  	_ =	swait.ge [sflag:s30], $0x1000  }
0x43: {  	s25 =	sshra.s32 s24, $0x2;
	[sflag:s30] =	ssyncset.done $0x0  }
0x44: {  	s5 =	sadd.s32 $0x2800, s25;
	[sflag:s30] =	ssyncadd.s32 $0xFFFFF000  }
0x45: {  	[spmem:s2] =	stream.indirect.scatter.add.f32 [tilespmem:s15], [sflag:$0x9], $0x20, s5, s14, $0xb8;
	[tilespmem:$0x11E40] =	vst v63  }
0x46: {  	_ =	swait.ge [sflag:s31], $0x1000  }
0x47: {  	p0 =	seq.s32 s24, $0x9000;
	[sflag:s31] =	ssyncset.done $0x0  }
0x48: {  	s5 =	simm.s32 @p0 $0x2;
	[sflag:s31] =	ssyncadd.s32 $0xFFFFF000  }
0x49: {  	_ =	swait.ge @p0 [sflag:s5], $0x1000  }
0x4a: {  	s7 =	sshra.s32 @p0 s24, $0x2;
	s8 =	simm.s32 @p0 $0x80;
	[sflag:s5] =	ssyncset.done @p0 $0x0  }
0x4b: {  	s28 =	simm.s32 @p0 $0x6000;
	[sflag:s5] =	ssyncadd.s32 @p0 $0xFFFFF000;
	s5 =	sadd.s32 @p0 $0x2880, s7  }
0x4c: {  	[spmem:s2] =	stream.indirect.scatter.add.f32 @p0 [tilespmem:s28], [sflag:$0xA], $0x20, s5, s8, $0xb8;
	[tilespmem:$0x11E40] =	vst v63  }
0x4d: {  	s5 =	simm.s32 @p0 $0xA  }
0x4e: {  	_ =	swait.ge @p0 [sflag:s5], $0x1000  }
0x4f: {  	s10 =	simm.s32 @!p0 $0x5000;
	s28 =	sshra.s32 @!p0 s24, $0x2;
	[sflag:s5] =	ssyncset.done @p0 $0x0  }
0x50: {  	s9 =	sadd.s32 @!p0 $0x400, s28;
	[sflag:s5] =	ssyncadd.s32 @p0 $0xFFFFF000;
	s5 =	simm.s32 @!p0 $0x80  }
0x51: {  	[tilespmem:s10], [sflag:$0x1] =	stream.indirect.gather @!p0 [hbm4b:s4+s5], $0x20, s9, s5, $0xb8;
	[tilespmem:$0x11E40] =	vst v63  }
0x52: {  	s9 =	simm.s32 @!p0 $0x2  }
0x53: {  	_ =	swait.ge @!p0 [sflag:s9], $0x1000  }
0x54: {  	[sflag:s9] =	ssyncset.done @!p0 $0x0  }
0x55: {  	s10 =	simm.s32 @!p0 $0x6000;
	[sflag:s9] =	ssyncadd.s32 @!p0 $0xFFFFF000;
	s9 =	sadd.s32 @!p0 $0x2880, s28  }
0x56: {  	[spmem:s2] =	stream.indirect.scatter.add.f32 @!p0 [tilespmem:s10], [sflag:$0xA], $0x20, s9, s5, $0xb8;
	[tilespmem:$0x11E40] =	vst v63  }
0x57: {  	s9 =	simm.s32 @!p0 $0xA  }
0x58: {  	_ =	swait.ge @!p0 [sflag:s9], $0x1000  }
0x59: {  	[sflag:s9] =	ssyncset.done @!p0 $0x0  }
0x5a: {  	[sflag:s9] =	ssyncadd.s32 @!p0 $0xFFFFF000;
	s9 =	sadd.s32 @!p0 $0x480, s28  }
0x5b: {  	[tilespmem:s10], [sflag:$0x2] =	stream.indirect.gather @!p0 [hbm4b:s4+s5], $0x20, s9, s5, $0xb8;
	[tilespmem:$0x11E40] =	vst v63  }
0x5c: {  	_ =	swait.ge [sflag:s1], $0x1000  }
0x5d: {  	[sflag:s1] =	ssyncset.done $0x0  }
0x5e: {  	s10 =	sadd.s32 $0x2900, s25;
	[sflag:s1] =	ssyncadd.s32 $0xFFFFF000  }
0x5f: {  	[spmem:s2] =	stream.indirect.scatter.add.f32 [tilespmem:s18], [sflag:$0xB], $0x20, s10, s14, $0xb8;
	[tilespmem:$0x11E40] =	vst v63  }
0x60: {  	_ =	swait.ge [sflag:s0], $0x1000  }
0x61: {  	[sflag:s0] =	ssyncset.done $0x0  }
0x62: {  	s9 =	simm.s32 @p0 $0x4;
	[sflag:s0] =	ssyncadd.s32 $0xFFFFF000  }
0x63: {  	_ =	swait.ge @p0 [sflag:s9], $0x1000  }
0x64: {  	[sflag:s9] =	ssyncset.done @p0 $0x0  }
0x65: {  	s10 =	simm.s32 @p0 $0x8000;
	[sflag:s9] =	ssyncadd.s32 @p0 $0xFFFFF000;
	s9 =	sadd.s32 @p0 $0x2980, s7  }
0x66: {  	[spmem:s2] =	stream.indirect.scatter.add.f32 @p0 [tilespmem:s10], [sflag:$0xC], $0x20, s9, s8, $0xb8;
	[tilespmem:$0x11E40] =	vst v63  }
0x67: {  	s9 =	simm.s32 @p0 $0xC  }
0x68: {  	_ =	swait.ge @p0 [sflag:s9], $0x1000  }
0x69: {  	[sflag:s9] =	ssyncset.done @p0 $0x0  }
0x6a: {  	s10 =	simm.s32 @!p0 $0x7000;
	[sflag:s9] =	ssyncadd.s32 @p0 $0xFFFFF000;
	s9 =	sadd.s32 @!p0 $0x500, s28  }
0x6b: {  	[tilespmem:s10], [sflag:$0x3] =	stream.indirect.gather @!p0 [hbm4b:s4+s5], $0x20, s9, s5, $0xb8;
	[tilespmem:$0x11E40] =	vst v63  }
0x6c: {  	s9 =	simm.s32 @!p0 $0x4  }
0x6d: {  	_ =	swait.ge @!p0 [sflag:s9], $0x1000  }
0x6e: {  	[sflag:s9] =	ssyncset.done @!p0 $0x0  }
0x6f: {  	s10 =	simm.s32 @!p0 $0x8000;
	[sflag:s9] =	ssyncadd.s32 @!p0 $0xFFFFF000;
	s9 =	sadd.s32 @!p0 $0x2980, s28  }
0x70: {  	[spmem:s2] =	stream.indirect.scatter.add.f32 @!p0 [tilespmem:s10], [sflag:$0xC], $0x20, s9, s5, $0xb8;
	[tilespmem:$0x11E40] =	vst v63  }
0x71: {  	s9 =	simm.s32 @!p0 $0xC  }
0x72: {  	_ =	swait.ge @!p0 [sflag:s9], $0x1000  }
0x73: {  	[sflag:s9] =	ssyncset.done @!p0 $0x0  }
0x74: {  	[sflag:s9] =	ssyncadd.s32 @!p0 $0xFFFFF000;
	s9 =	sadd.s32 @!p0 $0x580, s28  }
0x75: {  	[tilespmem:s10], [sflag:$0x4] =	stream.indirect.gather @!p0 [hbm4b:s4+s5], $0x20, s9, s5, $0xb8;
	[tilespmem:$0x11E40] =	vst v63  }
0x76: {  	_ =	swait.ge [sflag:s13], $0x1000  }
0x77: {  	[sflag:s13] =	ssyncset.done $0x0  }
0x78: {  	s10 =	sadd.s32 $0x2A00, s25;
	[sflag:s13] =	ssyncadd.s32 $0xFFFFF000  }
0x79: {  	[spmem:s2] =	stream.indirect.scatter.add.f32 [tilespmem:s22], [sflag:$0xD], $0x20, s10, s14, $0xb8;
	[tilespmem:$0x11E40] =	vst v63  }
0x7a: {  	_ =	swait.ge [sflag:s16], $0x1000  }
0x7b: {  	[sflag:s16] =	ssyncset.done $0x0  }
0x7c: {  	s9 =	simm.s32 @p0 $0x6;
	[sflag:s16] =	ssyncadd.s32 $0xFFFFF000  }
0x7d: {  	_ =	swait.ge @p0 [sflag:s9], $0x1000  }
0x7e: {  	[sflag:s9] =	ssyncset.done @p0 $0x0  }
0x7f: {  	s7 =	sadd.s32 @p0 $0x2A80, s7;
	[sflag:s9] =	ssyncadd.s32 @p0 $0xFFFFF000;
	s9 =	simm.s32 @p0 $0xA000  }
0x80: {  	[spmem:s2] =	stream.indirect.scatter.add.f32 @p0 [tilespmem:s9], [sflag:$0xE], $0x20, s7, s8, $0xb8;
	[tilespmem:$0x11E40] =	vst v63  }
0x81: {  	s7 =	simm.s32 @p0 $0xE  }
0x82: {  	_ =	swait.ge @p0 [sflag:s7], $0x1000  }
0x83: {  	[sflag:s7] =	ssyncset.done @p0 $0x0  }
0x84: {  	s8 =	simm.s32 @!p0 $0x9000;
	[sflag:s7] =	ssyncadd.s32 @p0 $0xFFFFF000;
	s7 =	sadd.s32 @!p0 $0x600, s28  }
0x85: {  	[tilespmem:s8], [sflag:$0x5] =	stream.indirect.gather @!p0 [hbm4b:s4+s5], $0x20, s7, s5, $0xb8;
	[tilespmem:$0x11E40] =	vst v63  }
0x86: {  	s7 =	simm.s32 @!p0 $0x6  }
0x87: {  	_ =	swait.ge @!p0 [sflag:s7], $0x1000  }
0x88: {  	[sflag:s7] =	ssyncset.done @!p0 $0x0  }
0x89: {  	s8 =	simm.s32 @!p0 $0xA000;
	[sflag:s7] =	ssyncadd.s32 @!p0 $0xFFFFF000;
	s7 =	sadd.s32 @!p0 $0x2A80, s28  }
0x8a: {  	[spmem:s2] =	stream.indirect.scatter.add.f32 @!p0 [tilespmem:s8], [sflag:$0xE], $0x20, s7, s5, $0xb8;
	[tilespmem:$0x11E40] =	vst v63  }
0x8b: {  	s7 =	simm.s32 @!p0 $0xE  }
0x8c: {  	_ =	swait.ge @!p0 [sflag:s7], $0x1000  }
0x8d: {  	[sflag:s7] =	ssyncset.done @!p0 $0x0  }
0x8e: {  	[sflag:s7] =	ssyncadd.s32 @!p0 $0xFFFFF000;
	s7 =	sadd.s32 @!p0 $0x680, s28  }
0x8f: {  	[tilespmem:s8], [sflag:$0x6] =	stream.indirect.gather @!p0 [hbm4b:s4+s5], $0x20, s7, s5, $0xb8;
	[tilespmem:$0x11E40] =	vst v63  }
0x90: {  	_ =	swait.ge [sflag:s17], $0x1000  }
0x91: {  	[sflag:s17] =	ssyncset.done $0x0  }
.Ltmp2:
0x92: {  	s28 =	sadd.s32 $0x2B00, s25;
	[sflag:s17] =	ssyncadd.s32 $0xFFFFF000;
	(pc) =	sbr.rel @p0 .LBB2_4-.Ltmp2, $4  }
0x93: {  	[spmem:s2] =	stream.indirect.scatter.add.f32 [tilespmem:s26], [sflag:$0xF], $0x20, s28, s14, $0xb8;
	[tilespmem:$0x11E40] =	vst v63  }
0x94: {  	_ =	swait.ge [sflag:s19], $0x1000  }
0x95: {  	[sflag:s19] =	ssyncset.done $0x0  }
0x96: {  	s5 =	sadd.s32 $0x2B80, s25;
	[sflag:s19] =	ssyncadd.s32 $0xFFFFF000  }
0x97: {  	s7 =	sadd.s32 $0x700, s25  }
0x98: {  	[tilespmem:s26], [sflag:$0x7] =	stream.indirect.gather [hbm4b:s4+s14], $0x20, s7, s14, $0xb8;
	[tilespmem:$0x11E40] =	vst v63  }
0x99: {  	_ =	swait.ge [sflag:s20], $0x1000  }
0x9a: {  	[sflag:s20] =	ssyncset.done $0x0  }
0x9b: {  	[sflag:s20] =	ssyncadd.s32 $0xFFFFF000  }
0x9c: {  	[spmem:s2] =	stream.indirect.scatter.add.f32 [tilespmem:s29], [sflag:$0x10], $0x20, s5, s14, $0xb8;
	[tilespmem:$0x11E40] =	vst v63  }
.Ltmp3:
0x9d: {  	_ = 	snop;
	(pc) =	sbr.rel .LBB2_2-.Ltmp3, $4  }
0x9e: {  	_ =	swait.ge [sflag:s21], $0x1000  }
0x9f: {  	[sflag:s21] =	ssyncset.done $0x0  }
0xa0: {  	s28 =	sadd.s32 $0x780, s25;
	s24 =	sadd.s32 $0x1000, s24;
	[sflag:s21] =	ssyncadd.s32 $0xFFFFF000  }
0xa1: {  	[tilespmem:s29], [sflag:$0x8] =	stream.indirect.gather [hbm4b:s4+s14], $0x20, s28, s14, $0xb8;
	[tilespmem:$0x11E40] =	vst v63  }
.LBB2_5:
0xa2: {  	_ =	sfence.sel $0x180000  }
0xa3: {  	[bflag:$0x0] =	sbarrier.arrive $0xFFFF  }
0xa4: {  	_ =	strace $0x9000004A  }
0xa5: {  	s0 =	stileid.u32;
	[bflag:$0x2] =	sbarrier.arrive $0xFFFF  }
0xa6: {  	p0 =	sne.s32 s0, $0x0;
	s0 =	rddreg [dreg:$0x2]  }
0xa7: {  	s0 =	sadd.s32 @!p0 $0x100000, s0  }
0xa8: {  	[sflag:s0] =	ssyncadd.tile.s32 @!p0 $0x1;
	_ =	shalt  }
.Lfunc_end2:
_tile_overlayer_lowered:
.L_overlay_start_2:
0xa9: {  	(tag) =	ssettag $0x2  }
0xaa: {  	s0 =	rddreg [dreg:$0x0];
	s2 =	stileid.u32  }
0xab: {  	s1 =	rddreg [dreg:$0x1];
	p0 =	sne.s32 s2, $0x0  }
0xac: {  	s3 =	rddreg [dreg:$0x2];
	[bflag:$0x3] =	sbarrier.arrive $0xFFFF;
	s2 =	simm.s32 @!p0 $0x1C11  }
0xad: {  	[timem:s3], [sflag:s2] =	dma.local @!p0 [hbm:s0], s1  }
0xae: {  	s0 =	simm.s32 @!p0 $0x11  }
0xaf: {  	_ =	swait.ge @!p0 [sflag:s0], s1  }
0xb0: {  	s1 =	ssub.s32 @!p0 $0x0, s1;
	[sflag:s0] =	ssyncset.done @!p0 $0x0  }
0xb1: {  	[sflag:s0] =	ssyncadd.s32 @!p0 s1  }
0xb2: {  	[bflag:$0x3] =	sbarrier.arrive $0xFFFF  }
0xb3: {  	_ =	shalt  }

// kernel: kernel.15.cloned.1.call-start
scs
__scs_entry_jumppad:
0x0: {  	(pc) =	sbr.rel $0x88, $3  }
0x1: {  	(tag) =	ssettag $0x0;
	lr =	simm.s32 $0x1  }
0x2: {  	[smem:$0x3F99] =	sst lr;
	_ =	strace $0xD0000000  }
0x3: {  	_ = 	snop  }
0x4: {  	_ = 	snop  }
0x5: {  	_ = 	snop  }
0x6: {  	_ = 	snop  }
0x7: {  	_ = 	snop  }
__scs_overlays_trampoline_lowered:
0x8: {  	[smem:$0x3FA8] =	sst s0  }
0x9: {  	[smem:$0x3FA9] =	sst s1  }
0xa: {  	[smem:$0x3FAA] =	sst s2  }
0xb: {  	[smem:$0x3FAB] =	sst s3  }
0xc: {  	[smem:$0x3FAC] =	sst s4  }
0xd: {  	[smem:$0x3FAD] =	sst s5  }
0xe: {  	[smem:$0x3FAE] =	sst s6  }
0xf: {  	[smem:$0x3FAF] =	sst s7  }
0x10: {  	[smem:$0x3FB0] =	sst s8  }
0x11: {  	[smem:$0x3FB1] =	sst s9;
	s0 =	simm.s32 @!p0 $0x0  }
0x12: {  	s1 =	sld [smem:$0x3F97];
	s0 =	simm.s32 @p0 $0x1  }
0x13: {  	[smem:$0x3FB2] =	sst s0;
	s0 =	simm.s32 @!p1 $0x0  }
0x14: {  	s2 =	sld [smem:$0x3F96];
	s0 =	simm.s32 @p1 $0x1  }
0x15: {  	[smem:$0x3FB3] =	sst s0;
	s0 =	simm.s32 @!p2 $0x0  }
0x16: {  	s3 =	sld [smem:$0x3FDB];
	s0 =	simm.s32 @p2 $0x1  }
0x17: {  	s4 =	simm.s32 $0x1BF5;
	[smem:$0x3FB5] =	sst s0  }
0x18: {  	s0 =	sld [smem:$0x3F98];
	_ =	swait.ge [sflag:s4], $0x0  }
0x19: {  	s7 =	sld [smem:$0x3F99]  }
0x1a: {  	s8 =	sadd.s32 $0xFFFFE003, lr  }
0x1b: {  	s9 =	sadd.s32 $0xFFFFFEF7, lr;
	s5 =	simm.s32 $0xFFFFFFFF;
	p2 =	slt.u32 s8, $0xFFFFF086  }
0x1c: {  	p1 =	slt.u32 s9, $0xF7A;
	s5 =	simm.s32 @!p2 $0x0  }
0x1d: {  	s5 =	simm.s32 @p1 $0x1;
	p0 =	seq.s32 s7, s2  }
0x1e: {  	s7 =	smul.u32 @!p0 $0xF7A, s2;
	p2 =	seq.s32 @!p0 s5, $0x0  }
0x1f: {  	s9 =	smul.u32 $0xF7A, s1;
	s8 =	simm.s32 @!p0 $0x1BF5;
	p2 =	por !p2, p0  }
0x20: {  	[sflag:s8] =	ssyncset.s32 @!p0 $0xFFFFF086;
	s6 =	sadd.s32 @!p0 s3, s7;
	s7 =	simm.s32 @!p0 $0x108  }
0x21: {  	s3 =	sadd.s32 s3, s9;
	s6 =	sadd.s32 @!p0 $0x88, s6;
	s7 =	simm.s32 @p2 $0x1082  }
0x22: {  	[simem:s7], [sflag:s8] =	dma.local @!p0 [hbm:s6], $0xF7A  }
0x23: {  	s9 =	sor.u32 $0xD0000000, s2;
	s6 =	simm.s32 $0x108;
	_ =	swait.ge @!p0 [sflag:s8], $0x0  }
0x24: {  	s3 =	sadd.s32 $0x88, s3;
	s6 =	simm.s32 @!p1 $0x1082;
	[sflag:s4] =	ssyncset.s32 $0xFFFFF086  }
0x25: {  	[simem:s6], [sflag:s4] =	dma.local [hbm:s3], $0xF7A  }
0x26: {  	[smem:$0x3F99] =	sst s1;
	(tag) =	ssettag s2;
	_ =	strace s9  }
0x27: {  	s1 =	sld [smem:$0x3FA9]  }
0x28: {  	s2 =	sld [smem:$0x3FAA]  }
0x29: {  	s4 =	sld [smem:$0x3FAC]  }
0x2a: {  	p0 =	seq.s32 s5, $0x0;
	s5 =	sld [smem:$0x3FAD]  }
0x2b: {  	s6 =	sld [smem:$0x3FAE]  }
0x2c: {  	s7 =	sld [smem:$0x3FAF]  }
0x2d: {  	s3 =	simm.s32 $0x108;
	s8 =	sld [smem:$0x3FB0]  }
0x2e: {  	s3 =	simm.s32 @!p0 $0x1082;
	s9 =	sld [smem:$0x3FB1]  }
0x2f: {  	lr =	sadd.s32 s0, s3;
	s0 =	sld [smem:$0x3FA8]  }
0x30: {  	s3 =	sld [smem:$0x3FAB]  }
0x31: {  	[smem:$0x3FB4] =	sst s10  }
0x32: {  	s10 =	sld [smem:$0x3FB2];
	_ =	sdelay $0x3  }
0x33: {  	p0 =	seq.s32 s10, $0x1;
	s10 =	sld [smem:$0x3FB4];
	_ =	sdelay $0x3  }
0x34: {  	[smem:$0x3FB4] =	sst s10  }
0x35: {  	s10 =	sld [smem:$0x3FB3];
	_ =	sdelay $0x3  }
0x36: {  	p1 =	seq.s32 s10, $0x1;
	s10 =	sld [smem:$0x3FB4];
	_ =	sdelay $0x3  }
0x37: {  	[smem:$0x3FB4] =	sst s10  }
0x38: {  	s10 =	sld [smem:$0x3FB5]  }
0x39: {  	_ = 	snop;
	(pc) =	sbr.ind lr, $3  }
0x3a: {  	_ = 	snop  }
0x3b: {  	_ = 	snop  }
0x3c: {  	p2 =	seq.s32 s10, $0x1;
	s10 =	sld [smem:$0x3FB4]  }
0x3d: {  	_ =	shalt  }
0x3e: {  	_ =	shalt  }
0x3f: {  	_ =	shalt  }
0x40: {  	_ =	shalt  }
0x41: {  	_ =	shalt  }
0x42: {  	_ =	shalt  }
0x43: {  	_ =	shalt  }
0x44: {  	_ =	shalt  }
0x45: {  	_ =	shalt  }
0x46: {  	_ =	shalt  }
0x47: {  	_ =	shalt  }
0x48: {  	_ =	shalt  }
0x49: {  	_ =	shalt  }
0x4a: {  	_ =	shalt  }
0x4b: {  	_ =	shalt  }
0x4c: {  	_ =	shalt  }
0x4d: {  	_ =	shalt  }
0x4e: {  	_ =	shalt  }
0x4f: {  	_ =	shalt  }
0x50: {  	_ =	shalt  }
0x51: {  	_ =	shalt  }
0x52: {  	_ =	shalt  }
0x53: {  	_ =	shalt  }
0x54: {  	_ =	shalt  }
0x55: {  	_ =	shalt  }
0x56: {  	_ =	shalt  }
0x57: {  	_ =	shalt  }
0x58: {  	_ =	shalt  }
0x59: {  	_ =	shalt  }
0x5a: {  	_ =	shalt  }
0x5b: {  	_ =	shalt  }
0x5c: {  	_ =	shalt  }
0x5d: {  	_ =	shalt  }
0x5e: {  	_ =	shalt  }
0x5f: {  	_ =	shalt  }
0x60: {  	_ =	shalt  }
0x61: {  	_ =	shalt  }
0x62: {  	_ =	shalt  }
0x63: {  	_ =	shalt  }
0x64: {  	_ =	shalt  }
0x65: {  	_ =	shalt  }
0x66: {  	_ =	shalt  }
0x67: {  	_ =	shalt  }
0x68: {  	_ =	shalt  }
0x69: {  	_ =	shalt  }
0x6a: {  	_ =	shalt  }
0x6b: {  	_ =	shalt  }
0x6c: {  	_ =	shalt  }
0x6d: {  	_ =	shalt  }
0x6e: {  	_ =	shalt  }
0x6f: {  	_ =	shalt  }
0x70: {  	_ =	shalt  }
0x71: {  	_ =	shalt  }
0x72: {  	_ =	shalt  }
0x73: {  	_ =	shalt  }
0x74: {  	_ =	shalt  }
0x75: {  	_ =	shalt  }
0x76: {  	_ =	shalt  }
0x77: {  	_ =	shalt  }
0x78: {  	_ =	shalt  }
0x79: {  	_ =	shalt  }
0x7a: {  	_ =	shalt  }
0x7b: {  	_ =	shalt  }
0x7c: {  	_ =	shalt  }
0x7d: {  	_ =	shalt  }
0x7e: {  	_ =	shalt  }
0x7f: {  	_ =	shalt  }
0x80: {  	_ =	shalt  }
0x81: {  	_ =	shalt  }
0x82: {  	_ =	shalt  }
0x83: {  	_ =	shalt  }
0x84: {  	_ =	shalt  }
0x85: {  	_ =	shalt  }
0x86: {  	_ =	shalt  }
0x87: {  	_ =	shalt  }
.Lfunc_end0:
.L_simem_size_0:
called_computation.2_lowered:
.L_overlay_start_0:
0x88: {  	s2 =	sld [smem:$0x3FD9]  }
0x89: {  	s3 =	sld [smem:$0x3FFE];
	_ =	sdelay $0x1  }
0x8a: {  	s1 =	srdreg.scid  }
0x8b: {  	s0 =	sand.u32 $0x1, s1  }
0x8c: {  	s16 =	sshll.u32 s0, $0xA;
	s2 =	sadd.s32 s3, s2  }
0x8d: {  	s2 =	sadd.s32 s2, s16  }
0x8e: {  	[smem:$0x3FC0] =	sst s2  }
0x8f: {  	_ = 	snop  }
0x90: {  	(tm) =	ssettm $0x1  }
0x91: {  	s17 =	sld [smem:$0x3FFB];
	_ =	sdelay $0x3  }
0x92: {  	_ =	strace s17  }
0x93: {  	s2 =	sld [smem:$0x3FFC];
	_ =	sdelay $0x3  }
0x94: {  	_ =	strace s2  }
0x95: {  	s2 =	sld [smem:$0x3FFD];
	_ =	sdelay $0x3  }
0x96: {  	_ =	strace s2  }
0x97: {  	_ =	strace $0x8FFFFFFF  }
0x98: {  	s18 =	sld [smem:$0x3FDB];
	_ =	sdelay $0x1  }
0x99: {  	s19 =	simm.s32 $_scs_section_size  }
0x9a: {  	s4 =	simm.s32 $_size__tile_overlayer_lowered;
	s5 =	simm.s32 $_tile_overlayer_lowered  }
0x9b: {  	s22 =	simm.s32 $0x1BFF;
	s21 =	sshll.u32 s5, $0x1;
	s2 =	sadd.s32 s19, s18  }
0x9c: {  	s6 =	simm.s32 $0x0;
	s20 =	sshll.u32 s4, $0x1;
	s4 =	sadd.s32 s21, s2  }
0x9d: {  	[timem:s6], [sflag:s22] =	dma.local [hbm:s4], s20  }
0x9e: {  	_ =	swait.ge [sflag:s22], s20  }
0x9f: {  	s3 =	ssub.s32 $0x0, s20;
	[sflag:s22] =	ssyncset.done $0x0  }
0xa0: {  	[sflag:s22] =	ssyncadd.s32 s3;
	_ =	sdelay $0x1  }
0xa1: {  	s23 =	simm.s32 $0x1B8B  }
0xa2: {  	_ =	swait.ge [sflag:s23], $0x1  }
0xa3: {  	[sflag:s23] =	ssyncset.done $0x0  }
0xa4: {  	s25 =	simm.s32 $0x1B8E;
	s24 =	sld [smem:$0x3FFE];
	[sflag:s23] =	ssyncadd.s32 $0xFFFFFFFF  }
0xa5: {  	s26 =	simm.s32 $execute0_lowered;
	[smem:$0x3FD2] =	sst s25  }
0xa6: {  	s4 =	sshll.u32 s26, $0x1;
	_ =	strace $0x8000004C;
	[dreg:$0x1] =	wrdreg $0xFFFFFFFF  }
0xa7: {  	s28 =	simm.s32 $_size_execute0_lowered;
	s2 =	sadd.s32 s2, s4;
	[dreg:$0x0] =	wrdreg $0x0  }
0xa8: {  	s4 =	sshll.u32 s28, $0x1;
	[dreg:$0x2] =	wrdreg s2  }
0xa9: {  	[dreg:$0x3] =	wrdreg s4  }
0xaa: {  	[dreg:$0x4] =	wrdreg $0xC0  }
0xab: {  	_ =	task [dreg:s6], $0x5FFFF  }
0xac: {  	[dreg:$0x1] =	wrdreg $0xFFFFFFFF  }
0xad: {  	[dreg:$0x0] =	wrdreg $0x60  }
0xae: {  	[dreg:$0x2] =	wrdreg s24  }
0xaf: {  	[dreg:$0x3] =	wrdreg $0x70000  }
0xb0: {  	[dreg:$0x4] =	wrdreg $0x9  }
0xb1: {  	_ =	task.clear_ibuf [dreg:s6], $0x5FFFF;
	_ =	strace $0x9000004C  }
0xb2: {  	s29 =	simm.s32 $0x9;
	_ =	strace $0x8000004E  }
0xb3: {  	_ =	swait.ge [sflag:s29], $0x1  }
0xb4: {  	[sflag:s29] =	ssyncadd.s32 $0xFFFFFFFF  }
0xb5: {  	_ =	strace $0x9000004E  }
0xb6: {  	_ =	sfence  }
0xb7: {  	s30 =	sld [smem:$0x0];
	_ =	sdelay $0x2  }
0xb8: {  	s31 =	sshll.u32 s1, $0xD;
	s1 =	sshrl.u32 s1, $0x2  }
0xb9: {  	s3 =	sand.u32 $0x4000, s31;
	s1 =	sadd.s32 s1, s30  }
0xba: {  	s0 =	sor.u32 s3, s0;
	s1 =	sshll.u32 s1, $0x11  }
0xbb: {  	s0 =	sor.u32 s1, s0  }
0xbc: {  	s0 =	sadd.s32 $0x8F2B, s0  }
0xbd: {  	[sflag:s0] =	ssyncadd.remote.s32 $0x1  }
0xbe: {  	_ =	sfence.sel $0xFFFF  }
0xbf: {  	[dreg:$0x0] =	wrdreg $0xFFFFFFFF;
	(pc) =	sbr.abs _section_cstart, $3  }
0xc0: {  	[dreg:$0x1] =	wrdreg $0xFFFFFFFF  }
0xc1: {  	_ =	task.clear_ibuf [dreg:s6], $0x2FFFF;
	_ =	strace $0x9FFFFFFF  }
0xc2: {  	(tm) =	ssettm $0x7FFFFFFF  }
0xc3: {  	_ =	shalt  }
tec
execute0_lowered:
.L_overlay_start_1:
0x0: {  	(tag) =	ssettag $0x1  }
0x1: {  	s0 =	rddreg [dreg:$0x0]  }
0x2: {  	s1 =	rddreg [dreg:$0x1]  }
0x3: {  	s2 =	srdreg.scid;
	s3 =	simm.s32 $0x0;
	s10 =	stileid.u32  }
0x4: {  	s12 =	simm.s32 $0x11;
	s14 =	simm.s32 $0x80;
	s15 =	simm.s32 $0x5000  }
0x5: {  	s18 =	simm.s32 $0x5800;
	s29 =	simm.s32 $0x6C00;
	s30 =	simm.s32 $0x1  }
0x6: {  	s31 =	simm.s32 $0x9;
	s13 =	simm.s32 $0x5;
	s16 =	simm.s32 $0xD  }
0x7: {  	s17 =	simm.s32 $0x7;
	s19 =	simm.s32 $0xF;
	s20 =	simm.s32 $0x8  }
0x8: {  	s2 =	sand.u32 $0x1, s2;
	[smem:$0x7FF] =	sst s3;
	s5 =	smul.u32 $0x1390, s10  }
0x9: {  	s8 =	smul.u32 $0x272, s10;
	s24 =	sshll.u32 s10, $0x6;
	s4 =	sshll.u32 s2, $0x4  }
0xa: {  	_ =	strace $0x8000004D;
	s22 =	ssub.s32 $0x2, s2;
	s2 =	smul.u32 $0x2720, s2  }
0xb: {  	s4 =	sor.u32 s10, s4;
	s7 =	sshrl.u32 s5, $0x3;
	s23 =	sshrl.u32 s22, $0x1  }
0xc: {  	s5 =	sadd.s32 s5, s1;
	s6 =	smul.u32 $0x500, s4;
	s4 =	sadd.s32 $0xBA00, s0  }
0xd: {  	s21 =	sadd.s32 s7, s0;
	s7 =	ssub.s32 s22, s23;
	s11 =	sshrl.u32 s5, $0x3  }
0xe: {  	s22 =	simm.s32 $0x6000;
	s23 =	simm.s32 $0x0;
	s28 =	smax.u32 s7, $0x1  }
0xf: {  	s9 =	sadd.s32 s6, s0;
	s0 =	sadd.s32 s8, s0;
	s6 =	sadd.s32 $0xE200, s21  }
.Ltmp0:
0x10: {  	[dreg:$0x7] =	wrdreg s28;
	s21 =	simm.s32 $0x10;
	(pc) =	sbr.rel .LBB2_1-.Ltmp0, $4  }
0x11: {  	[dreg:$0x3] =	wrdreg s6;
	s6 =	sor.u32 $0x1C11, s24;
	s25 =	sadd.s32 $0x15800, s9  }
0x12: {  	s0 =	sadd.s32 s2, s0;
	s26 =	sadd.s32 $0x1A00, s9;
	[dreg:$0x4] =	wrdreg s25  }
0x13: {  	s2 =	simm.s32 $0xB;
	[dreg:$0x5] =	wrdreg s26;
	s0 =	sadd.s32 $0x1F800, s0  }
0x14: {  	s26 =	simm.s32 $0x6800;
	[dreg:$0x6] =	wrdreg s0;
	s0 =	simm.s32 $0x3  }
.LBB2_4:
0x15: {  	_ =	swait.ge [sflag:s20], $0x400  }
0x16: {  	[sflag:s20] =	ssyncset.done $0x0  }
0x17: {  	[sflag:s20] =	ssyncadd.s32 $0xFFFFFC00  }
0x18: {  	[spmem:s1] =	stream.indirect.scatter.add.f32 [tilespmem:s29], [sflag:$0x10], $0x8, s5, s14, $0xb8;
	[tilespmem:$0x8390] =	vst v63  }
0x19: {  	_ =	swait.ge [sflag:s21], $0x400  }
0x1a: {  	[sflag:s21] =	ssyncset.done $0x0  }
0x1b: {  	[sflag:s21] =	ssyncadd.s32 $0xFFFFFC00  }
0x1c: {  	[bflag:$0x0] =	sbarrier.arrive $0xFFFF  }
0x1d: {  	s25 =	rddreg [dreg:$0x6]  }
0x1e: {  	[hbm:s25], [sflag:s6] =	dma.local [spmem:s11], $0x272  }
0x1f: {  	_ =	swait.ge [sflag:s12], $0x272  }
0x20: {  	s23 =	sadd.s32 $0x1, s23;
	s28 =	rddreg [dreg:$0x7]  }
0x21: {  	p0 =	sne.s32 s23, s28  }
.Ltmp1:
0x22: {  	_ = 	snop;
	(pc) =	sbr.rel @!p0 .LBB2_5-.Ltmp1, $3  }
0x23: {  	_ =	sdelay $0x1  }
0x24: {  	[sflag:s12] =	ssyncset.done $0x0  }
0x25: {  	[sflag:s12] =	ssyncadd.s32 $0xFFFFFD8E  }
.LBB2_1:
0x26: {  	s5 =	rddreg [dreg:$0x3]  }
0x27: {  	[spmem:s11], [sflag:s6] =	dma.local [hbm:s5], $0x272  }
0x28: {  	_ =	swait.ge [sflag:s12], $0x272  }
0x29: {  	[sflag:s12] =	ssyncset.done $0x0  }
0x2a: {  	s10 =	rddreg [dreg:$0x4];
	[sflag:s12] =	ssyncadd.s32 $0xFFFFFD8E  }
0x2b: {  	[tilespmem:s3], [sflag:$0x11] =	stream.linear.gather [hbm4b:s10+s3], $0x2800, $0x38;
	[tilespmem:$0x8390] =	vst v63  }
0x2c: {  	_ =	swait.ge [sflag:s12], $0x2800  }
0x2d: {  	[sflag:s12] =	ssyncset.done $0x0  }
0x2e: {  	s7 =	simm.s32 $0x2800;
	s24 =	rddreg [dreg:$0x5];
	[sflag:s12] =	ssyncadd.s32 $0xFFFFD800  }
0x2f: {  	[tilespmem:s7], [sflag:$0x11] =	stream.linear.gather [hbm4b:s24+s3], $0x2800, $0x38;
	[tilespmem:$0x8390] =	vst v63  }
0x30: {  	_ =	swait.ge [sflag:s12], $0x2800  }
0x31: {  	[sflag:s12] =	ssyncset.done $0x0  }
0x32: {  	[sflag:s12] =	ssyncadd.s32 $0xFFFFD800  }
0x33: {  	[bflag:$0x0] =	sbarrier.arrive $0xFFFF  }
0x34: {  	[tilespmem:s15], [sflag:$0x1] =	stream.indirect.gather [hbm4b:s4+s14], $0x8, s3, s14, $0xb8;
	[tilespmem:$0x8390] =	vst v63  }
0x35: {  	s25 =	simm.s32 $0x5400  }
0x36: {  	[tilespmem:s25], [sflag:$0x2] =	stream.indirect.gather [hbm4b:s4+s14], $0x8, s14, s14, $0xb8;
	[tilespmem:$0x8390] =	vst v63  }
0x37: {  	s28 =	simm.s32 $0x100  }
0x38: {  	[tilespmem:s18], [sflag:$0x3] =	stream.indirect.gather [hbm4b:s4+s14], $0x8, s28, s14, $0xb8;
	[tilespmem:$0x8390] =	vst v63  }
0x39: {  	s8 =	simm.s32 $0x5C00;
	s7 =	simm.s32 $0x180  }
0x3a: {  	[tilespmem:s8], [sflag:$0x4] =	stream.indirect.gather [hbm4b:s4+s14], $0x8, s7, s14, $0xb8;
	[tilespmem:$0x8390] =	vst v63  }
0x3b: {  	s9 =	simm.s32 $0x200  }
0x3c: {  	[tilespmem:s22], [sflag:$0x5] =	stream.indirect.gather [hbm4b:s4+s14], $0x8, s9, s14, $0xb8;
	[tilespmem:$0x8390] =	vst v63  }
0x3d: {  	s10 =	simm.s32 $0x280;
	s24 =	simm.s32 $0x6400  }
0x3e: {  	[tilespmem:s24], [sflag:$0x6] =	stream.indirect.gather [hbm4b:s4+s14], $0x8, s10, s14, $0xb8;
	[tilespmem:$0x8390] =	vst v63  }
0x3f: {  	s25 =	simm.s32 $0x300  }
0x40: {  	[tilespmem:s26], [sflag:$0x7] =	stream.indirect.gather [hbm4b:s4+s14], $0x8, s25, s14, $0xb8;
	[tilespmem:$0x8390] =	vst v63  }
0x41: {  	s28 =	simm.s32 $0x380;
	s24 =	simm.s32 $0x0  }
0x42: {  	[tilespmem:s29], [sflag:$0x8] =	stream.indirect.gather [hbm4b:s4+s14], $0x8, s28, s14, $0xb8;
	[tilespmem:$0x8390] =	vst v63  }
.LBB2_2:
0x43: {  	_ =	swait.ge [sflag:s30], $0x400  }
0x44: {  	s25 =	sshra.s32 s24, $0x2;
	[sflag:s30] =	ssyncset.done $0x0  }
0x45: {  	s5 =	sadd.s32 $0x2800, s25;
	[sflag:s30] =	ssyncadd.s32 $0xFFFFFC00  }
0x46: {  	[spmem:s1] =	stream.indirect.scatter.add.f32 [tilespmem:s15], [sflag:$0x9], $0x8, s5, s14, $0xb8;
	[tilespmem:$0x8390] =	vst v63  }
0x47: {  	_ =	swait.ge [sflag:s31], $0x400  }
0x48: {  	p0 =	seq.s32 s24, $0x9000;
	[sflag:s31] =	ssyncset.done $0x0  }
0x49: {  	s5 =	simm.s32 @p0 $0x2;
	[sflag:s31] =	ssyncadd.s32 $0xFFFFFC00  }
0x4a: {  	_ =	swait.ge @p0 [sflag:s5], $0x400  }
0x4b: {  	s7 =	sshra.s32 @p0 s24, $0x2;
	s8 =	simm.s32 @p0 $0x80;
	[sflag:s5] =	ssyncset.done @p0 $0x0  }
0x4c: {  	s28 =	simm.s32 @p0 $0x5400;
	[sflag:s5] =	ssyncadd.s32 @p0 $0xFFFFFC00;
	s5 =	sadd.s32 @p0 $0x2880, s7  }
0x4d: {  	[spmem:s1] =	stream.indirect.scatter.add.f32 @p0 [tilespmem:s28], [sflag:$0xA], $0x8, s5, s8, $0xb8;
	[tilespmem:$0x8390] =	vst v63  }
0x4e: {  	s5 =	simm.s32 @p0 $0xA  }
0x4f: {  	_ =	swait.ge @p0 [sflag:s5], $0x400  }
0x50: {  	s10 =	simm.s32 @!p0 $0x5000;
	s28 =	sshra.s32 @!p0 s24, $0x2;
	[sflag:s5] =	ssyncset.done @p0 $0x0  }
0x51: {  	s9 =	sadd.s32 @!p0 $0x400, s28;
	[sflag:s5] =	ssyncadd.s32 @p0 $0xFFFFFC00;
	s5 =	simm.s32 @!p0 $0x80  }
0x52: {  	[tilespmem:s10], [sflag:$0x1] =	stream.indirect.gather @!p0 [hbm4b:s4+s5], $0x8, s9, s5, $0xb8;
	[tilespmem:$0x8390] =	vst v63  }
0x53: {  	s9 =	simm.s32 @!p0 $0x2  }
0x54: {  	_ =	swait.ge @!p0 [sflag:s9], $0x400  }
0x55: {  	[sflag:s9] =	ssyncset.done @!p0 $0x0  }
0x56: {  	s10 =	simm.s32 @!p0 $0x5400;
	[sflag:s9] =	ssyncadd.s32 @!p0 $0xFFFFFC00;
	s9 =	sadd.s32 @!p0 $0x2880, s28  }
0x57: {  	[spmem:s1] =	stream.indirect.scatter.add.f32 @!p0 [tilespmem:s10], [sflag:$0xA], $0x8, s9, s5, $0xb8;
	[tilespmem:$0x8390] =	vst v63  }
0x58: {  	s9 =	simm.s32 @!p0 $0xA  }
0x59: {  	_ =	swait.ge @!p0 [sflag:s9], $0x400  }
0x5a: {  	[sflag:s9] =	ssyncset.done @!p0 $0x0  }
0x5b: {  	[sflag:s9] =	ssyncadd.s32 @!p0 $0xFFFFFC00;
	s9 =	sadd.s32 @!p0 $0x480, s28  }
0x5c: {  	[tilespmem:s10], [sflag:$0x2] =	stream.indirect.gather @!p0 [hbm4b:s4+s5], $0x8, s9, s5, $0xb8;
	[tilespmem:$0x8390] =	vst v63  }
0x5d: {  	_ =	swait.ge [sflag:s0], $0x400  }
0x5e: {  	[sflag:s0] =	ssyncset.done $0x0  }
0x5f: {  	s10 =	sadd.s32 $0x2900, s25;
	[sflag:s0] =	ssyncadd.s32 $0xFFFFFC00  }
0x60: {  	[spmem:s1] =	stream.indirect.scatter.add.f32 [tilespmem:s18], [sflag:$0xB], $0x8, s10, s14, $0xb8;
	[tilespmem:$0x8390] =	vst v63  }
0x61: {  	_ =	swait.ge [sflag:s2], $0x400  }
0x62: {  	[sflag:s2] =	ssyncset.done $0x0  }
0x63: {  	s9 =	simm.s32 @p0 $0x4;
	[sflag:s2] =	ssyncadd.s32 $0xFFFFFC00  }
0x64: {  	_ =	swait.ge @p0 [sflag:s9], $0x400  }
0x65: {  	[sflag:s9] =	ssyncset.done @p0 $0x0  }
0x66: {  	s10 =	simm.s32 @p0 $0x5C00;
	[sflag:s9] =	ssyncadd.s32 @p0 $0xFFFFFC00;
	s9 =	sadd.s32 @p0 $0x2980, s7  }
0x67: {  	[spmem:s1] =	stream.indirect.scatter.add.f32 @p0 [tilespmem:s10], [sflag:$0xC], $0x8, s9, s8, $0xb8;
	[tilespmem:$0x8390] =	vst v63  }
0x68: {  	s9 =	simm.s32 @p0 $0xC  }
0x69: {  	_ =	swait.ge @p0 [sflag:s9], $0x400  }
0x6a: {  	[sflag:s9] =	ssyncset.done @p0 $0x0  }
0x6b: {  	s10 =	simm.s32 @!p0 $0x5800;
	[sflag:s9] =	ssyncadd.s32 @p0 $0xFFFFFC00;
	s9 =	sadd.s32 @!p0 $0x500, s28  }
0x6c: {  	[tilespmem:s10], [sflag:$0x3] =	stream.indirect.gather @!p0 [hbm4b:s4+s5], $0x8, s9, s5, $0xb8;
	[tilespmem:$0x8390] =	vst v63  }
0x6d: {  	s9 =	simm.s32 @!p0 $0x4  }
0x6e: {  	_ =	swait.ge @!p0 [sflag:s9], $0x400  }
0x6f: {  	[sflag:s9] =	ssyncset.done @!p0 $0x0  }
0x70: {  	s10 =	simm.s32 @!p0 $0x5C00;
	[sflag:s9] =	ssyncadd.s32 @!p0 $0xFFFFFC00;
	s9 =	sadd.s32 @!p0 $0x2980, s28  }
0x71: {  	[spmem:s1] =	stream.indirect.scatter.add.f32 @!p0 [tilespmem:s10], [sflag:$0xC], $0x8, s9, s5, $0xb8;
	[tilespmem:$0x8390] =	vst v63  }
0x72: {  	s9 =	simm.s32 @!p0 $0xC  }
0x73: {  	_ =	swait.ge @!p0 [sflag:s9], $0x400  }
0x74: {  	[sflag:s9] =	ssyncset.done @!p0 $0x0  }
0x75: {  	[sflag:s9] =	ssyncadd.s32 @!p0 $0xFFFFFC00;
	s9 =	sadd.s32 @!p0 $0x580, s28  }
0x76: {  	[tilespmem:s10], [sflag:$0x4] =	stream.indirect.gather @!p0 [hbm4b:s4+s5], $0x8, s9, s5, $0xb8;
	[tilespmem:$0x8390] =	vst v63  }
0x77: {  	_ =	swait.ge [sflag:s13], $0x400  }
0x78: {  	[sflag:s13] =	ssyncset.done $0x0  }
0x79: {  	s10 =	sadd.s32 $0x2A00, s25;
	[sflag:s13] =	ssyncadd.s32 $0xFFFFFC00  }
0x7a: {  	[spmem:s1] =	stream.indirect.scatter.add.f32 [tilespmem:s22], [sflag:$0xD], $0x8, s10, s14, $0xb8;
	[tilespmem:$0x8390] =	vst v63  }
0x7b: {  	_ =	swait.ge [sflag:s16], $0x400  }
0x7c: {  	[sflag:s16] =	ssyncset.done $0x0  }
0x7d: {  	s9 =	simm.s32 @p0 $0x6;
	[sflag:s16] =	ssyncadd.s32 $0xFFFFFC00  }
0x7e: {  	_ =	swait.ge @p0 [sflag:s9], $0x400  }
0x7f: {  	[sflag:s9] =	ssyncset.done @p0 $0x0  }
0x80: {  	s7 =	sadd.s32 @p0 $0x2A80, s7;
	[sflag:s9] =	ssyncadd.s32 @p0 $0xFFFFFC00;
	s9 =	simm.s32 @p0 $0x6400  }
0x81: {  	[spmem:s1] =	stream.indirect.scatter.add.f32 @p0 [tilespmem:s9], [sflag:$0xE], $0x8, s7, s8, $0xb8;
	[tilespmem:$0x8390] =	vst v63  }
0x82: {  	s7 =	simm.s32 @p0 $0xE  }
0x83: {  	_ =	swait.ge @p0 [sflag:s7], $0x400  }
0x84: {  	[sflag:s7] =	ssyncset.done @p0 $0x0  }
0x85: {  	s8 =	simm.s32 @!p0 $0x6000;
	[sflag:s7] =	ssyncadd.s32 @p0 $0xFFFFFC00;
	s7 =	sadd.s32 @!p0 $0x600, s28  }
0x86: {  	[tilespmem:s8], [sflag:$0x5] =	stream.indirect.gather @!p0 [hbm4b:s4+s5], $0x8, s7, s5, $0xb8;
	[tilespmem:$0x8390] =	vst v63  }
0x87: {  	s7 =	simm.s32 @!p0 $0x6  }
0x88: {  	_ =	swait.ge @!p0 [sflag:s7], $0x400  }
0x89: {  	[sflag:s7] =	ssyncset.done @!p0 $0x0  }
0x8a: {  	s8 =	simm.s32 @!p0 $0x6400;
	[sflag:s7] =	ssyncadd.s32 @!p0 $0xFFFFFC00;
	s7 =	sadd.s32 @!p0 $0x2A80, s28  }
0x8b: {  	[spmem:s1] =	stream.indirect.scatter.add.f32 @!p0 [tilespmem:s8], [sflag:$0xE], $0x8, s7, s5, $0xb8;
	[tilespmem:$0x8390] =	vst v63  }
0x8c: {  	s7 =	simm.s32 @!p0 $0xE  }
0x8d: {  	_ =	swait.ge @!p0 [sflag:s7], $0x400  }
0x8e: {  	[sflag:s7] =	ssyncset.done @!p0 $0x0  }
0x8f: {  	[sflag:s7] =	ssyncadd.s32 @!p0 $0xFFFFFC00;
	s7 =	sadd.s32 @!p0 $0x680, s28  }
0x90: {  	[tilespmem:s8], [sflag:$0x6] =	stream.indirect.gather @!p0 [hbm4b:s4+s5], $0x8, s7, s5, $0xb8;
	[tilespmem:$0x8390] =	vst v63  }
0x91: {  	_ =	swait.ge [sflag:s17], $0x400  }
0x92: {  	[sflag:s17] =	ssyncset.done $0x0  }
.Ltmp2:
0x93: {  	s28 =	sadd.s32 $0x2B00, s25;
	[sflag:s17] =	ssyncadd.s32 $0xFFFFFC00;
	(pc) =	sbr.rel @p0 .LBB2_4-.Ltmp2, $4  }
0x94: {  	[spmem:s1] =	stream.indirect.scatter.add.f32 [tilespmem:s26], [sflag:$0xF], $0x8, s28, s14, $0xb8;
	[tilespmem:$0x8390] =	vst v63  }
0x95: {  	_ =	swait.ge [sflag:s19], $0x400  }
0x96: {  	[sflag:s19] =	ssyncset.done $0x0  }
0x97: {  	s5 =	sadd.s32 $0x2B80, s25;
	[sflag:s19] =	ssyncadd.s32 $0xFFFFFC00  }
0x98: {  	s7 =	sadd.s32 $0x700, s25  }
0x99: {  	[tilespmem:s26], [sflag:$0x7] =	stream.indirect.gather [hbm4b:s4+s14], $0x8, s7, s14, $0xb8;
	[tilespmem:$0x8390] =	vst v63  }
0x9a: {  	_ =	swait.ge [sflag:s20], $0x400  }
0x9b: {  	[sflag:s20] =	ssyncset.done $0x0  }
0x9c: {  	[sflag:s20] =	ssyncadd.s32 $0xFFFFFC00  }
0x9d: {  	[spmem:s1] =	stream.indirect.scatter.add.f32 [tilespmem:s29], [sflag:$0x10], $0x8, s5, s14, $0xb8;
	[tilespmem:$0x8390] =	vst v63  }
.Ltmp3:
0x9e: {  	_ = 	snop;
	(pc) =	sbr.rel .LBB2_2-.Ltmp3, $4  }
0x9f: {  	_ =	swait.ge [sflag:s21], $0x400  }
0xa0: {  	[sflag:s21] =	ssyncset.done $0x0  }
0xa1: {  	s28 =	sadd.s32 $0x780, s25;
	s24 =	sadd.s32 $0x1000, s24;
	[sflag:s21] =	ssyncadd.s32 $0xFFFFFC00  }
0xa2: {  	[tilespmem:s29], [sflag:$0x8] =	stream.indirect.gather [hbm4b:s4+s14], $0x8, s28, s14, $0xb8;
	[tilespmem:$0x8390] =	vst v63  }
.LBB2_5:
0xa3: {  	_ =	sfence.sel $0x180000  }
0xa4: {  	[bflag:$0x0] =	sbarrier.arrive $0xFFFF  }
0xa5: {  	_ =	strace $0x9000004D  }
0xa6: {  	s0 =	stileid.u32;
	[bflag:$0x2] =	sbarrier.arrive $0xFFFF  }
0xa7: {  	p0 =	sne.s32 s0, $0x0;
	s0 =	rddreg [dreg:$0x2]  }
0xa8: {  	s0 =	sadd.s32 @!p0 $0x100000, s0  }
0xa9: {  	[sflag:s0] =	ssyncadd.tile.s32 @!p0 $0x1;
	_ =	shalt  }
.Lfunc_end2:
_tile_overlayer_lowered:
.L_overlay_start_2:
0xaa: {  	(tag) =	ssettag $0x2  }
0xab: {  	s0 =	rddreg [dreg:$0x0];
	s2 =	stileid.u32  }
0xac: {  	s1 =	rddreg [dreg:$0x1];
	p0 =	sne.s32 s2, $0x0  }
0xad: {  	s3 =	rddreg [dreg:$0x2];
	[bflag:$0x3] =	sbarrier.arrive $0xFFFF;
	s2 =	simm.s32 @!p0 $0x1C11  }
0xae: {  	[timem:s3], [sflag:s2] =	dma.local @!p0 [hbm:s0], s1  }
0xaf: {  	s0 =	simm.s32 @!p0 $0x11  }
0xb0: {  	_ =	swait.ge @!p0 [sflag:s0], s1  }
0xb1: {  	s1 =	ssub.s32 @!p0 $0x0, s1;
	[sflag:s0] =	ssyncset.done @!p0 $0x0  }
0xb2: {  	[sflag:s0] =	ssyncadd.s32 @!p0 s1  }
0xb3: {  	[bflag:$0x3] =	sbarrier.arrive $0xFFFF  }
0xb4: {  	_ =	shalt  }

// kernel: kernel.9.cloned.1.call-start
scs
__scs_entry_jumppad:
0x0: {  	(pc) =	sbr.rel $0x88, $3  }
0x1: {  	(tag) =	ssettag $0x0;
	lr =	simm.s32 $0x1  }
0x2: {  	[smem:$0x3F99] =	sst lr;
	_ =	strace $0xD0000000  }
0x3: {  	_ = 	snop  }
0x4: {  	_ = 	snop  }
0x5: {  	_ = 	snop  }
0x6: {  	_ = 	snop  }
0x7: {  	_ = 	snop  }
__scs_overlays_trampoline_lowered:
0x8: {  	[smem:$0x3FA8] =	sst s0  }
0x9: {  	[smem:$0x3FA9] =	sst s1  }
0xa: {  	[smem:$0x3FAA] =	sst s2  }
0xb: {  	[smem:$0x3FAB] =	sst s3  }
0xc: {  	[smem:$0x3FAC] =	sst s4  }
0xd: {  	[smem:$0x3FAD] =	sst s5  }
0xe: {  	[smem:$0x3FAE] =	sst s6  }
0xf: {  	[smem:$0x3FAF] =	sst s7  }
0x10: {  	[smem:$0x3FB0] =	sst s8  }
0x11: {  	[smem:$0x3FB1] =	sst s9;
	s0 =	simm.s32 @!p0 $0x0  }
0x12: {  	s1 =	sld [smem:$0x3F97];
	s0 =	simm.s32 @p0 $0x1  }
0x13: {  	[smem:$0x3FB2] =	sst s0;
	s0 =	simm.s32 @!p1 $0x0  }
0x14: {  	s2 =	sld [smem:$0x3F96];
	s0 =	simm.s32 @p1 $0x1  }
0x15: {  	[smem:$0x3FB3] =	sst s0;
	s0 =	simm.s32 @!p2 $0x0  }
0x16: {  	s3 =	sld [smem:$0x3FDB];
	s0 =	simm.s32 @p2 $0x1  }
0x17: {  	s4 =	simm.s32 $0x1BF5;
	[smem:$0x3FB5] =	sst s0  }
0x18: {  	s0 =	sld [smem:$0x3F98];
	_ =	swait.ge [sflag:s4], $0x0  }
0x19: {  	s7 =	sld [smem:$0x3F99]  }
0x1a: {  	s8 =	sadd.s32 $0xFFFFE003, lr  }
0x1b: {  	s9 =	sadd.s32 $0xFFFFFEF7, lr;
	s5 =	simm.s32 $0xFFFFFFFF;
	p2 =	slt.u32 s8, $0xFFFFF086  }
0x1c: {  	p1 =	slt.u32 s9, $0xF7A;
	s5 =	simm.s32 @!p2 $0x0  }
0x1d: {  	s5 =	simm.s32 @p1 $0x1;
	p0 =	seq.s32 s7, s2  }
0x1e: {  	s7 =	smul.u32 @!p0 $0xF7A, s2;
	p2 =	seq.s32 @!p0 s5, $0x0  }
0x1f: {  	s9 =	smul.u32 $0xF7A, s1;
	s8 =	simm.s32 @!p0 $0x1BF5;
	p2 =	por !p2, p0  }
0x20: {  	[sflag:s8] =	ssyncset.s32 @!p0 $0xFFFFF086;
	s6 =	sadd.s32 @!p0 s3, s7;
	s7 =	simm.s32 @!p0 $0x108  }
0x21: {  	s3 =	sadd.s32 s3, s9;
	s6 =	sadd.s32 @!p0 $0x88, s6;
	s7 =	simm.s32 @p2 $0x1082  }
0x22: {  	[simem:s7], [sflag:s8] =	dma.local @!p0 [hbm:s6], $0xF7A  }
0x23: {  	s9 =	sor.u32 $0xD0000000, s2;
	s6 =	simm.s32 $0x108;
	_ =	swait.ge @!p0 [sflag:s8], $0x0  }
0x24: {  	s3 =	sadd.s32 $0x88, s3;
	s6 =	simm.s32 @!p1 $0x1082;
	[sflag:s4] =	ssyncset.s32 $0xFFFFF086  }
0x25: {  	[simem:s6], [sflag:s4] =	dma.local [hbm:s3], $0xF7A  }
0x26: {  	[smem:$0x3F99] =	sst s1;
	(tag) =	ssettag s2;
	_ =	strace s9  }
0x27: {  	s1 =	sld [smem:$0x3FA9]  }
0x28: {  	s2 =	sld [smem:$0x3FAA]  }
0x29: {  	s4 =	sld [smem:$0x3FAC]  }
0x2a: {  	p0 =	seq.s32 s5, $0x0;
	s5 =	sld [smem:$0x3FAD]  }
0x2b: {  	s6 =	sld [smem:$0x3FAE]  }
0x2c: {  	s7 =	sld [smem:$0x3FAF]  }
0x2d: {  	s3 =	simm.s32 $0x108;
	s8 =	sld [smem:$0x3FB0]  }
0x2e: {  	s3 =	simm.s32 @!p0 $0x1082;
	s9 =	sld [smem:$0x3FB1]  }
0x2f: {  	lr =	sadd.s32 s0, s3;
	s0 =	sld [smem:$0x3FA8]  }
0x30: {  	s3 =	sld [smem:$0x3FAB]  }
0x31: {  	[smem:$0x3FB4] =	sst s10  }
0x32: {  	s10 =	sld [smem:$0x3FB2];
	_ =	sdelay $0x3  }
0x33: {  	p0 =	seq.s32 s10, $0x1;
	s10 =	sld [smem:$0x3FB4];
	_ =	sdelay $0x3  }
0x34: {  	[smem:$0x3FB4] =	sst s10  }
0x35: {  	s10 =	sld [smem:$0x3FB3];
	_ =	sdelay $0x3  }
0x36: {  	p1 =	seq.s32 s10, $0x1;
	s10 =	sld [smem:$0x3FB4];
	_ =	sdelay $0x3  }
0x37: {  	[smem:$0x3FB4] =	sst s10  }
0x38: {  	s10 =	sld [smem:$0x3FB5]  }
0x39: {  	_ = 	snop;
	(pc) =	sbr.ind lr, $3  }
0x3a: {  	_ = 	snop  }
0x3b: {  	_ = 	snop  }
0x3c: {  	p2 =	seq.s32 s10, $0x1;
	s10 =	sld [smem:$0x3FB4]  }
0x3d: {  	_ =	shalt  }
0x3e: {  	_ =	shalt  }
0x3f: {  	_ =	shalt  }
0x40: {  	_ =	shalt  }
0x41: {  	_ =	shalt  }
0x42: {  	_ =	shalt  }
0x43: {  	_ =	shalt  }
0x44: {  	_ =	shalt  }
0x45: {  	_ =	shalt  }
0x46: {  	_ =	shalt  }
0x47: {  	_ =	shalt  }
0x48: {  	_ =	shalt  }
0x49: {  	_ =	shalt  }
0x4a: {  	_ =	shalt  }
0x4b: {  	_ =	shalt  }
0x4c: {  	_ =	shalt  }
0x4d: {  	_ =	shalt  }
0x4e: {  	_ =	shalt  }
0x4f: {  	_ =	shalt  }
0x50: {  	_ =	shalt  }
0x51: {  	_ =	shalt  }
0x52: {  	_ =	shalt  }
0x53: {  	_ =	shalt  }
0x54: {  	_ =	shalt  }
0x55: {  	_ =	shalt  }
0x56: {  	_ =	shalt  }
0x57: {  	_ =	shalt  }
0x58: {  	_ =	shalt  }
0x59: {  	_ =	shalt  }
0x5a: {  	_ =	shalt  }
0x5b: {  	_ =	shalt  }
0x5c: {  	_ =	shalt  }
0x5d: {  	_ =	shalt  }
0x5e: {  	_ =	shalt  }
0x5f: {  	_ =	shalt  }
0x60: {  	_ =	shalt  }
0x61: {  	_ =	shalt  }
0x62: {  	_ =	shalt  }
0x63: {  	_ =	shalt  }
0x64: {  	_ =	shalt  }
0x65: {  	_ =	shalt  }
0x66: {  	_ =	shalt  }
0x67: {  	_ =	shalt  }
0x68: {  	_ =	shalt  }
0x69: {  	_ =	shalt  }
0x6a: {  	_ =	shalt  }
0x6b: {  	_ =	shalt  }
0x6c: {  	_ =	shalt  }
0x6d: {  	_ =	shalt  }
0x6e: {  	_ =	shalt  }
0x6f: {  	_ =	shalt  }
0x70: {  	_ =	shalt  }
0x71: {  	_ =	shalt  }
0x72: {  	_ =	shalt  }
0x73: {  	_ =	shalt  }
0x74: {  	_ =	shalt  }
0x75: {  	_ =	shalt  }
0x76: {  	_ =	shalt  }
0x77: {  	_ =	shalt  }
0x78: {  	_ =	shalt  }
0x79: {  	_ =	shalt  }
0x7a: {  	_ =	shalt  }
0x7b: {  	_ =	shalt  }
0x7c: {  	_ =	shalt  }
0x7d: {  	_ =	shalt  }
0x7e: {  	_ =	shalt  }
0x7f: {  	_ =	shalt  }
0x80: {  	_ =	shalt  }
0x81: {  	_ =	shalt  }
0x82: {  	_ =	shalt  }
0x83: {  	_ =	shalt  }
0x84: {  	_ =	shalt  }
0x85: {  	_ =	shalt  }
0x86: {  	_ =	shalt  }
0x87: {  	_ =	shalt  }
.Lfunc_end0:
.L_simem_size_0:
called_computation_lowered:
.L_overlay_start_0:
0x88: {  	s2 =	sld [smem:$0x3FD9]  }
0x89: {  	s3 =	sld [smem:$0x3FFE];
	_ =	sdelay $0x1  }
0x8a: {  	s1 =	srdreg.scid  }
0x8b: {  	s0 =	sand.u32 $0x1, s1  }
0x8c: {  	s16 =	sshll.u32 s0, $0xA;
	s2 =	sadd.s32 s3, s2  }
0x8d: {  	s2 =	sadd.s32 s2, s16  }
0x8e: {  	[smem:$0x3FC0] =	sst s2  }
0x8f: {  	_ = 	snop  }
0x90: {  	(tm) =	ssettm $0x1  }
0x91: {  	s17 =	sld [smem:$0x3FFB];
	_ =	sdelay $0x3  }
0x92: {  	_ =	strace s17  }
0x93: {  	s2 =	sld [smem:$0x3FFC];
	_ =	sdelay $0x3  }
0x94: {  	_ =	strace s2  }
0x95: {  	s2 =	sld [smem:$0x3FFD];
	_ =	sdelay $0x3  }
0x96: {  	_ =	strace s2  }
0x97: {  	_ =	strace $0x8FFFFFFF  }
0x98: {  	s18 =	sld [smem:$0x3FDB];
	_ =	sdelay $0x1  }
0x99: {  	s19 =	simm.s32 $_scs_section_size  }
0x9a: {  	s4 =	simm.s32 $_size__tile_overlayer_lowered;
	s5 =	simm.s32 $_tile_overlayer_lowered  }
0x9b: {  	s22 =	simm.s32 $0x1BFF;
	s21 =	sshll.u32 s5, $0x1;
	s2 =	sadd.s32 s19, s18  }
0x9c: {  	s6 =	simm.s32 $0x0;
	s20 =	sshll.u32 s4, $0x1;
	s4 =	sadd.s32 s21, s2  }
0x9d: {  	[timem:s6], [sflag:s22] =	dma.local [hbm:s4], s20  }
0x9e: {  	_ =	swait.ge [sflag:s22], s20  }
0x9f: {  	s3 =	ssub.s32 $0x0, s20;
	[sflag:s22] =	ssyncset.done $0x0  }
0xa0: {  	[sflag:s22] =	ssyncadd.s32 s3;
	_ =	sdelay $0x1  }
0xa1: {  	s23 =	simm.s32 $0x1B8B  }
0xa2: {  	_ =	swait.ge [sflag:s23], $0x1  }
0xa3: {  	[sflag:s23] =	ssyncset.done $0x0  }
0xa4: {  	s25 =	simm.s32 $0x1B8E;
	s24 =	sld [smem:$0x3FFE];
	[sflag:s23] =	ssyncadd.s32 $0xFFFFFFFF  }
0xa5: {  	s26 =	simm.s32 $execute0_lowered;
	[smem:$0x3FD2] =	sst s25  }
0xa6: {  	s4 =	sshll.u32 s26, $0x1;
	_ =	strace $0x80000046;
	[dreg:$0x1] =	wrdreg $0xFFFFFFFF  }
0xa7: {  	s28 =	simm.s32 $_size_execute0_lowered;
	s2 =	sadd.s32 s2, s4;
	[dreg:$0x0] =	wrdreg $0x0  }
0xa8: {  	s4 =	sshll.u32 s28, $0x1;
	[dreg:$0x2] =	wrdreg s2  }
0xa9: {  	[dreg:$0x3] =	wrdreg s4  }
0xaa: {  	[dreg:$0x4] =	wrdreg $0xC0  }
0xab: {  	_ =	task [dreg:s6], $0x5FFFF  }
0xac: {  	[dreg:$0x1] =	wrdreg $0xFFFFFFFF  }
0xad: {  	[dreg:$0x0] =	wrdreg $0x60  }
0xae: {  	[dreg:$0x2] =	wrdreg s24  }
0xaf: {  	[dreg:$0x3] =	wrdreg $0x9  }
0xb0: {  	_ =	task.clear_ibuf [dreg:s6], $0x4FFFF;
	_ =	strace $0x90000046  }
0xb1: {  	s29 =	simm.s32 $0x9;
	_ =	strace $0x80000048  }
0xb2: {  	_ =	swait.ge [sflag:s29], $0x1  }
0xb3: {  	[sflag:s29] =	ssyncadd.s32 $0xFFFFFFFF  }
0xb4: {  	_ =	strace $0x90000048  }
0xb5: {  	_ =	sfence  }
0xb6: {  	s30 =	sld [smem:$0x0];
	_ =	sdelay $0x2  }
0xb7: {  	s31 =	sshll.u32 s1, $0xD;
	s1 =	sshrl.u32 s1, $0x2  }
0xb8: {  	s3 =	sand.u32 $0x4000, s31;
	s1 =	sadd.s32 s1, s30  }
0xb9: {  	s0 =	sor.u32 s3, s0;
	s1 =	sshll.u32 s1, $0x11  }
0xba: {  	s0 =	sor.u32 s1, s0  }
0xbb: {  	s0 =	sadd.s32 $0x8F2B, s0  }
0xbc: {  	[sflag:s0] =	ssyncadd.remote.s32 $0x1  }
0xbd: {  	_ =	sfence.sel $0xFFFF  }
0xbe: {  	[dreg:$0x0] =	wrdreg $0xFFFFFFFF;
	(pc) =	sbr.abs _section_cstart, $3  }
0xbf: {  	[dreg:$0x1] =	wrdreg $0xFFFFFFFF  }
0xc0: {  	_ =	task.clear_ibuf [dreg:s6], $0x2FFFF;
	_ =	strace $0x9FFFFFFF  }
0xc1: {  	(tm) =	ssettm $0x7FFFFFFF  }
tec
execute0_lowered:
.L_overlay_start_1:
0x0: {  	(tag) =	ssettag $0x1  }
0x1: {  	s0 =	srdreg.scid  }
0x2: {  	s3 =	sand.u32 $0x1, s0  }
0x3: {  	s4 =	rddreg [dreg:$0x0];
	s0 =	stileid.u32;
	s1 =	sshll.u32 s3, $0x4  }
0x4: {  	s2 =	simm.s32 $0x0;
	s8 =	simm.s32 $0x0;
	s5 =	sor.u32 s0, s1  }
0x5: {  	[smem:$0x7FF] =	sst s2;
	s3 =	ssub.s32 $0x2, s3;
	s6 =	smul.u32 $0x500, s5  }
0x6: {  	s1 =	rddreg [dreg:$0x1];
	s7 =	sshrl.u32 s3, $0x1;
	s5 =	smul.u32 $0x4E4, s5  }
0x7: {  	_ =	strace $0x80000047;
	s31 =	ssub.s32 s3, s7;
	s7 =	simm.s32 $0x2800  }
0x8: {  	s6 =	sadd.s32 s6, s4;
	s4 =	sadd.s32 s5, s4;
	s5 =	smax.u32 s31, $0x1  }
0x9: {  	v0 =	vimm.f32 $0.0e+00;
	v1 =	vimm.f32 $1.000000000e+00;
	s3 =	sadd.s32 $0x1A00, s6;
	s4 =	sadd.s32 $0xBA00, s4;
	s6 =	simm.s32 $0x1  }
.LBB2_1:
0xa: {  	[tilespmem:s2], [sflag:$0x1] =	stream.linear.gather [hbm4b:s3+s2], $0x2800, $0x38;
	[tilespmem:$0x4F20] =	vst v63  }
0xb: {  	_ =	swait.ge [sflag:s6], $0x2800  }
0xc: {  	[sflag:s6] =	ssyncset.done $0x0  }
0xd: {  	s9 =	simm.s32 $0x0;
	[sflag:s6] =	ssyncadd.s32 $0xFFFFD800  }
.LBB2_2:
0xe: {  	p0 =	sne.s32 s9, $0x9C40  }
.Ltmp0:
0xf: {  	_ = 	snop;
	(pc) =	sbr.rel @p0 .LBB2_2-.Ltmp0, $3  }
0x10: {  	_ =	sdelay $0x1  }
0x11: {  	s10 =	sshra.s32 s9, $0x2  }
0x12: {  	s9 =	sadd.s32 $0x40, s9;
	[tilespmem:s10+$0x2800] =	vst v0  }
0x13: {  	s10 =	simm.s32 $0x0;
	s9 =	simm.s32 $0x40  }
.LBB2_4:
0x14: {  	p0 =	sne.s32 s9, $0x9FC0;
	v2 =	vld [tilespmem:s10+$0x0];
	_ =	sdelay $0x3  }
.Ltmp1:
0x15: {  	(pc) =	sbr.rel @p0 .LBB2_4-.Ltmp1, $2  }
0x16: {  	_ =	sdelay $0x2  }
0x17: {  	s10 =	sshra.s32 s9, $0x2;
	s9 =	sadd.s32 $0x40, s9;
	[tilespmem:v2+s7+$0x0] =	vst.idx.add.f32.msk $0xffff, v1  }
0x18: {  	v2 =	vld [tilespmem:s10+$0x0];
	_ =	sdelay $0x5  }
0x19: {  	s8 =	sadd.s32 $0x1, s8  }
0x1a: {  	p0 =	sne.s32 s8, s5  }
.Ltmp2:
0x1b: {  	[tilespmem:v2+s7+$0x0] =	vst.idx.add.f32.msk $0xffff, v1;
	(pc) =	sbr.rel @p0 .LBB2_1-.Ltmp2, $4  }
0x1c: {  	[hbm4b:s4+s2] =	stream.linear.scatter [tilespmem:s7], [sflag:$0x1], $0x2720, $0x38;
	[tilespmem:$0x4F20] =	vst v63  }
0x1d: {  	_ =	swait.ge [sflag:s6], $0x2720  }
0x1e: {  	[sflag:s6] =	ssyncset.done $0x0  }
0x1f: {  	[sflag:s6] =	ssyncadd.s32 $0xFFFFD8E0  }
0x20: {  	_ =	sfence.sel $0x180000  }
0x21: {  	[bflag:$0x0] =	sbarrier.arrive $0xFFFF  }
0x22: {  	p0 =	sne.s32 s0, $0x0;
	_ =	strace $0x90000047  }
0x23: {  	s0 =	sadd.s32 @!p0 $0x100000, s1;
	[bflag:$0x2] =	sbarrier.arrive $0xFFFF  }
0x24: {  	[sflag:s0] =	ssyncadd.tile.s32 @!p0 $0x1;
	_ =	shalt  }
.Lfunc_end2:
_tile_overlayer_lowered:
.L_overlay_start_2:
0x25: {  	(tag) =	ssettag $0x2  }
0x26: {  	s0 =	rddreg [dreg:$0x0];
	s2 =	stileid.u32  }
0x27: {  	s1 =	rddreg [dreg:$0x1];
	p0 =	sne.s32 s2, $0x0  }
0x28: {  	s3 =	rddreg [dreg:$0x2];
	[bflag:$0x3] =	sbarrier.arrive $0xFFFF;
	s2 =	simm.s32 @!p0 $0x1C01  }
0x29: {  	[timem:s3], [sflag:s2] =	dma.local @!p0 [hbm:s0], s1  }
0x2a: {  	s0 =	simm.s32 @!p0 $0x1  }
0x2b: {  	_ =	swait.ge @!p0 [sflag:s0], s1  }
0x2c: {  	s1 =	ssub.s32 @!p0 $0x0, s1;
	[sflag:s0] =	ssyncset.done @!p0 $0x0  }
0x2d: {  	[sflag:s0] =	ssyncadd.s32 @!p0 s1  }
0x2e: {  	[bflag:$0x3] =	sbarrier.arrive $0xFFFF  }
0x2f: {  	_ =	shalt  }

</sc_bundles>
